<compile_context>
chip_gen: v7x
topology: tpu7x:2x2x1
jax: 0.10.2.dev20260603
libtpu: 0.0.44.dev20260713+nightly
codegen_flags: <defaults>
</compile_context>

<pallas_src>
import functools

import jax
import jax.numpy as jnp
from jax import lax
from jax.experimental import pallas as pl
from jax.experimental.pallas import tpu as pltpu
from jax.experimental.pallas import tpu_sc as plsc

_B_TOK = 16384
_T = 50
_D = 64
_B = _B_TOK * _T
_NC = 2
_NS = 16
_NW = _NC * _NS
_B_PER_W = _B // _NW
_CHUNK = 256
_DW = 128
_N_CHUNKS = _B_PER_W // _CHUNK
_L = 16

_mesh = plsc.VectorSubcoreMesh(core_axis_name="c", subcore_axis_name="s")


@functools.partial(
    pl.kernel,
    mesh=_mesh,
    out_type=jax.ShapeDtypeStruct((_T, _D, _B_TOK), jnp.float32),
    scratch_types=[
        pltpu.VMEM((_CHUNK,), jnp.int32),
        pltpu.VMEM((_CHUNK,), jnp.int32),
        pltpu.VMEM((_CHUNK, _DW), jnp.float32),
        pltpu.VMEM((_CHUNK, _DW), jnp.float32),
        pltpu.VMEM((_D, _CHUNK + 8), jnp.float32),
        pltpu.SemaphoreType.DMA,
        pltpu.SemaphoreType.DMA,
        pltpu.SemaphoreType.DMA,
    ],
    compiler_params=pltpu.CompilerParams(
        use_tc_tiling_on_sc=True, needs_layout_passes=False),
)
def _gather_rows(idx_hbm, table_hbm, out_hbm,
                 idx0, idx1, rows0, rows1, rows_t, gs0, gs1, ss):
    wid = lax.axis_index("s") * _NC + lax.axis_index("c")
    base = wid * _B_PER_W
    bufs = ((idx0, rows0, gs0), (idx1, rows1, gs1))
    iota = lax.iota(jnp.int32, _L)

    def load_idx(c, idx_v):
        pltpu.sync_copy(idx_hbm.at[pl.ds(base + c * _CHUNK, _CHUNK)], idx_v)

    def fire_gather(idx_v, rows_v, sem):
        pltpu.async_copy(table_hbm.at[idx_v], rows_v, sem)

    def wait_gather(idx_v, rows_v, sem):
        pltpu.make_async_copy(table_hbm.at[idx_v], rows_v, sem).wait()

    def out_slice(c):
        fl = base + c * _CHUNK
        return out_hbm.at[fl // _B_TOK, :, pl.ds(fl % _B_TOK, _CHUNK)]

    def transpose_chunk(rows_v):
        for d0 in range(0, _D, _L):
            dvec = iota + d0

            @plsc.parallel_loop(0, _CHUNK, unroll=8)
            def _r(r):
                vals = rows_v.at[r][pl.ds(d0, _L)]
                plsc.store_scatter(
                    rows_t, [dvec, jnp.full((_L,), r, jnp.int32)], vals)

    for b, (idx_v, rows_v, gsem) in enumerate(bufs):
        load_idx(b, idx_v)
        fire_gather(idx_v, rows_v, gsem)

    @pl.loop(0, _N_CHUNKS - 2, step=2)
    def _pair(i):
        for b, (idx_v, rows_v, gsem) in enumerate(bufs):
            c = i + b
            wait_gather(idx_v, rows_v, gsem)

            @pl.when(c > 0)
            def _():
                pltpu.make_async_copy(rows_t.at[:, pl.ds(0, _CHUNK)], out_slice(c), ss).wait()

            transpose_chunk(rows_v)
            pltpu.async_copy(rows_t.at[:, pl.ds(0, _CHUNK)], out_slice(c), ss)
            load_idx(c + 2, idx_v)
            fire_gather(idx_v, rows_v, gsem)

    for b, (idx_v, rows_v, gsem) in enumerate(bufs):
        c = _N_CHUNKS - 2 + b
        wait_gather(idx_v, rows_v, gsem)
        pltpu.make_async_copy(rows_t.at[:, pl.ds(0, _CHUNK)], out_slice(c), ss).wait()
        transpose_chunk(rows_v)
        pltpu.async_copy(rows_t.at[:, pl.ds(0, _CHUNK)], out_slice(c), ss)
    pltpu.make_async_copy(rows_t.at[:, pl.ds(0, _CHUNK)], out_slice(_N_CHUNKS - 1), ss).wait()


def kernel(token_ids, weight):
    idx = token_ids.T.ravel().astype(jnp.int32)
    weight_p = jnp.pad(weight, ((0, 0), (0, _DW - _D)))
    out_p = _gather_rows(idx, weight_p)
    return jnp.transpose(out_p, (2, 0, 1))

# --- scband reference (transcript-rebuilt; emitter-appended) ---
"""Pipeline reference for scband-embedding-32049045962831 (READ-ONLY COPY).

The authoritative reference and input builder live on the scoring server;
editing this copy changes nothing except your own understanding.
"""

import jax, jax.numpy as jnp
import numpy as np

NUM_EMBEDDINGS = 1000000
EMBEDDING_DIM = 64


def _trunc_normal(key, shape, std=1.0, a=-3.0, b=3.0):
    # truncated normal in [a*std, b*std] with mean 0, std ~ std
    u = jax.random.truncated_normal(key, a, b, shape, dtype=jnp.float32)
    return u * std


def setup_inputs(seed: int = 0) -> dict:
    key = jax.random.key(seed)
    k_idx, k_w = jax.random.split(key)
    token_ids = jax.random.randint(k_idx, (16384, 50), 0, NUM_EMBEDDINGS, dtype=jnp.int64 if jax.config.jax_enable_x64 else jnp.int32)
    weight = _trunc_normal(k_w, (NUM_EMBEDDINGS, EMBEDDING_DIM), std=1.0)
    return {"token_ids": token_ids, "weight": weight}


def reference(token_ids, weight):
    # Faithful translation of: return self.weight[token_ids]
    return jnp.take(weight, token_ids, axis=0)

if __name__ == "__main__":
    import jax
    _d = setup_inputs()
    print(jax.jit(kernel)(*tuple(_d.values())))

</pallas_src>

<mosaic_0001>
#map = affine_map<(d0, d1) -> (0)>
#map1 = affine_map<(d0, d1) -> (0, 0)>
#map2 = affine_map<(d0, d1) -> (0, 0, 0)>
module attributes {stable_mosaic.version = 14 : i64} {
  func.func @_gather_rows(%arg0: i32, %arg1: i32, %arg2: memref<819200xi32, #tpu.memory_space<hbm>>, %arg3: memref<1000000x128xf32, #tpu.memory_space<hbm>>, %arg4: memref<50x64x16384xf32, #tpu.memory_space<hbm>>, %arg5: memref<256xi32, #tpu.memory_space<vmem>>, %arg6: memref<256xi32, #tpu.memory_space<vmem>>, %arg7: memref<256x128xf32, #tpu.memory_space<vmem>>, %arg8: memref<256x128xf32, #tpu.memory_space<vmem>>, %arg9: memref<64x264xf32, #tpu.memory_space<vmem>>, %arg10: memref<!tpu.dma_semaphore, #tpu.memory_space<semaphore_mem>>, %arg11: memref<!tpu.dma_semaphore, #tpu.memory_space<semaphore_mem>>, %arg12: memref<!tpu.dma_semaphore, #tpu.memory_space<semaphore_mem>>) attributes {dimension_semantics = [#tpu.dimension_semantics<core_parallel>, #tpu.dimension_semantics<subcore_parallel>], iteration_bounds = array<i64: 2, 16>, scalar_prefetch = 0 : i64, scratch_operands = 8 : i64, tpu.core_type = #tpu.core_type<sc_vector_subcore>, window_params = [{transform_indices = #map}, {transform_indices = #map1}, {transform_indices = #map2}]} {
    %mul3A = arith.constant 2 : i32
    %mul3A_0 = arith.muli %arg1, %mul3A : i32
    %add3A = arith.addi %mul3A_0, %arg0 : i32
    %mul3A_1 = arith.constant 25600 : i32
    %mul3A_2 = arith.muli %add3A, %mul3A_1 : i32
    %iota3A = tpu.iota {dimensions = array<i32: 0>} : vector<16xi32>
    %add3A_3 = arith.constant 0 : i32
    %add3A_4 = arith.addi %mul3A_2, %add3A_3 : i32
    "tpu.region"() ({
      %run_scoped3A = tpu.sem_alloc : memref<!tpu.dma_semaphore, #tpu.memory_space<semaphore_mem>>
      %dma_start3A_328 = tpu.memref_slice %arg2[%add3A_4] : memref<819200xi32, #tpu.memory_space<hbm>> -> memref<256xi32, #tpu.memory_space<hbm>>
      %dma_start3A_329 = tpu.memref_slice %arg2[%add3A_4] : memref<819200xi32, #tpu.memory_space<hbm>> -> memref<256xi32, #tpu.memory_space<hbm>>
      tpu.enqueue_dma source(%dma_start3A_329 : memref<256xi32, #tpu.memory_space<hbm>>) target(%arg5 : memref<256xi32, #tpu.memory_space<vmem>>) target_semaphore(%run_scoped3A : memref<!tpu.dma_semaphore, #tpu.memory_space<semaphore_mem>>)
      %dma_wait3A_330 = tpu.memref_slice %arg2[%add3A_4] : memref<819200xi32, #tpu.memory_space<hbm>> -> memref<256xi32, #tpu.memory_space<hbm>>
      %dma_wait3A_331 = tpu.memref_slice %arg2[%add3A_4] : memref<819200xi32, #tpu.memory_space<hbm>> -> memref<256xi32, #tpu.memory_space<hbm>>
      tpu.wait_dma2 semaphore(%run_scoped3A : memref<!tpu.dma_semaphore, #tpu.memory_space<semaphore_mem>>) src(%dma_wait3A_331 : memref<256xi32, #tpu.memory_space<hbm>>) dst(%arg5 : memref<256xi32, #tpu.memory_space<vmem>>)
      tpu.yield
    }) : () -> ()
    %dma_start3A = arith.constant 0 : i32
    %dma_start3A_5 = arith.constant 0 : i32
    %dma_start3A_6 = tpu.memref_slice %arg3[%dma_start3A, %dma_start3A_5] : memref<1000000x128xf32, #tpu.memory_space<hbm>> -> memref<1000000x128xf32, #tpu.memory_space<hbm>>
    tpu.enqueue_indirect_dma source(%dma_start3A_6 : memref<1000000x128xf32, #tpu.memory_space<hbm>>) target(%arg7 : memref<256x128xf32, #tpu.memory_space<vmem>>) offsets(%arg5 : memref<256xi32, #tpu.memory_space<vmem>>) semaphore(%arg10 : memref<!tpu.dma_semaphore, #tpu.memory_space<semaphore_mem>>)
    %add3A_7 = arith.constant 256 : i32
    %add3A_8 = arith.addi %mul3A_2, %add3A_7 : i32
    "tpu.region"() ({
      %run_scoped3A = tpu.sem_alloc : memref<!tpu.dma_semaphore, #tpu.memory_space<semaphore_mem>>
      %dma_start3A_328 = tpu.memref_slice %arg2[%add3A_8] : memref<819200xi32, #tpu.memory_space<hbm>> -> memref<256xi32, #tpu.memory_space<hbm>>
      %dma_start3A_329 = tpu.memref_slice %arg2[%add3A_8] : memref<819200xi32, #tpu.memory_space<hbm>> -> memref<256xi32, #tpu.memory_space<hbm>>
      tpu.enqueue_dma source(%dma_start3A_329 : memref<256xi32, #tpu.memory_space<hbm>>) target(%arg6 : memref<256xi32, #tpu.memory_space<vmem>>) target_semaphore(%run_scoped3A : memref<!tpu.dma_semaphore, #tpu.memory_space<semaphore_mem>>)
      %dma_wait3A_330 = tpu.memref_slice %arg2[%add3A_8] : memref<819200xi32, #tpu.memory_space<hbm>> -> memref<256xi32, #tpu.memory_space<hbm>>
      %dma_wait3A_331 = tpu.memref_slice %arg2[%add3A_8] : memref<819200xi32, #tpu.memory_space<hbm>> -> memref<256xi32, #tpu.memory_space<hbm>>
      tpu.wait_dma2 semaphore(%run_scoped3A : memref<!tpu.dma_semaphore, #tpu.memory_space<semaphore_mem>>) src(%dma_wait3A_331 : memref<256xi32, #tpu.memory_space<hbm>>) dst(%arg6 : memref<256xi32, #tpu.memory_space<vmem>>)
      tpu.yield
    }) : () -> ()
    %dma_start3A_9 = arith.constant 0 : i32
    %dma_start3A_10 = arith.constant 0 : i32
    %dma_start3A_11 = tpu.memref_slice %arg3[%dma_start3A_9, %dma_start3A_10] : memref<1000000x128xf32, #tpu.memory_space<hbm>> -> memref<1000000x128xf32, #tpu.memory_space<hbm>>
    tpu.enqueue_indirect_dma source(%dma_start3A_11 : memref<1000000x128xf32, #tpu.memory_space<hbm>>) target(%arg8 : memref<256x128xf32, #tpu.memory_space<vmem>>) offsets(%arg6 : memref<256xi32, #tpu.memory_space<vmem>>) semaphore(%arg11 : memref<!tpu.dma_semaphore, #tpu.memory_space<semaphore_mem>>)
    %scan3A = arith.constant 0 : i32
    %scan3A_12 = arith.constant 49 : i32
    %scan3A_13 = arith.addi %scan3A, %scan3A_12 : i32
    %scan3A_14 = arith.constant 1 : i32
    scf.for %scan3A_328 = %scan3A to %scan3A_13 step %scan3A_14  : i32 {
      %mul3A_329 = arith.constant 2 : i32
      %mul3A_330 = arith.muli %scan3A_328, %mul3A_329 : i32
      %add3A_331 = arith.constant 0 : i32
      %add3A_332 = arith.addi %add3A_331, %mul3A_330 : i32
      %add3A_333 = arith.constant 0 : i32
      %add3A_334 = arith.addi %add3A_332, %add3A_333 : i32
      %dma_wait3A_335 = arith.constant 0 : i32
      %dma_wait3A_336 = arith.constant 0 : i32
      %dma_wait3A_337 = tpu.memref_slice %arg3[%dma_wait3A_335, %dma_wait3A_336] : memref<1000000x128xf32, #tpu.memory_space<hbm>> -> memref<1000000x128xf32, #tpu.memory_space<hbm>>
      tpu.wait_indirect_dma semaphore(%arg10 : memref<!tpu.dma_semaphore, #tpu.memory_space<semaphore_mem>>) src(%dma_wait3A_337 : memref<1000000x128xf32, #tpu.memory_space<hbm>>) dst(%arg7 : memref<256x128xf32, #tpu.memory_space<vmem>>)
      %gt3A = arith.constant 0 : i32
      %gt3A_338 = arith.cmpi sgt, %add3A_334, %gt3A : i32
      %convert_element_type3A = arith.extui %gt3A_338 : i1 to i32
      %cond3A = arith.constant 0 : i32
      %cond3A_339 = arith.cmpi ne, %convert_element_type3A, %cond3A : i32
      scf.if %cond3A_339 {
        %mul3A_524 = arith.constant 256 : i32
        %mul3A_525 = arith.muli %add3A_334, %mul3A_524 : i32
        %add3A_526 = arith.addi %mul3A_2, %mul3A_525 : i32
        %jit3A_527 = arith.constant 16384 : i32
        %div3A_528 = arith.divsi %add3A_526, %jit3A_527 : i32
        %sign3A_529 = arith.constant 0 : i32
        %sign3A_530 = arith.cmpi sgt, %add3A_526, %sign3A_529 : i32
        %sign3A_531 = arith.extui %sign3A_530 : i1 to i32
        %sign3A_532 = arith.constant 0 : i32
        %sign3A_533 = arith.cmpi slt, %add3A_526, %sign3A_532 : i32
        %sign3A_534 = arith.extui %sign3A_533 : i1 to i32
        %sign3A_535 = arith.subi %sign3A_531, %sign3A_534 : i32
        %sign3A_536 = arith.constant 0 : i32
        %sign3A_537 = arith.cmpi sgt, %jit3A_527, %sign3A_536 : i32
        %sign3A_538 = arith.extui %sign3A_537 : i1 to i32
        %sign3A_539 = arith.constant 0 : i32
        %sign3A_540 = arith.cmpi slt, %jit3A_527, %sign3A_539 : i32
        %sign3A_541 = arith.extui %sign3A_540 : i1 to i32
        %sign3A_542 = arith.subi %sign3A_538, %sign3A_541 : i32
        %ne3A_543 = arith.cmpi ne, %sign3A_535, %sign3A_542 : i32
        %rem3A_544 = arith.remsi %add3A_526, %jit3A_527 : i32
        %ne3A_545 = arith.constant 0 : i32
        %ne3A_546 = arith.cmpi ne, %rem3A_544, %ne3A_545 : i32
        %and3A_547 = arith.andi %ne3A_543, %ne3A_546 : i1
        %sub3A_548 = arith.constant 1 : i32
        %sub3A_549 = arith.subi %div3A_528, %sub3A_548 : i32
        %select_n3A_550 = arith.select %and3A_547, %sub3A_549, %div3A_528 : i32
        %jit3A_551 = arith.constant 16384 : i32
        %eq3A_552 = arith.constant 0 : i32
        %eq3A_553 = arith.cmpi eq, %jit3A_551, %eq3A_552 : i32
        %jit3A_554 = arith.constant 1 : i32
        %select_n3A_555 = arith.select %eq3A_553, %jit3A_554, %jit3A_551 : i32
        %rem3A_556 = arith.remsi %add3A_526, %select_n3A_555 : i32
        %ne3A_557 = arith.constant 0 : i32
        %ne3A_558 = arith.cmpi ne, %rem3A_556, %ne3A_557 : i32
        %lt3A_559 = arith.constant 0 : i32
        %lt3A_560 = arith.cmpi slt, %rem3A_556, %lt3A_559 : i32
        %lt3A_561 = arith.constant 0 : i32
        %lt3A_562 = arith.cmpi slt, %select_n3A_555, %lt3A_561 : i32
        %ne3A_563 = arith.xori %lt3A_560, %lt3A_562 : i1
        %and3A_564 = arith.andi %ne3A_563, %ne3A_558 : i1
        %add3A_565 = arith.addi %rem3A_556, %select_n3A_555 : i32
        %select_n3A_566 = arith.select %and3A_564, %add3A_565, %rem3A_556 : i32
        %dma_wait3A_567 = arith.constant 0 : i32
        %dma_wait3A_568 = arith.constant 0 : i32
        %dma_wait3A_569 = tpu.memref_slice %arg9[%dma_wait3A_567, %dma_wait3A_568] : memref<64x264xf32, #tpu.memory_space<vmem>> -> memref<64x256xf32, #tpu.memory_space<vmem>>
        %dma_wait3A_570 = arith.constant 0 : i32
        %dma_wait3A_571 = tpu.memref_slice %arg4[%select_n3A_550, %dma_wait3A_570, %select_n3A_566] : memref<50x64x16384xf32, #tpu.memory_space<hbm>> -> memref<1x64x256xf32, #tpu.memory_space<hbm>>
        %dma_wait3A_572 = tpu.memref_squeeze %dma_wait3A_571 : memref<1x64x256xf32, #tpu.memory_space<hbm>> -> memref<64x256xf32, #tpu.memory_space<hbm>>
        %dma_wait3A_573 = arith.constant 0 : i32
        %dma_wait3A_574 = tpu.memref_slice %arg4[%select_n3A_550, %dma_wait3A_573, %select_n3A_566] : memref<50x64x16384xf32, #tpu.memory_space<hbm>> -> memref<1x64x256xf32, #tpu.memory_space<hbm>>
        %dma_wait3A_575 = tpu.memref_squeeze %dma_wait3A_574 : memref<1x64x256xf32, #tpu.memory_space<hbm>> -> memref<64x256xf32, #tpu.memory_space<hbm>>
        %dma_wait3A_576 = arith.constant 0 : i32
        %dma_wait3A_577 = arith.constant 0 : i32
        %dma_wait3A_578 = tpu.memref_slice %arg9[%dma_wait3A_576, %dma_wait3A_577] : memref<64x264xf32, #tpu.memory_space<vmem>> -> memref<64x256xf32, #tpu.memory_space<vmem>>
        tpu.wait_dma2 semaphore(%arg12 : memref<!tpu.dma_semaphore, #tpu.memory_space<semaphore_mem>>) src(%dma_wait3A_578 : memref<64x256xf32, #tpu.memory_space<vmem>>) dst(%dma_wait3A_575 : memref<64x256xf32, #tpu.memory_space<hbm>>)
      } else {
      }
      %add3A_340 = arith.constant 0 : i32
      %add3A_341 = vector.broadcast %add3A_340 : i32 to vector<16xi32>
      %add3A_342 = arith.addi %iota3A, %add3A_341 : vector<16xi32>
      %parallel_loop3A_343 = arith.constant 0 : i32
      %parallel_loop3A_344 = arith.constant 256 : i32
      %parallel_loop3A_345 = arith.constant 1 : i32
      scf.for %parallel_loop3A_524 = %parallel_loop3A_343 to %parallel_loop3A_344 step %parallel_loop3A_345  : i32 {
        %parallel_loop3A_525 = arith.constant 0 : i32
        %parallel_loop3A_526 = tpu.memref_slice %arg7[%parallel_loop3A_524, %parallel_loop3A_525] : memref<256x128xf32, #tpu.memory_space<vmem>> -> memref<1x128xf32, #tpu.memory_space<vmem>>
        %parallel_loop3A_527 = tpu.memref_squeeze %parallel_loop3A_526 : memref<1x128xf32, #tpu.memory_space<vmem>> -> memref<128xf32, #tpu.memory_space<vmem>>
        %parallel_loop3A_528 = arith.constant 0 : index
        %parallel_loop3A_529 = tpu.vector_load %parallel_loop3A_527[%parallel_loop3A_528] {strides = array<i32>} : memref<128xf32, #tpu.memory_space<vmem>>, vector<16xf32>,
        %parallel_loop3A_530 = vector.broadcast %parallel_loop3A_524 : i32 to vector<16xi32>
        tpu.vector_store_idx %arg9[%add3A_342, %parallel_loop3A_530], %parallel_loop3A_529 : memref<64x264xf32, #tpu.memory_space<vmem>>[vector<16xi32>, vector<16xi32>], vector<16xf32>,
      } {sc.loop_unroll_factor = 8 : i64, sc.parallel_access}
      %add3A_346 = arith.constant 16 : i32
      %add3A_347 = vector.broadcast %add3A_346 : i32 to vector<16xi32>
      %add3A_348 = arith.addi %iota3A, %add3A_347 : vector<16xi32>
      %parallel_loop3A_349 = arith.constant 0 : i32
      %parallel_loop3A_350 = arith.constant 256 : i32
      %parallel_loop3A_351 = arith.constant 1 : i32
      scf.for %parallel_loop3A_524 = %parallel_loop3A_349 to %parallel_loop3A_350 step %parallel_loop3A_351  : i32 {
        %parallel_loop3A_525 = arith.constant 0 : i32
        %parallel_loop3A_526 = tpu.memref_slice %arg7[%parallel_loop3A_524, %parallel_loop3A_525] : memref<256x128xf32, #tpu.memory_space<vmem>> -> memref<1x128xf32, #tpu.memory_space<vmem>>
        %parallel_loop3A_527 = tpu.memref_squeeze %parallel_loop3A_526 : memref<1x128xf32, #tpu.memory_space<vmem>> -> memref<128xf32, #tpu.memory_space<vmem>>
        %parallel_loop3A_528 = arith.constant 16 : index
        %parallel_loop3A_529 = tpu.vector_load %parallel_loop3A_527[%parallel_loop3A_528] {strides = array<i32>} : memref<128xf32, #tpu.memory_space<vmem>>, vector<16xf32>,
        %parallel_loop3A_530 = vector.broadcast %parallel_loop3A_524 : i32 to vector<16xi32>
        tpu.vector_store_idx %arg9[%add3A_348, %parallel_loop3A_530], %parallel_loop3A_529 : memref<64x264xf32, #tpu.memory_space<vmem>>[vector<16xi32>, vector<16xi32>], vector<16xf32>,
      } {sc.loop_unroll_factor = 8 : i64, sc.parallel_access}
      %add3A_352 = arith.constant 32 : i32
      %add3A_353 = vector.broadcast %add3A_352 : i32 to vector<16xi32>
      %add3A_354 = arith.addi %iota3A, %add3A_353 : vector<16xi32>
      %parallel_loop3A_355 = arith.constant 0 : i32
      %parallel_loop3A_356 = arith.constant 256 : i32
      %parallel_loop3A_357 = arith.constant 1 : i32
      scf.for %parallel_loop3A_524 = %parallel_loop3A_355 to %parallel_loop3A_356 step %parallel_loop3A_357  : i32 {
        %parallel_loop3A_525 = arith.constant 0 : i32
        %parallel_loop3A_526 = tpu.memref_slice %arg7[%parallel_loop3A_524, %parallel_loop3A_525] : memref<256x128xf32, #tpu.memory_space<vmem>> -> memref<1x128xf32, #tpu.memory_space<vmem>>
        %parallel_loop3A_527 = tpu.memref_squeeze %parallel_loop3A_526 : memref<1x128xf32, #tpu.memory_space<vmem>> -> memref<128xf32, #tpu.memory_space<vmem>>
        %parallel_loop3A_528 = arith.constant 32 : index
        %parallel_loop3A_529 = tpu.vector_load %parallel_loop3A_527[%parallel_loop3A_528] {strides = array<i32>} : memref<128xf32, #tpu.memory_space<vmem>>, vector<16xf32>,
        %parallel_loop3A_530 = vector.broadcast %parallel_loop3A_524 : i32 to vector<16xi32>
        tpu.vector_store_idx %arg9[%add3A_354, %parallel_loop3A_530], %parallel_loop3A_529 : memref<64x264xf32, #tpu.memory_space<vmem>>[vector<16xi32>, vector<16xi32>], vector<16xf32>,
      } {sc.loop_unroll_factor = 8 : i64, sc.parallel_access}
      %add3A_358 = arith.constant 48 : i32
      %add3A_359 = vector.broadcast %add3A_358 : i32 to vector<16xi32>
      %add3A_360 = arith.addi %iota3A, %add3A_359 : vector<16xi32>
      %parallel_loop3A_361 = arith.constant 0 : i32
      %parallel_loop3A_362 = arith.constant 256 : i32
      %parallel_loop3A_363 = arith.constant 1 : i32
      scf.for %parallel_loop3A_524 = %parallel_loop3A_361 to %parallel_loop3A_362 step %parallel_loop3A_363  : i32 {
        %parallel_loop3A_525 = arith.constant 0 : i32
        %parallel_loop3A_526 = tpu.memref_slice %arg7[%parallel_loop3A_524, %parallel_loop3A_525] : memref<256x128xf32, #tpu.memory_space<vmem>> -> memref<1x128xf32, #tpu.memory_space<vmem>>
        %parallel_loop3A_527 = tpu.memref_squeeze %parallel_loop3A_526 : memref<1x128xf32, #tpu.memory_space<vmem>> -> memref<128xf32, #tpu.memory_space<vmem>>
        %parallel_loop3A_528 = arith.constant 48 : index
        %parallel_loop3A_529 = tpu.vector_load %parallel_loop3A_527[%parallel_loop3A_528] {strides = array<i32>} : memref<128xf32, #tpu.memory_space<vmem>>, vector<16xf32>,
        %parallel_loop3A_530 = vector.broadcast %parallel_loop3A_524 : i32 to vector<16xi32>
        tpu.vector_store_idx %arg9[%add3A_360, %parallel_loop3A_530], %parallel_loop3A_529 : memref<64x264xf32, #tpu.memory_space<vmem>>[vector<16xi32>, vector<16xi32>], vector<16xf32>,
      } {sc.loop_unroll_factor = 8 : i64, sc.parallel_access}
      %mul3A_364 = arith.constant 256 : i32
      %mul3A_365 = arith.muli %add3A_334, %mul3A_364 : i32
      %add3A_366 = arith.addi %mul3A_2, %mul3A_365 : i32
      %jit3A_367 = arith.constant 16384 : i32
      %div3A_368 = arith.divsi %add3A_366, %jit3A_367 : i32
      %sign3A_369 = arith.constant 0 : i32
      %sign3A_370 = arith.cmpi sgt, %add3A_366, %sign3A_369 : i32
      %sign3A_371 = arith.extui %sign3A_370 : i1 to i32
      %sign3A_372 = arith.constant 0 : i32
      %sign3A_373 = arith.cmpi slt, %add3A_366, %sign3A_372 : i32
      %sign3A_374 = arith.extui %sign3A_373 : i1 to i32
      %sign3A_375 = arith.subi %sign3A_371, %sign3A_374 : i32
      %sign3A_376 = arith.constant 0 : i32
      %sign3A_377 = arith.cmpi sgt, %jit3A_367, %sign3A_376 : i32
      %sign3A_378 = arith.extui %sign3A_377 : i1 to i32
      %sign3A_379 = arith.constant 0 : i32
      %sign3A_380 = arith.cmpi slt, %jit3A_367, %sign3A_379 : i32
      %sign3A_381 = arith.extui %sign3A_380 : i1 to i32
      %sign3A_382 = arith.subi %sign3A_378, %sign3A_381 : i32
      %ne3A_383 = arith.cmpi ne, %sign3A_375, %sign3A_382 : i32
      %rem3A_384 = arith.remsi %add3A_366, %jit3A_367 : i32
      %ne3A_385 = arith.constant 0 : i32
      %ne3A_386 = arith.cmpi ne, %rem3A_384, %ne3A_385 : i32
      %and3A_387 = arith.andi %ne3A_383, %ne3A_386 : i1
      %sub3A_388 = arith.constant 1 : i32
      %sub3A_389 = arith.subi %div3A_368, %sub3A_388 : i32
      %select_n3A_390 = arith.select %and3A_387, %sub3A_389, %div3A_368 : i32
      %jit3A_391 = arith.constant 16384 : i32
      %eq3A_392 = arith.constant 0 : i32
      %eq3A_393 = arith.cmpi eq, %jit3A_391, %eq3A_392 : i32
      %jit3A_394 = arith.constant 1 : i32
      %select_n3A_395 = arith.select %eq3A_393, %jit3A_394, %jit3A_391 : i32
      %rem3A_396 = arith.remsi %add3A_366, %select_n3A_395 : i32
      %ne3A_397 = arith.constant 0 : i32
      %ne3A_398 = arith.cmpi ne, %rem3A_396, %ne3A_397 : i32
      %lt3A_399 = arith.constant 0 : i32
      %lt3A_400 = arith.cmpi slt, %rem3A_396, %lt3A_399 : i32
      %lt3A_401 = arith.constant 0 : i32
      %lt3A_402 = arith.cmpi slt, %select_n3A_395, %lt3A_401 : i32
      %ne3A_403 = arith.xori %lt3A_400, %lt3A_402 : i1
      %and3A_404 = arith.andi %ne3A_403, %ne3A_398 : i1
      %add3A_405 = arith.addi %rem3A_396, %select_n3A_395 : i32
      %select_n3A_406 = arith.select %and3A_404, %add3A_405, %rem3A_396 : i32
      %dma_start3A_407 = arith.constant 0 : i32
      %dma_start3A_408 = arith.constant 0 : i32
      %dma_start3A_409 = tpu.memref_slice %arg9[%dma_start3A_407, %dma_start3A_408] : memref<64x264xf32, #tpu.memory_space<vmem>> -> memref<64x256xf32, #tpu.memory_space<vmem>>
      %dma_start3A_410 = arith.constant 0 : i32
      %dma_start3A_411 = tpu.memref_slice %arg4[%select_n3A_390, %dma_start3A_410, %select_n3A_406] : memref<50x64x16384xf32, #tpu.memory_space<hbm>> -> memref<1x64x256xf32, #tpu.memory_space<hbm>>
      %dma_start3A_412 = tpu.memref_squeeze %dma_start3A_411 : memref<1x64x256xf32, #tpu.memory_space<hbm>> -> memref<64x256xf32, #tpu.memory_space<hbm>>
      %dma_start3A_413 = arith.constant 0 : i32
      %dma_start3A_414 = tpu.memref_slice %arg4[%select_n3A_390, %dma_start3A_413, %select_n3A_406] : memref<50x64x16384xf32, #tpu.memory_space<hbm>> -> memref<1x64x256xf32, #tpu.memory_space<hbm>>
      %dma_start3A_415 = tpu.memref_squeeze %dma_start3A_414 : memref<1x64x256xf32, #tpu.memory_space<hbm>> -> memref<64x256xf32, #tpu.memory_space<hbm>>
      %dma_start3A_416 = arith.constant 0 : i32
      %dma_start3A_417 = arith.constant 0 : i32
      %dma_start3A_418 = tpu.memref_slice %arg9[%dma_start3A_416, %dma_start3A_417] : memref<64x264xf32, #tpu.memory_space<vmem>> -> memref<64x256xf32, #tpu.memory_space<vmem>>
      tpu.enqueue_dma source(%dma_start3A_418 : memref<64x256xf32, #tpu.memory_space<vmem>>) target(%dma_start3A_415 : memref<64x256xf32, #tpu.memory_space<hbm>>) target_semaphore(%arg12 : memref<!tpu.dma_semaphore, #tpu.memory_space<semaphore_mem>>)
      %add3A_419 = arith.constant 2 : i32
      %add3A_420 = arith.addi %add3A_334, %add3A_419 : i32
      %mul3A_421 = arith.constant 256 : i32
      %mul3A_422 = arith.muli %add3A_420, %mul3A_421 : i32
      %add3A_423 = arith.addi %mul3A_2, %mul3A_422 : i32
      "tpu.region"() ({
        %run_scoped3A = tpu.sem_alloc : memref<!tpu.dma_semaphore, #tpu.memory_space<semaphore_mem>>
        %dma_start3A_524 = tpu.memref_slice %arg2[%add3A_423] : memref<819200xi32, #tpu.memory_space<hbm>> -> memref<256xi32, #tpu.memory_space<hbm>>
        %dma_start3A_525 = tpu.memref_slice %arg2[%add3A_423] : memref<819200xi32, #tpu.memory_space<hbm>> -> memref<256xi32, #tpu.memory_space<hbm>>
        tpu.enqueue_dma source(%dma_start3A_525 : memref<256xi32, #tpu.memory_space<hbm>>) target(%arg5 : memref<256xi32, #tpu.memory_space<vmem>>) target_semaphore(%run_scoped3A : memref<!tpu.dma_semaphore, #tpu.memory_space<semaphore_mem>>)
        %dma_wait3A_526 = tpu.memref_slice %arg2[%add3A_423] : memref<819200xi32, #tpu.memory_space<hbm>> -> memref<256xi32, #tpu.memory_space<hbm>>
        %dma_wait3A_527 = tpu.memref_slice %arg2[%add3A_423] : memref<819200xi32, #tpu.memory_space<hbm>> -> memref<256xi32, #tpu.memory_space<hbm>>
        tpu.wait_dma2 semaphore(%run_scoped3A : memref<!tpu.dma_semaphore, #tpu.memory_space<semaphore_mem>>) src(%dma_wait3A_527 : memref<256xi32, #tpu.memory_space<hbm>>) dst(%arg5 : memref<256xi32, #tpu.memory_space<vmem>>)
        tpu.yield
      }) : () -> ()
      %dma_start3A_424 = arith.constant 0 : i32
      %dma_start3A_425 = arith.constant 0 : i32
      %dma_start3A_426 = tpu.memref_slice %arg3[%dma_start3A_424, %dma_start3A_425] : memref<1000000x128xf32, #tpu.memory_space<hbm>> -> memref<1000000x128xf32, #tpu.memory_space<hbm>>
      tpu.enqueue_indirect_dma source(%dma_start3A_426 : memref<1000000x128xf32, #tpu.memory_space<hbm>>) target(%arg7 : memref<256x128xf32, #tpu.memory_space<vmem>>) offsets(%arg5 : memref<256xi32, #tpu.memory_space<vmem>>) semaphore(%arg10 : memref<!tpu.dma_semaphore, #tpu.memory_space<semaphore_mem>>)
      %add3A_427 = arith.constant 1 : i32
      %add3A_428 = arith.addi %add3A_332, %add3A_427 : i32
      %dma_wait3A_429 = arith.constant 0 : i32
      %dma_wait3A_430 = arith.constant 0 : i32
      %dma_wait3A_431 = tpu.memref_slice %arg3[%dma_wait3A_429, %dma_wait3A_430] : memref<1000000x128xf32, #tpu.memory_space<hbm>> -> memref<1000000x128xf32, #tpu.memory_space<hbm>>
      tpu.wait_indirect_dma semaphore(%arg11 : memref<!tpu.dma_semaphore, #tpu.memory_space<semaphore_mem>>) src(%dma_wait3A_431 : memref<1000000x128xf32, #tpu.memory_space<hbm>>) dst(%arg8 : memref<256x128xf32, #tpu.memory_space<vmem>>)
      %gt3A_432 = arith.constant 0 : i32
      %gt3A_433 = arith.cmpi sgt, %add3A_428, %gt3A_432 : i32
      %convert_element_type3A_434 = arith.extui %gt3A_433 : i1 to i32
      %cond3A_435 = arith.constant 0 : i32
      %cond3A_436 = arith.cmpi ne, %convert_element_type3A_434, %cond3A_435 : i32
      scf.if %cond3A_436 {
        %mul3A_524 = arith.constant 256 : i32
        %mul3A_525 = arith.muli %add3A_428, %mul3A_524 : i32
        %add3A_526 = arith.addi %mul3A_2, %mul3A_525 : i32
        %jit3A_527 = arith.constant 16384 : i32
        %div3A_528 = arith.divsi %add3A_526, %jit3A_527 : i32
        %sign3A_529 = arith.constant 0 : i32
        %sign3A_530 = arith.cmpi sgt, %add3A_526, %sign3A_529 : i32
        %sign3A_531 = arith.extui %sign3A_530 : i1 to i32
        %sign3A_532 = arith.constant 0 : i32
        %sign3A_533 = arith.cmpi slt, %add3A_526, %sign3A_532 : i32
        %sign3A_534 = arith.extui %sign3A_533 : i1 to i32
        %sign3A_535 = arith.subi %sign3A_531, %sign3A_534 : i32
        %sign3A_536 = arith.constant 0 : i32
        %sign3A_537 = arith.cmpi sgt, %jit3A_527, %sign3A_536 : i32
        %sign3A_538 = arith.extui %sign3A_537 : i1 to i32
        %sign3A_539 = arith.constant 0 : i32
        %sign3A_540 = arith.cmpi slt, %jit3A_527, %sign3A_539 : i32
        %sign3A_541 = arith.extui %sign3A_540 : i1 to i32
        %sign3A_542 = arith.subi %sign3A_538, %sign3A_541 : i32
        %ne3A_543 = arith.cmpi ne, %sign3A_535, %sign3A_542 : i32
        %rem3A_544 = arith.remsi %add3A_526, %jit3A_527 : i32
        %ne3A_545 = arith.constant 0 : i32
        %ne3A_546 = arith.cmpi ne, %rem3A_544, %ne3A_545 : i32
        %and3A_547 = arith.andi %ne3A_543, %ne3A_546 : i1
        %sub3A_548 = arith.constant 1 : i32
        %sub3A_549 = arith.subi %div3A_528, %sub3A_548 : i32
        %select_n3A_550 = arith.select %and3A_547, %sub3A_549, %div3A_528 : i32
        %jit3A_551 = arith.constant 16384 : i32
        %eq3A_552 = arith.constant 0 : i32
        %eq3A_553 = arith.cmpi eq, %jit3A_551, %eq3A_552 : i32
        %jit3A_554 = arith.constant 1 : i32
        %select_n3A_555 = arith.select %eq3A_553, %jit3A_554, %jit3A_551 : i32
        %rem3A_556 = arith.remsi %add3A_526, %select_n3A_555 : i32
        %ne3A_557 = arith.constant 0 : i32
        %ne3A_558 = arith.cmpi ne, %rem3A_556, %ne3A_557 : i32
        %lt3A_559 = arith.constant 0 : i32
        %lt3A_560 = arith.cmpi slt, %rem3A_556, %lt3A_559 : i32
        %lt3A_561 = arith.constant 0 : i32
        %lt3A_562 = arith.cmpi slt, %select_n3A_555, %lt3A_561 : i32
        %ne3A_563 = arith.xori %lt3A_560, %lt3A_562 : i1
        %and3A_564 = arith.andi %ne3A_563, %ne3A_558 : i1
        %add3A_565 = arith.addi %rem3A_556, %select_n3A_555 : i32
        %select_n3A_566 = arith.select %and3A_564, %add3A_565, %rem3A_556 : i32
        %dma_wait3A_567 = arith.constant 0 : i32
        %dma_wait3A_568 = arith.constant 0 : i32
        %dma_wait3A_569 = tpu.memref_slice %arg9[%dma_wait3A_567, %dma_wait3A_568] : memref<64x264xf32, #tpu.memory_space<vmem>> -> memref<64x256xf32, #tpu.memory_space<vmem>>
        %dma_wait3A_570 = arith.constant 0 : i32
        %dma_wait3A_571 = tpu.memref_slice %arg4[%select_n3A_550, %dma_wait3A_570, %select_n3A_566] : memref<50x64x16384xf32, #tpu.memory_space<hbm>> -> memref<1x64x256xf32, #tpu.memory_space<hbm>>
        %dma_wait3A_572 = tpu.memref_squeeze %dma_wait3A_571 : memref<1x64x256xf32, #tpu.memory_space<hbm>> -> memref<64x256xf32, #tpu.memory_space<hbm>>
        %dma_wait3A_573 = arith.constant 0 : i32
        %dma_wait3A_574 = tpu.memref_slice %arg4[%select_n3A_550, %dma_wait3A_573, %select_n3A_566] : memref<50x64x16384xf32, #tpu.memory_space<hbm>> -> memref<1x64x256xf32, #tpu.memory_space<hbm>>
        %dma_wait3A_575 = tpu.memref_squeeze %dma_wait3A_574 : memref<1x64x256xf32, #tpu.memory_space<hbm>> -> memref<64x256xf32, #tpu.memory_space<hbm>>
        %dma_wait3A_576 = arith.constant 0 : i32
        %dma_wait3A_577 = arith.constant 0 : i32
        %dma_wait3A_578 = tpu.memref_slice %arg9[%dma_wait3A_576, %dma_wait3A_577] : memref<64x264xf32, #tpu.memory_space<vmem>> -> memref<64x256xf32, #tpu.memory_space<vmem>>
        tpu.wait_dma2 semaphore(%arg12 : memref<!tpu.dma_semaphore, #tpu.memory_space<semaphore_mem>>) src(%dma_wait3A_578 : memref<64x256xf32, #tpu.memory_space<vmem>>) dst(%dma_wait3A_575 : memref<64x256xf32, #tpu.memory_space<hbm>>)
      } else {
      }
      %add3A_437 = arith.constant 0 : i32
      %add3A_438 = vector.broadcast %add3A_437 : i32 to vector<16xi32>
      %add3A_439 = arith.addi %iota3A, %add3A_438 : vector<16xi32>
      %parallel_loop3A_440 = arith.constant 0 : i32
      %parallel_loop3A_441 = arith.constant 256 : i32
      %parallel_loop3A_442 = arith.constant 1 : i32
      scf.for %parallel_loop3A_524 = %parallel_loop3A_440 to %parallel_loop3A_441 step %parallel_loop3A_442  : i32 {
        %parallel_loop3A_525 = arith.constant 0 : i32
        %parallel_loop3A_526 = tpu.memref_slice %arg8[%parallel_loop3A_524, %parallel_loop3A_525] : memref<256x128xf32, #tpu.memory_space<vmem>> -> memref<1x128xf32, #tpu.memory_space<vmem>>
        %parallel_loop3A_527 = tpu.memref_squeeze %parallel_loop3A_526 : memref<1x128xf32, #tpu.memory_space<vmem>> -> memref<128xf32, #tpu.memory_space<vmem>>
        %parallel_loop3A_528 = arith.constant 0 : index
        %parallel_loop3A_529 = tpu.vector_load %parallel_loop3A_527[%parallel_loop3A_528] {strides = array<i32>} : memref<128xf32, #tpu.memory_space<vmem>>, vector<16xf32>,
        %parallel_loop3A_530 = vector.broadcast %parallel_loop3A_524 : i32 to vector<16xi32>
        tpu.vector_store_idx %arg9[%add3A_439, %parallel_loop3A_530], %parallel_loop3A_529 : memref<64x264xf32, #tpu.memory_space<vmem>>[vector<16xi32>, vector<16xi32>], vector<16xf32>,
      } {sc.loop_unroll_factor = 8 : i64, sc.parallel_access}
      %add3A_443 = arith.constant 16 : i32
      %add3A_444 = vector.broadcast %add3A_443 : i32 to vector<16xi32>
      %add3A_445 = arith.addi %iota3A, %add3A_444 : vector<16xi32>
      %parallel_loop3A_446 = arith.constant 0 : i32
      %parallel_loop3A_447 = arith.constant 256 : i32
      %parallel_loop3A_448 = arith.constant 1 : i32
      scf.for %parallel_loop3A_524 = %parallel_loop3A_446 to %parallel_loop3A_447 step %parallel_loop3A_448  : i32 {
        %parallel_loop3A_525 = arith.constant 0 : i32
        %parallel_loop3A_526 = tpu.memref_slice %arg8[%parallel_loop3A_524, %parallel_loop3A_525] : memref<256x128xf32, #tpu.memory_space<vmem>> -> memref<1x128xf32, #tpu.memory_space<vmem>>
        %parallel_loop3A_527 = tpu.memref_squeeze %parallel_loop3A_526 : memref<1x128xf32, #tpu.memory_space<vmem>> -> memref<128xf32, #tpu.memory_space<vmem>>
        %parallel_loop3A_528 = arith.constant 16 : index
        %parallel_loop3A_529 = tpu.vector_load %parallel_loop3A_527[%parallel_loop3A_528] {strides = array<i32>} : memref<128xf32, #tpu.memory_space<vmem>>, vector<16xf32>,
        %parallel_loop3A_530 = vector.broadcast %parallel_loop3A_524 : i32 to vector<16xi32>
        tpu.vector_store_idx %arg9[%add3A_445, %parallel_loop3A_530], %parallel_loop3A_529 : memref<64x264xf32, #tpu.memory_space<vmem>>[vector<16xi32>, vector<16xi32>], vector<16xf32>,
      } {sc.loop_unroll_factor = 8 : i64, sc.parallel_access}
      %add3A_449 = arith.constant 32 : i32
      %add3A_450 = vector.broadcast %add3A_449 : i32 to vector<16xi32>
      %add3A_451 = arith.addi %iota3A, %add3A_450 : vector<16xi32>
      %parallel_loop3A_452 = arith.constant 0 : i32
      %parallel_loop3A_453 = arith.constant 256 : i32
      %parallel_loop3A_454 = arith.constant 1 : i32
      scf.for %parallel_loop3A_524 = %parallel_loop3A_452 to %parallel_loop3A_453 step %parallel_loop3A_454  : i32 {
        %parallel_loop3A_525 = arith.constant 0 : i32
        %parallel_loop3A_526 = tpu.memref_slice %arg8[%parallel_loop3A_524, %parallel_loop3A_525] : memref<256x128xf32, #tpu.memory_space<vmem>> -> memref<1x128xf32, #tpu.memory_space<vmem>>
        %parallel_loop3A_527 = tpu.memref_squeeze %parallel_loop3A_526 : memref<1x128xf32, #tpu.memory_space<vmem>> -> memref<128xf32, #tpu.memory_space<vmem>>
        %parallel_loop3A_528 = arith.constant 32 : index
        %parallel_loop3A_529 = tpu.vector_load %parallel_loop3A_527[%parallel_loop3A_528] {strides = array<i32>} : memref<128xf32, #tpu.memory_space<vmem>>, vector<16xf32>,
        %parallel_loop3A_530 = vector.broadcast %parallel_loop3A_524 : i32 to vector<16xi32>
        tpu.vector_store_idx %arg9[%add3A_451, %parallel_loop3A_530], %parallel_loop3A_529 : memref<64x264xf32, #tpu.memory_space<vmem>>[vector<16xi32>, vector<16xi32>], vector<16xf32>,
      } {sc.loop_unroll_factor = 8 : i64, sc.parallel_access}
      %add3A_455 = arith.constant 48 : i32
      %add3A_456 = vector.broadcast %add3A_455 : i32 to vector<16xi32>
      %add3A_457 = arith.addi %iota3A, %add3A_456 : vector<16xi32>
      %parallel_loop3A_458 = arith.constant 0 : i32
      %parallel_loop3A_459 = arith.constant 256 : i32
      %parallel_loop3A_460 = arith.constant 1 : i32
      scf.for %parallel_loop3A_524 = %parallel_loop3A_458 to %parallel_loop3A_459 step %parallel_loop3A_460  : i32 {
        %parallel_loop3A_525 = arith.constant 0 : i32
        %parallel_loop3A_526 = tpu.memref_slice %arg8[%parallel_loop3A_524, %parallel_loop3A_525] : memref<256x128xf32, #tpu.memory_space<vmem>> -> memref<1x128xf32, #tpu.memory_space<vmem>>
        %parallel_loop3A_527 = tpu.memref_squeeze %parallel_loop3A_526 : memref<1x128xf32, #tpu.memory_space<vmem>> -> memref<128xf32, #tpu.memory_space<vmem>>
        %parallel_loop3A_528 = arith.constant 48 : index
        %parallel_loop3A_529 = tpu.vector_load %parallel_loop3A_527[%parallel_loop3A_528] {strides = array<i32>} : memref<128xf32, #tpu.memory_space<vmem>>, vector<16xf32>,
        %parallel_loop3A_530 = vector.broadcast %parallel_loop3A_524 : i32 to vector<16xi32>
        tpu.vector_store_idx %arg9[%add3A_457, %parallel_loop3A_530], %parallel_loop3A_529 : memref<64x264xf32, #tpu.memory_space<vmem>>[vector<16xi32>, vector<16xi32>], vector<16xf32>,
      } {sc.loop_unroll_factor = 8 : i64, sc.parallel_access}
      %mul3A_461 = arith.constant 256 : i32
      %mul3A_462 = arith.muli %add3A_428, %mul3A_461 : i32
      %add3A_463 = arith.addi %mul3A_2, %mul3A_462 : i32
      %jit3A_464 = arith.constant 16384 : i32
      %div3A_465 = arith.divsi %add3A_463, %jit3A_464 : i32
      %sign3A_466 = arith.constant 0 : i32
      %sign3A_467 = arith.cmpi sgt, %add3A_463, %sign3A_466 : i32
      %sign3A_468 = arith.extui %sign3A_467 : i1 to i32
      %sign3A_469 = arith.constant 0 : i32
      %sign3A_470 = arith.cmpi slt, %add3A_463, %sign3A_469 : i32
      %sign3A_471 = arith.extui %sign3A_470 : i1 to i32
      %sign3A_472 = arith.subi %sign3A_468, %sign3A_471 : i32
      %sign3A_473 = arith.constant 0 : i32
      %sign3A_474 = arith.cmpi sgt, %jit3A_464, %sign3A_473 : i32
      %sign3A_475 = arith.extui %sign3A_474 : i1 to i32
      %sign3A_476 = arith.constant 0 : i32
      %sign3A_477 = arith.cmpi slt, %jit3A_464, %sign3A_476 : i32
      %sign3A_478 = arith.extui %sign3A_477 : i1 to i32
      %sign3A_479 = arith.subi %sign3A_475, %sign3A_478 : i32
      %ne3A_480 = arith.cmpi ne, %sign3A_472, %sign3A_479 : i32
      %rem3A_481 = arith.remsi %add3A_463, %jit3A_464 : i32
      %ne3A_482 = arith.constant 0 : i32
      %ne3A_483 = arith.cmpi ne, %rem3A_481, %ne3A_482 : i32
      %and3A_484 = arith.andi %ne3A_480, %ne3A_483 : i1
      %sub3A_485 = arith.constant 1 : i32
      %sub3A_486 = arith.subi %div3A_465, %sub3A_485 : i32
      %select_n3A_487 = arith.select %and3A_484, %sub3A_486, %div3A_465 : i32
      %jit3A_488 = arith.constant 16384 : i32
      %eq3A_489 = arith.constant 0 : i32
      %eq3A_490 = arith.cmpi eq, %jit3A_488, %eq3A_489 : i32
      %jit3A_491 = arith.constant 1 : i32
      %select_n3A_492 = arith.select %eq3A_490, %jit3A_491, %jit3A_488 : i32
      %rem3A_493 = arith.remsi %add3A_463, %select_n3A_492 : i32
      %ne3A_494 = arith.constant 0 : i32
      %ne3A_495 = arith.cmpi ne, %rem3A_493, %ne3A_494 : i32
      %lt3A_496 = arith.constant 0 : i32
      %lt3A_497 = arith.cmpi slt, %rem3A_493, %lt3A_496 : i32
      %lt3A_498 = arith.constant 0 : i32
      %lt3A_499 = arith.cmpi slt, %select_n3A_492, %lt3A_498 : i32
      %ne3A_500 = arith.xori %lt3A_497, %lt3A_499 : i1
      %and3A_501 = arith.andi %ne3A_500, %ne3A_495 : i1
      %add3A_502 = arith.addi %rem3A_493, %select_n3A_492 : i32
      %select_n3A_503 = arith.select %and3A_501, %add3A_502, %rem3A_493 : i32
      %dma_start3A_504 = arith.constant 0 : i32
      %dma_start3A_505 = arith.constant 0 : i32
      %dma_start3A_506 = tpu.memref_slice %arg9[%dma_start3A_504, %dma_start3A_505] : memref<64x264xf32, #tpu.memory_space<vmem>> -> memref<64x256xf32, #tpu.memory_space<vmem>>
      %dma_start3A_507 = arith.constant 0 : i32
      %dma_start3A_508 = tpu.memref_slice %arg4[%select_n3A_487, %dma_start3A_507, %select_n3A_503] : memref<50x64x16384xf32, #tpu.memory_space<hbm>> -> memref<1x64x256xf32, #tpu.memory_space<hbm>>
      %dma_start3A_509 = tpu.memref_squeeze %dma_start3A_508 : memref<1x64x256xf32, #tpu.memory_space<hbm>> -> memref<64x256xf32, #tpu.memory_space<hbm>>
      %dma_start3A_510 = arith.constant 0 : i32
      %dma_start3A_511 = tpu.memref_slice %arg4[%select_n3A_487, %dma_start3A_510, %select_n3A_503] : memref<50x64x16384xf32, #tpu.memory_space<hbm>> -> memref<1x64x256xf32, #tpu.memory_space<hbm>>
      %dma_start3A_512 = tpu.memref_squeeze %dma_start3A_511 : memref<1x64x256xf32, #tpu.memory_space<hbm>> -> memref<64x256xf32, #tpu.memory_space<hbm>>
      %dma_start3A_513 = arith.constant 0 : i32
      %dma_start3A_514 = arith.constant 0 : i32
      %dma_start3A_515 = tpu.memref_slice %arg9[%dma_start3A_513, %dma_start3A_514] : memref<64x264xf32, #tpu.memory_space<vmem>> -> memref<64x256xf32, #tpu.memory_space<vmem>>
      tpu.enqueue_dma source(%dma_start3A_515 : memref<64x256xf32, #tpu.memory_space<vmem>>) target(%dma_start3A_512 : memref<64x256xf32, #tpu.memory_space<hbm>>) target_semaphore(%arg12 : memref<!tpu.dma_semaphore, #tpu.memory_space<semaphore_mem>>)
      %add3A_516 = arith.constant 2 : i32
      %add3A_517 = arith.addi %add3A_428, %add3A_516 : i32
      %mul3A_518 = arith.constant 256 : i32
      %mul3A_519 = arith.muli %add3A_517, %mul3A_518 : i32
      %add3A_520 = arith.addi %mul3A_2, %mul3A_519 : i32
      "tpu.region"() ({
        %run_scoped3A = tpu.sem_alloc : memref<!tpu.dma_semaphore, #tpu.memory_space<semaphore_mem>>
        %dma_start3A_524 = tpu.memref_slice %arg2[%add3A_520] : memref<819200xi32, #tpu.memory_space<hbm>> -> memref<256xi32, #tpu.memory_space<hbm>>
        %dma_start3A_525 = tpu.memref_slice %arg2[%add3A_520] : memref<819200xi32, #tpu.memory_space<hbm>> -> memref<256xi32, #tpu.memory_space<hbm>>
        tpu.enqueue_dma source(%dma_start3A_525 : memref<256xi32, #tpu.memory_space<hbm>>) target(%arg6 : memref<256xi32, #tpu.memory_space<vmem>>) target_semaphore(%run_scoped3A : memref<!tpu.dma_semaphore, #tpu.memory_space<semaphore_mem>>)
        %dma_wait3A_526 = tpu.memref_slice %arg2[%add3A_520] : memref<819200xi32, #tpu.memory_space<hbm>> -> memref<256xi32, #tpu.memory_space<hbm>>
        %dma_wait3A_527 = tpu.memref_slice %arg2[%add3A_520] : memref<819200xi32, #tpu.memory_space<hbm>> -> memref<256xi32, #tpu.memory_space<hbm>>
        tpu.wait_dma2 semaphore(%run_scoped3A : memref<!tpu.dma_semaphore, #tpu.memory_space<semaphore_mem>>) src(%dma_wait3A_527 : memref<256xi32, #tpu.memory_space<hbm>>) dst(%arg6 : memref<256xi32, #tpu.memory_space<vmem>>)
        tpu.yield
      }) : () -> ()
      %dma_start3A_521 = arith.constant 0 : i32
      %dma_start3A_522 = arith.constant 0 : i32
      %dma_start3A_523 = tpu.memref_slice %arg3[%dma_start3A_521, %dma_start3A_522] : memref<1000000x128xf32, #tpu.memory_space<hbm>> -> memref<1000000x128xf32, #tpu.memory_space<hbm>>
      tpu.enqueue_indirect_dma source(%dma_start3A_523 : memref<1000000x128xf32, #tpu.memory_space<hbm>>) target(%arg8 : memref<256x128xf32, #tpu.memory_space<vmem>>) offsets(%arg6 : memref<256xi32, #tpu.memory_space<vmem>>) semaphore(%arg11 : memref<!tpu.dma_semaphore, #tpu.memory_space<semaphore_mem>>)
    }
    %scan3A_15 = arith.constant 49 : i32
    %dma_wait3A = arith.constant 0 : i32
    %dma_wait3A_16 = arith.constant 0 : i32
    %dma_wait3A_17 = tpu.memref_slice %arg3[%dma_wait3A, %dma_wait3A_16] : memref<1000000x128xf32, #tpu.memory_space<hbm>> -> memref<1000000x128xf32, #tpu.memory_space<hbm>>
    tpu.wait_indirect_dma semaphore(%arg10 : memref<!tpu.dma_semaphore, #tpu.memory_space<semaphore_mem>>) src(%dma_wait3A_17 : memref<1000000x128xf32, #tpu.memory_space<hbm>>) dst(%arg7 : memref<256x128xf32, #tpu.memory_space<vmem>>)
    %add3A_18 = arith.constant 25088 : i32
    %add3A_19 = arith.addi %mul3A_2, %add3A_18 : i32
    %jit3A = arith.constant 16384 : i32
    %div3A = arith.divsi %add3A_19, %jit3A : i32
    %sign3A = arith.constant 0 : i32
    %sign3A_20 = arith.cmpi sgt, %add3A_19, %sign3A : i32
    %sign3A_21 = arith.extui %sign3A_20 : i1 to i32
    %sign3A_22 = arith.constant 0 : i32
    %sign3A_23 = arith.cmpi slt, %add3A_19, %sign3A_22 : i32
    %sign3A_24 = arith.extui %sign3A_23 : i1 to i32
    %sign3A_25 = arith.subi %sign3A_21, %sign3A_24 : i32
    %sign3A_26 = arith.constant 0 : i32
    %sign3A_27 = arith.cmpi sgt, %jit3A, %sign3A_26 : i32
    %sign3A_28 = arith.extui %sign3A_27 : i1 to i32
    %sign3A_29 = arith.constant 0 : i32
    %sign3A_30 = arith.cmpi slt, %jit3A, %sign3A_29 : i32
    %sign3A_31 = arith.extui %sign3A_30 : i1 to i32
    %sign3A_32 = arith.subi %sign3A_28, %sign3A_31 : i32
    %ne3A = arith.cmpi ne, %sign3A_25, %sign3A_32 : i32
    %rem3A = arith.remsi %add3A_19, %jit3A : i32
    %ne3A_33 = arith.constant 0 : i32
    %ne3A_34 = arith.cmpi ne, %rem3A, %ne3A_33 : i32
    %and3A = arith.andi %ne3A, %ne3A_34 : i1
    %sub3A = arith.constant 1 : i32
    %sub3A_35 = arith.subi %div3A, %sub3A : i32
    %select_n3A = arith.select %and3A, %sub3A_35, %div3A : i32
    %jit3A_36 = arith.constant 16384 : i32
    %eq3A = arith.constant 0 : i32
    %eq3A_37 = arith.cmpi eq, %jit3A_36, %eq3A : i32
    %jit3A_38 = arith.constant 1 : i32
    %select_n3A_39 = arith.select %eq3A_37, %jit3A_38, %jit3A_36 : i32
    %rem3A_40 = arith.remsi %add3A_19, %select_n3A_39 : i32
    %ne3A_41 = arith.constant 0 : i32
    %ne3A_42 = arith.cmpi ne, %rem3A_40, %ne3A_41 : i32
    %lt3A = arith.constant 0 : i32
    %lt3A_43 = arith.cmpi slt, %rem3A_40, %lt3A : i32
    %lt3A_44 = arith.constant 0 : i32
    %lt3A_45 = arith.cmpi slt, %select_n3A_39, %lt3A_44 : i32
    %ne3A_46 = arith.xori %lt3A_43, %lt3A_45 : i1
    %and3A_47 = arith.andi %ne3A_46, %ne3A_42 : i1
    %add3A_48 = arith.addi %rem3A_40, %select_n3A_39 : i32
    %select_n3A_49 = arith.select %and3A_47, %add3A_48, %rem3A_40 : i32
    %dma_wait3A_50 = arith.constant 0 : i32
    %dma_wait3A_51 = arith.constant 0 : i32
    %dma_wait3A_52 = tpu.memref_slice %arg9[%dma_wait3A_50, %dma_wait3A_51] : memref<64x264xf32, #tpu.memory_space<vmem>> -> memref<64x256xf32, #tpu.memory_space<vmem>>
    %dma_wait3A_53 = arith.constant 0 : i32
    %dma_wait3A_54 = tpu.memref_slice %arg4[%select_n3A, %dma_wait3A_53, %select_n3A_49] : memref<50x64x16384xf32, #tpu.memory_space<hbm>> -> memref<1x64x256xf32, #tpu.memory_space<hbm>>
    %dma_wait3A_55 = tpu.memref_squeeze %dma_wait3A_54 : memref<1x64x256xf32, #tpu.memory_space<hbm>> -> memref<64x256xf32, #tpu.memory_space<hbm>>
    %dma_wait3A_56 = arith.constant 0 : i32
    %dma_wait3A_57 = tpu.memref_slice %arg4[%select_n3A, %dma_wait3A_56, %select_n3A_49] : memref<50x64x16384xf32, #tpu.memory_space<hbm>> -> memref<1x64x256xf32, #tpu.memory_space<hbm>>
    %dma_wait3A_58 = tpu.memref_squeeze %dma_wait3A_57 : memref<1x64x256xf32, #tpu.memory_space<hbm>> -> memref<64x256xf32, #tpu.memory_space<hbm>>
    %dma_wait3A_59 = arith.constant 0 : i32
    %dma_wait3A_60 = arith.constant 0 : i32
    %dma_wait3A_61 = tpu.memref_slice %arg9[%dma_wait3A_59, %dma_wait3A_60] : memref<64x264xf32, #tpu.memory_space<vmem>> -> memref<64x256xf32, #tpu.memory_space<vmem>>
    tpu.wait_dma2 semaphore(%arg12 : memref<!tpu.dma_semaphore, #tpu.memory_space<semaphore_mem>>) src(%dma_wait3A_61 : memref<64x256xf32, #tpu.memory_space<vmem>>) dst(%dma_wait3A_58 : memref<64x256xf32, #tpu.memory_space<hbm>>)
    %add3A_62 = arith.constant 0 : i32
    %add3A_63 = vector.broadcast %add3A_62 : i32 to vector<16xi32>
    %add3A_64 = arith.addi %iota3A, %add3A_63 : vector<16xi32>
    %parallel_loop3A = arith.constant 0 : i32
    %parallel_loop3A_65 = arith.constant 256 : i32
    %parallel_loop3A_66 = arith.constant 1 : i32
    scf.for %parallel_loop3A_328 = %parallel_loop3A to %parallel_loop3A_65 step %parallel_loop3A_66  : i32 {
      %parallel_loop3A_329 = arith.constant 0 : i32
      %parallel_loop3A_330 = tpu.memref_slice %arg7[%parallel_loop3A_328, %parallel_loop3A_329] : memref<256x128xf32, #tpu.memory_space<vmem>> -> memref<1x128xf32, #tpu.memory_space<vmem>>
      %parallel_loop3A_331 = tpu.memref_squeeze %parallel_loop3A_330 : memref<1x128xf32, #tpu.memory_space<vmem>> -> memref<128xf32, #tpu.memory_space<vmem>>
      %parallel_loop3A_332 = arith.constant 0 : index
      %parallel_loop3A_333 = tpu.vector_load %parallel_loop3A_331[%parallel_loop3A_332] {strides = array<i32>} : memref<128xf32, #tpu.memory_space<vmem>>, vector<16xf32>,
      %parallel_loop3A_334 = vector.broadcast %parallel_loop3A_328 : i32 to vector<16xi32>
      tpu.vector_store_idx %arg9[%add3A_64, %parallel_loop3A_334], %parallel_loop3A_333 : memref<64x264xf32, #tpu.memory_space<vmem>>[vector<16xi32>, vector<16xi32>], vector<16xf32>,
    } {sc.loop_unroll_factor = 8 : i64, sc.parallel_access}
    %add3A_67 = arith.constant 16 : i32
    %add3A_68 = vector.broadcast %add3A_67 : i32 to vector<16xi32>
    %add3A_69 = arith.addi %iota3A, %add3A_68 : vector<16xi32>
    %parallel_loop3A_70 = arith.constant 0 : i32
    %parallel_loop3A_71 = arith.constant 256 : i32
    %parallel_loop3A_72 = arith.constant 1 : i32
    scf.for %parallel_loop3A_328 = %parallel_loop3A_70 to %parallel_loop3A_71 step %parallel_loop3A_72  : i32 {
      %parallel_loop3A_329 = arith.constant 0 : i32
      %parallel_loop3A_330 = tpu.memref_slice %arg7[%parallel_loop3A_328, %parallel_loop3A_329] : memref<256x128xf32, #tpu.memory_space<vmem>> -> memref<1x128xf32, #tpu.memory_space<vmem>>
      %parallel_loop3A_331 = tpu.memref_squeeze %parallel_loop3A_330 : memref<1x128xf32, #tpu.memory_space<vmem>> -> memref<128xf32, #tpu.memory_space<vmem>>
      %parallel_loop3A_332 = arith.constant 16 : index
      %parallel_loop3A_333 = tpu.vector_load %parallel_loop3A_331[%parallel_loop3A_332] {strides = array<i32>} : memref<128xf32, #tpu.memory_space<vmem>>, vector<16xf32>,
      %parallel_loop3A_334 = vector.broadcast %parallel_loop3A_328 : i32 to vector<16xi32>
      tpu.vector_store_idx %arg9[%add3A_69, %parallel_loop3A_334], %parallel_loop3A_333 : memref<64x264xf32, #tpu.memory_space<vmem>>[vector<16xi32>, vector<16xi32>], vector<16xf32>,
    } {sc.loop_unroll_factor = 8 : i64, sc.parallel_access}
    %add3A_73 = arith.constant 32 : i32
    %add3A_74 = vector.broadcast %add3A_73 : i32 to vector<16xi32>
    %add3A_75 = arith.addi %iota3A, %add3A_74 : vector<16xi32>
    %parallel_loop3A_76 = arith.constant 0 : i32
    %parallel_loop3A_77 = arith.constant 256 : i32
    %parallel_loop3A_78 = arith.constant 1 : i32
    scf.for %parallel_loop3A_328 = %parallel_loop3A_76 to %parallel_loop3A_77 step %parallel_loop3A_78  : i32 {
      %parallel_loop3A_329 = arith.constant 0 : i32
      %parallel_loop3A_330 = tpu.memref_slice %arg7[%parallel_loop3A_328, %parallel_loop3A_329] : memref<256x128xf32, #tpu.memory_space<vmem>> -> memref<1x128xf32, #tpu.memory_space<vmem>>
      %parallel_loop3A_331 = tpu.memref_squeeze %parallel_loop3A_330 : memref<1x128xf32, #tpu.memory_space<vmem>> -> memref<128xf32, #tpu.memory_space<vmem>>
      %parallel_loop3A_332 = arith.constant 32 : index
      %parallel_loop3A_333 = tpu.vector_load %parallel_loop3A_331[%parallel_loop3A_332] {strides = array<i32>} : memref<128xf32, #tpu.memory_space<vmem>>, vector<16xf32>,
      %parallel_loop3A_334 = vector.broadcast %parallel_loop3A_328 : i32 to vector<16xi32>
      tpu.vector_store_idx %arg9[%add3A_75, %parallel_loop3A_334], %parallel_loop3A_333 : memref<64x264xf32, #tpu.memory_space<vmem>>[vector<16xi32>, vector<16xi32>], vector<16xf32>,
    } {sc.loop_unroll_factor = 8 : i64, sc.parallel_access}
    %add3A_79 = arith.constant 48 : i32
    %add3A_80 = vector.broadcast %add3A_79 : i32 to vector<16xi32>
    %add3A_81 = arith.addi %iota3A, %add3A_80 : vector<16xi32>
    %parallel_loop3A_82 = arith.constant 0 : i32
    %parallel_loop3A_83 = arith.constant 256 : i32
    %parallel_loop3A_84 = arith.constant 1 : i32
    scf.for %parallel_loop3A_328 = %parallel_loop3A_82 to %parallel_loop3A_83 step %parallel_loop3A_84  : i32 {
      %parallel_loop3A_329 = arith.constant 0 : i32
      %parallel_loop3A_330 = tpu.memref_slice %arg7[%parallel_loop3A_328, %parallel_loop3A_329] : memref<256x128xf32, #tpu.memory_space<vmem>> -> memref<1x128xf32, #tpu.memory_space<vmem>>
      %parallel_loop3A_331 = tpu.memref_squeeze %parallel_loop3A_330 : memref<1x128xf32, #tpu.memory_space<vmem>> -> memref<128xf32, #tpu.memory_space<vmem>>
      %parallel_loop3A_332 = arith.constant 48 : index
      %parallel_loop3A_333 = tpu.vector_load %parallel_loop3A_331[%parallel_loop3A_332] {strides = array<i32>} : memref<128xf32, #tpu.memory_space<vmem>>, vector<16xf32>,
      %parallel_loop3A_334 = vector.broadcast %parallel_loop3A_328 : i32 to vector<16xi32>
      tpu.vector_store_idx %arg9[%add3A_81, %parallel_loop3A_334], %parallel_loop3A_333 : memref<64x264xf32, #tpu.memory_space<vmem>>[vector<16xi32>, vector<16xi32>], vector<16xf32>,
    } {sc.loop_unroll_factor = 8 : i64, sc.parallel_access}
    %add3A_85 = arith.constant 25088 : i32
    %add3A_86 = arith.addi %mul3A_2, %add3A_85 : i32
    %jit3A_87 = arith.constant 16384 : i32
    %div3A_88 = arith.divsi %add3A_86, %jit3A_87 : i32
    %sign3A_89 = arith.constant 0 : i32
    %sign3A_90 = arith.cmpi sgt, %add3A_86, %sign3A_89 : i32
    %sign3A_91 = arith.extui %sign3A_90 : i1 to i32
    %sign3A_92 = arith.constant 0 : i32
    %sign3A_93 = arith.cmpi slt, %add3A_86, %sign3A_92 : i32
    %sign3A_94 = arith.extui %sign3A_93 : i1 to i32
    %sign3A_95 = arith.subi %sign3A_91, %sign3A_94 : i32
    %sign3A_96 = arith.constant 0 : i32
    %sign3A_97 = arith.cmpi sgt, %jit3A_87, %sign3A_96 : i32
    %sign3A_98 = arith.extui %sign3A_97 : i1 to i32
    %sign3A_99 = arith.constant 0 : i32
    %sign3A_100 = arith.cmpi slt, %jit3A_87, %sign3A_99 : i32
    %sign3A_101 = arith.extui %sign3A_100 : i1 to i32
    %sign3A_102 = arith.subi %sign3A_98, %sign3A_101 : i32
    %ne3A_103 = arith.cmpi ne, %sign3A_95, %sign3A_102 : i32
    %rem3A_104 = arith.remsi %add3A_86, %jit3A_87 : i32
    %ne3A_105 = arith.constant 0 : i32
    %ne3A_106 = arith.cmpi ne, %rem3A_104, %ne3A_105 : i32
    %and3A_107 = arith.andi %ne3A_103, %ne3A_106 : i1
    %sub3A_108 = arith.constant 1 : i32
    %sub3A_109 = arith.subi %div3A_88, %sub3A_108 : i32
    %select_n3A_110 = arith.select %and3A_107, %sub3A_109, %div3A_88 : i32
    %jit3A_111 = arith.constant 16384 : i32
    %eq3A_112 = arith.constant 0 : i32
    %eq3A_113 = arith.cmpi eq, %jit3A_111, %eq3A_112 : i32
    %jit3A_114 = arith.constant 1 : i32
    %select_n3A_115 = arith.select %eq3A_113, %jit3A_114, %jit3A_111 : i32
    %rem3A_116 = arith.remsi %add3A_86, %select_n3A_115 : i32
    %ne3A_117 = arith.constant 0 : i32
    %ne3A_118 = arith.cmpi ne, %rem3A_116, %ne3A_117 : i32
    %lt3A_119 = arith.constant 0 : i32
    %lt3A_120 = arith.cmpi slt, %rem3A_116, %lt3A_119 : i32
    %lt3A_121 = arith.constant 0 : i32
    %lt3A_122 = arith.cmpi slt, %select_n3A_115, %lt3A_121 : i32
    %ne3A_123 = arith.xori %lt3A_120, %lt3A_122 : i1
    %and3A_124 = arith.andi %ne3A_123, %ne3A_118 : i1
    %add3A_125 = arith.addi %rem3A_116, %select_n3A_115 : i32
    %select_n3A_126 = arith.select %and3A_124, %add3A_125, %rem3A_116 : i32
    %dma_start3A_127 = arith.constant 0 : i32
    %dma_start3A_128 = arith.constant 0 : i32
    %dma_start3A_129 = tpu.memref_slice %arg9[%dma_start3A_127, %dma_start3A_128] : memref<64x264xf32, #tpu.memory_space<vmem>> -> memref<64x256xf32, #tpu.memory_space<vmem>>
    %dma_start3A_130 = arith.constant 0 : i32
    %dma_start3A_131 = tpu.memref_slice %arg4[%select_n3A_110, %dma_start3A_130, %select_n3A_126] : memref<50x64x16384xf32, #tpu.memory_space<hbm>> -> memref<1x64x256xf32, #tpu.memory_space<hbm>>
    %dma_start3A_132 = tpu.memref_squeeze %dma_start3A_131 : memref<1x64x256xf32, #tpu.memory_space<hbm>> -> memref<64x256xf32, #tpu.memory_space<hbm>>
    %dma_start3A_133 = arith.constant 0 : i32
    %dma_start3A_134 = tpu.memref_slice %arg4[%select_n3A_110, %dma_start3A_133, %select_n3A_126] : memref<50x64x16384xf32, #tpu.memory_space<hbm>> -> memref<1x64x256xf32, #tpu.memory_space<hbm>>
    %dma_start3A_135 = tpu.memref_squeeze %dma_start3A_134 : memref<1x64x256xf32, #tpu.memory_space<hbm>> -> memref<64x256xf32, #tpu.memory_space<hbm>>
    %dma_start3A_136 = arith.constant 0 : i32
    %dma_start3A_137 = arith.constant 0 : i32
    %dma_start3A_138 = tpu.memref_slice %arg9[%dma_start3A_136, %dma_start3A_137] : memref<64x264xf32, #tpu.memory_space<vmem>> -> memref<64x256xf32, #tpu.memory_space<vmem>>
    tpu.enqueue_dma source(%dma_start3A_138 : memref<64x256xf32, #tpu.memory_space<vmem>>) target(%dma_start3A_135 : memref<64x256xf32, #tpu.memory_space<hbm>>) target_semaphore(%arg12 : memref<!tpu.dma_semaphore, #tpu.memory_space<semaphore_mem>>)
    %dma_wait3A_139 = arith.constant 0 : i32
    %dma_wait3A_140 = arith.constant 0 : i32
    %dma_wait3A_141 = tpu.memref_slice %arg3[%dma_wait3A_139, %dma_wait3A_140] : memref<1000000x128xf32, #tpu.memory_space<hbm>> -> memref<1000000x128xf32, #tpu.memory_space<hbm>>
    tpu.wait_indirect_dma semaphore(%arg11 : memref<!tpu.dma_semaphore, #tpu.memory_space<semaphore_mem>>) src(%dma_wait3A_141 : memref<1000000x128xf32, #tpu.memory_space<hbm>>) dst(%arg8 : memref<256x128xf32, #tpu.memory_space<vmem>>)
    %add3A_142 = arith.constant 25344 : i32
    %add3A_143 = arith.addi %mul3A_2, %add3A_142 : i32
    %jit3A_144 = arith.constant 16384 : i32
    %div3A_145 = arith.divsi %add3A_143, %jit3A_144 : i32
    %sign3A_146 = arith.constant 0 : i32
    %sign3A_147 = arith.cmpi sgt, %add3A_143, %sign3A_146 : i32
    %sign3A_148 = arith.extui %sign3A_147 : i1 to i32
    %sign3A_149 = arith.constant 0 : i32
    %sign3A_150 = arith.cmpi slt, %add3A_143, %sign3A_149 : i32
    %sign3A_151 = arith.extui %sign3A_150 : i1 to i32
    %sign3A_152 = arith.subi %sign3A_148, %sign3A_151 : i32
    %sign3A_153 = arith.constant 0 : i32
    %sign3A_154 = arith.cmpi sgt, %jit3A_144, %sign3A_153 : i32
    %sign3A_155 = arith.extui %sign3A_154 : i1 to i32
    %sign3A_156 = arith.constant 0 : i32
    %sign3A_157 = arith.cmpi slt, %jit3A_144, %sign3A_156 : i32
    %sign3A_158 = arith.extui %sign3A_157 : i1 to i32
    %sign3A_159 = arith.subi %sign3A_155, %sign3A_158 : i32
    %ne3A_160 = arith.cmpi ne, %sign3A_152, %sign3A_159 : i32
    %rem3A_161 = arith.remsi %add3A_143, %jit3A_144 : i32
    %ne3A_162 = arith.constant 0 : i32
    %ne3A_163 = arith.cmpi ne, %rem3A_161, %ne3A_162 : i32
    %and3A_164 = arith.andi %ne3A_160, %ne3A_163 : i1
    %sub3A_165 = arith.constant 1 : i32
    %sub3A_166 = arith.subi %div3A_145, %sub3A_165 : i32
    %select_n3A_167 = arith.select %and3A_164, %sub3A_166, %div3A_145 : i32
    %jit3A_168 = arith.constant 16384 : i32
    %eq3A_169 = arith.constant 0 : i32
    %eq3A_170 = arith.cmpi eq, %jit3A_168, %eq3A_169 : i32
    %jit3A_171 = arith.constant 1 : i32
    %select_n3A_172 = arith.select %eq3A_170, %jit3A_171, %jit3A_168 : i32
    %rem3A_173 = arith.remsi %add3A_143, %select_n3A_172 : i32
    %ne3A_174 = arith.constant 0 : i32
    %ne3A_175 = arith.cmpi ne, %rem3A_173, %ne3A_174 : i32
    %lt3A_176 = arith.constant 0 : i32
    %lt3A_177 = arith.cmpi slt, %rem3A_173, %lt3A_176 : i32
    %lt3A_178 = arith.constant 0 : i32
    %lt3A_179 = arith.cmpi slt, %select_n3A_172, %lt3A_178 : i32
    %ne3A_180 = arith.xori %lt3A_177, %lt3A_179 : i1
    %and3A_181 = arith.andi %ne3A_180, %ne3A_175 : i1
    %add3A_182 = arith.addi %rem3A_173, %select_n3A_172 : i32
    %select_n3A_183 = arith.select %and3A_181, %add3A_182, %rem3A_173 : i32
    %dma_wait3A_184 = arith.constant 0 : i32
    %dma_wait3A_185 = arith.constant 0 : i32
    %dma_wait3A_186 = tpu.memref_slice %arg9[%dma_wait3A_184, %dma_wait3A_185] : memref<64x264xf32, #tpu.memory_space<vmem>> -> memref<64x256xf32, #tpu.memory_space<vmem>>
    %dma_wait3A_187 = arith.constant 0 : i32
    %dma_wait3A_188 = tpu.memref_slice %arg4[%select_n3A_167, %dma_wait3A_187, %select_n3A_183] : memref<50x64x16384xf32, #tpu.memory_space<hbm>> -> memref<1x64x256xf32, #tpu.memory_space<hbm>>
    %dma_wait3A_189 = tpu.memref_squeeze %dma_wait3A_188 : memref<1x64x256xf32, #tpu.memory_space<hbm>> -> memref<64x256xf32, #tpu.memory_space<hbm>>
    %dma_wait3A_190 = arith.constant 0 : i32
    %dma_wait3A_191 = tpu.memref_slice %arg4[%select_n3A_167, %dma_wait3A_190, %select_n3A_183] : memref<50x64x16384xf32, #tpu.memory_space<hbm>> -> memref<1x64x256xf32, #tpu.memory_space<hbm>>
    %dma_wait3A_192 = tpu.memref_squeeze %dma_wait3A_191 : memref<1x64x256xf32, #tpu.memory_space<hbm>> -> memref<64x256xf32, #tpu.memory_space<hbm>>
    %dma_wait3A_193 = arith.constant 0 : i32
    %dma_wait3A_194 = arith.constant 0 : i32
    %dma_wait3A_195 = tpu.memref_slice %arg9[%dma_wait3A_193, %dma_wait3A_194] : memref<64x264xf32, #tpu.memory_space<vmem>> -> memref<64x256xf32, #tpu.memory_space<vmem>>
    tpu.wait_dma2 semaphore(%arg12 : memref<!tpu.dma_semaphore, #tpu.memory_space<semaphore_mem>>) src(%dma_wait3A_195 : memref<64x256xf32, #tpu.memory_space<vmem>>) dst(%dma_wait3A_192 : memref<64x256xf32, #tpu.memory_space<hbm>>)
    %add3A_196 = arith.constant 0 : i32
    %add3A_197 = vector.broadcast %add3A_196 : i32 to vector<16xi32>
    %add3A_198 = arith.addi %iota3A, %add3A_197 : vector<16xi32>
    %parallel_loop3A_199 = arith.constant 0 : i32
    %parallel_loop3A_200 = arith.constant 256 : i32
    %parallel_loop3A_201 = arith.constant 1 : i32
    scf.for %parallel_loop3A_328 = %parallel_loop3A_199 to %parallel_loop3A_200 step %parallel_loop3A_201  : i32 {
      %parallel_loop3A_329 = arith.constant 0 : i32
      %parallel_loop3A_330 = tpu.memref_slice %arg8[%parallel_loop3A_328, %parallel_loop3A_329] : memref<256x128xf32, #tpu.memory_space<vmem>> -> memref<1x128xf32, #tpu.memory_space<vmem>>
      %parallel_loop3A_331 = tpu.memref_squeeze %parallel_loop3A_330 : memref<1x128xf32, #tpu.memory_space<vmem>> -> memref<128xf32, #tpu.memory_space<vmem>>
      %parallel_loop3A_332 = arith.constant 0 : index
      %parallel_loop3A_333 = tpu.vector_load %parallel_loop3A_331[%parallel_loop3A_332] {strides = array<i32>} : memref<128xf32, #tpu.memory_space<vmem>>, vector<16xf32>,
      %parallel_loop3A_334 = vector.broadcast %parallel_loop3A_328 : i32 to vector<16xi32>
      tpu.vector_store_idx %arg9[%add3A_198, %parallel_loop3A_334], %parallel_loop3A_333 : memref<64x264xf32, #tpu.memory_space<vmem>>[vector<16xi32>, vector<16xi32>], vector<16xf32>,
    } {sc.loop_unroll_factor = 8 : i64, sc.parallel_access}
    %add3A_202 = arith.constant 16 : i32
    %add3A_203 = vector.broadcast %add3A_202 : i32 to vector<16xi32>
    %add3A_204 = arith.addi %iota3A, %add3A_203 : vector<16xi32>
    %parallel_loop3A_205 = arith.constant 0 : i32
    %parallel_loop3A_206 = arith.constant 256 : i32
    %parallel_loop3A_207 = arith.constant 1 : i32
    scf.for %parallel_loop3A_328 = %parallel_loop3A_205 to %parallel_loop3A_206 step %parallel_loop3A_207  : i32 {
      %parallel_loop3A_329 = arith.constant 0 : i32
      %parallel_loop3A_330 = tpu.memref_slice %arg8[%parallel_loop3A_328, %parallel_loop3A_329] : memref<256x128xf32, #tpu.memory_space<vmem>> -> memref<1x128xf32, #tpu.memory_space<vmem>>
      %parallel_loop3A_331 = tpu.memref_squeeze %parallel_loop3A_330 : memref<1x128xf32, #tpu.memory_space<vmem>> -> memref<128xf32, #tpu.memory_space<vmem>>
      %parallel_loop3A_332 = arith.constant 16 : index
      %parallel_loop3A_333 = tpu.vector_load %parallel_loop3A_331[%parallel_loop3A_332] {strides = array<i32>} : memref<128xf32, #tpu.memory_space<vmem>>, vector<16xf32>,
      %parallel_loop3A_334 = vector.broadcast %parallel_loop3A_328 : i32 to vector<16xi32>
      tpu.vector_store_idx %arg9[%add3A_204, %parallel_loop3A_334], %parallel_loop3A_333 : memref<64x264xf32, #tpu.memory_space<vmem>>[vector<16xi32>, vector<16xi32>], vector<16xf32>,
    } {sc.loop_unroll_factor = 8 : i64, sc.parallel_access}
    %add3A_208 = arith.constant 32 : i32
    %add3A_209 = vector.broadcast %add3A_208 : i32 to vector<16xi32>
    %add3A_210 = arith.addi %iota3A, %add3A_209 : vector<16xi32>
    %parallel_loop3A_211 = arith.constant 0 : i32
    %parallel_loop3A_212 = arith.constant 256 : i32
    %parallel_loop3A_213 = arith.constant 1 : i32
    scf.for %parallel_loop3A_328 = %parallel_loop3A_211 to %parallel_loop3A_212 step %parallel_loop3A_213  : i32 {
      %parallel_loop3A_329 = arith.constant 0 : i32
      %parallel_loop3A_330 = tpu.memref_slice %arg8[%parallel_loop3A_328, %parallel_loop3A_329] : memref<256x128xf32, #tpu.memory_space<vmem>> -> memref<1x128xf32, #tpu.memory_space<vmem>>
      %parallel_loop3A_331 = tpu.memref_squeeze %parallel_loop3A_330 : memref<1x128xf32, #tpu.memory_space<vmem>> -> memref<128xf32, #tpu.memory_space<vmem>>
      %parallel_loop3A_332 = arith.constant 32 : index
      %parallel_loop3A_333 = tpu.vector_load %parallel_loop3A_331[%parallel_loop3A_332] {strides = array<i32>} : memref<128xf32, #tpu.memory_space<vmem>>, vector<16xf32>,
      %parallel_loop3A_334 = vector.broadcast %parallel_loop3A_328 : i32 to vector<16xi32>
      tpu.vector_store_idx %arg9[%add3A_210, %parallel_loop3A_334], %parallel_loop3A_333 : memref<64x264xf32, #tpu.memory_space<vmem>>[vector<16xi32>, vector<16xi32>], vector<16xf32>,
    } {sc.loop_unroll_factor = 8 : i64, sc.parallel_access}
    %add3A_214 = arith.constant 48 : i32
    %add3A_215 = vector.broadcast %add3A_214 : i32 to vector<16xi32>
    %add3A_216 = arith.addi %iota3A, %add3A_215 : vector<16xi32>
    %parallel_loop3A_217 = arith.constant 0 : i32
    %parallel_loop3A_218 = arith.constant 256 : i32
    %parallel_loop3A_219 = arith.constant 1 : i32
    scf.for %parallel_loop3A_328 = %parallel_loop3A_217 to %parallel_loop3A_218 step %parallel_loop3A_219  : i32 {
      %parallel_loop3A_329 = arith.constant 0 : i32
      %parallel_loop3A_330 = tpu.memref_slice %arg8[%parallel_loop3A_328, %parallel_loop3A_329] : memref<256x128xf32, #tpu.memory_space<vmem>> -> memref<1x128xf32, #tpu.memory_space<vmem>>
      %parallel_loop3A_331 = tpu.memref_squeeze %parallel_loop3A_330 : memref<1x128xf32, #tpu.memory_space<vmem>> -> memref<128xf32, #tpu.memory_space<vmem>>
      %parallel_loop3A_332 = arith.constant 48 : index
      %parallel_loop3A_333 = tpu.vector_load %parallel_loop3A_331[%parallel_loop3A_332] {strides = array<i32>} : memref<128xf32, #tpu.memory_space<vmem>>, vector<16xf32>,
      %parallel_loop3A_334 = vector.broadcast %parallel_loop3A_328 : i32 to vector<16xi32>
      tpu.vector_store_idx %arg9[%add3A_216, %parallel_loop3A_334], %parallel_loop3A_333 : memref<64x264xf32, #tpu.memory_space<vmem>>[vector<16xi32>, vector<16xi32>], vector<16xf32>,
    } {sc.loop_unroll_factor = 8 : i64, sc.parallel_access}
    %add3A_220 = arith.constant 25344 : i32
    %add3A_221 = arith.addi %mul3A_2, %add3A_220 : i32
    %jit3A_222 = arith.constant 16384 : i32
    %div3A_223 = arith.divsi %add3A_221, %jit3A_222 : i32
    %sign3A_224 = arith.constant 0 : i32
    %sign3A_225 = arith.cmpi sgt, %add3A_221, %sign3A_224 : i32
    %sign3A_226 = arith.extui %sign3A_225 : i1 to i32
    %sign3A_227 = arith.constant 0 : i32
    %sign3A_228 = arith.cmpi slt, %add3A_221, %sign3A_227 : i32
    %sign3A_229 = arith.extui %sign3A_228 : i1 to i32
    %sign3A_230 = arith.subi %sign3A_226, %sign3A_229 : i32
    %sign3A_231 = arith.constant 0 : i32
    %sign3A_232 = arith.cmpi sgt, %jit3A_222, %sign3A_231 : i32
    %sign3A_233 = arith.extui %sign3A_232 : i1 to i32
    %sign3A_234 = arith.constant 0 : i32
    %sign3A_235 = arith.cmpi slt, %jit3A_222, %sign3A_234 : i32
    %sign3A_236 = arith.extui %sign3A_235 : i1 to i32
    %sign3A_237 = arith.subi %sign3A_233, %sign3A_236 : i32
    %ne3A_238 = arith.cmpi ne, %sign3A_230, %sign3A_237 : i32
    %rem3A_239 = arith.remsi %add3A_221, %jit3A_222 : i32
    %ne3A_240 = arith.constant 0 : i32
    %ne3A_241 = arith.cmpi ne, %rem3A_239, %ne3A_240 : i32
    %and3A_242 = arith.andi %ne3A_238, %ne3A_241 : i1
    %sub3A_243 = arith.constant 1 : i32
    %sub3A_244 = arith.subi %div3A_223, %sub3A_243 : i32
    %select_n3A_245 = arith.select %and3A_242, %sub3A_244, %div3A_223 : i32
    %jit3A_246 = arith.constant 16384 : i32
    %eq3A_247 = arith.constant 0 : i32
    %eq3A_248 = arith.cmpi eq, %jit3A_246, %eq3A_247 : i32
    %jit3A_249 = arith.constant 1 : i32
    %select_n3A_250 = arith.select %eq3A_248, %jit3A_249, %jit3A_246 : i32
    %rem3A_251 = arith.remsi %add3A_221, %select_n3A_250 : i32
    %ne3A_252 = arith.constant 0 : i32
    %ne3A_253 = arith.cmpi ne, %rem3A_251, %ne3A_252 : i32
    %lt3A_254 = arith.constant 0 : i32
    %lt3A_255 = arith.cmpi slt, %rem3A_251, %lt3A_254 : i32
    %lt3A_256 = arith.constant 0 : i32
    %lt3A_257 = arith.cmpi slt, %select_n3A_250, %lt3A_256 : i32
    %ne3A_258 = arith.xori %lt3A_255, %lt3A_257 : i1
    %and3A_259 = arith.andi %ne3A_258, %ne3A_253 : i1
    %add3A_260 = arith.addi %rem3A_251, %select_n3A_250 : i32
    %select_n3A_261 = arith.select %and3A_259, %add3A_260, %rem3A_251 : i32
    %dma_start3A_262 = arith.constant 0 : i32
    %dma_start3A_263 = arith.constant 0 : i32
    %dma_start3A_264 = tpu.memref_slice %arg9[%dma_start3A_262, %dma_start3A_263] : memref<64x264xf32, #tpu.memory_space<vmem>> -> memref<64x256xf32, #tpu.memory_space<vmem>>
    %dma_start3A_265 = arith.constant 0 : i32
    %dma_start3A_266 = tpu.memref_slice %arg4[%select_n3A_245, %dma_start3A_265, %select_n3A_261] : memref<50x64x16384xf32, #tpu.memory_space<hbm>> -> memref<1x64x256xf32, #tpu.memory_space<hbm>>
    %dma_start3A_267 = tpu.memref_squeeze %dma_start3A_266 : memref<1x64x256xf32, #tpu.memory_space<hbm>> -> memref<64x256xf32, #tpu.memory_space<hbm>>
    %dma_start3A_268 = arith.constant 0 : i32
    %dma_start3A_269 = tpu.memref_slice %arg4[%select_n3A_245, %dma_start3A_268, %select_n3A_261] : memref<50x64x16384xf32, #tpu.memory_space<hbm>> -> memref<1x64x256xf32, #tpu.memory_space<hbm>>
    %dma_start3A_270 = tpu.memref_squeeze %dma_start3A_269 : memref<1x64x256xf32, #tpu.memory_space<hbm>> -> memref<64x256xf32, #tpu.memory_space<hbm>>
    %dma_start3A_271 = arith.constant 0 : i32
    %dma_start3A_272 = arith.constant 0 : i32
    %dma_start3A_273 = tpu.memref_slice %arg9[%dma_start3A_271, %dma_start3A_272] : memref<64x264xf32, #tpu.memory_space<vmem>> -> memref<64x256xf32, #tpu.memory_space<vmem>>
    tpu.enqueue_dma source(%dma_start3A_273 : memref<64x256xf32, #tpu.memory_space<vmem>>) target(%dma_start3A_270 : memref<64x256xf32, #tpu.memory_space<hbm>>) target_semaphore(%arg12 : memref<!tpu.dma_semaphore, #tpu.memory_space<semaphore_mem>>)
    %add3A_274 = arith.constant 25344 : i32
    %add3A_275 = arith.addi %mul3A_2, %add3A_274 : i32
    %jit3A_276 = arith.constant 16384 : i32
    %div3A_277 = arith.divsi %add3A_275, %jit3A_276 : i32
    %sign3A_278 = arith.constant 0 : i32
    %sign3A_279 = arith.cmpi sgt, %add3A_275, %sign3A_278 : i32
    %sign3A_280 = arith.extui %sign3A_279 : i1 to i32
    %sign3A_281 = arith.constant 0 : i32
    %sign3A_282 = arith.cmpi slt, %add3A_275, %sign3A_281 : i32
    %sign3A_283 = arith.extui %sign3A_282 : i1 to i32
    %sign3A_284 = arith.subi %sign3A_280, %sign3A_283 : i32
    %sign3A_285 = arith.constant 0 : i32
    %sign3A_286 = arith.cmpi sgt, %jit3A_276, %sign3A_285 : i32
    %sign3A_287 = arith.extui %sign3A_286 : i1 to i32
    %sign3A_288 = arith.constant 0 : i32
    %sign3A_289 = arith.cmpi slt, %jit3A_276, %sign3A_288 : i32
    %sign3A_290 = arith.extui %sign3A_289 : i1 to i32
    %sign3A_291 = arith.subi %sign3A_287, %sign3A_290 : i32
    %ne3A_292 = arith.cmpi ne, %sign3A_284, %sign3A_291 : i32
    %rem3A_293 = arith.remsi %add3A_275, %jit3A_276 : i32
    %ne3A_294 = arith.constant 0 : i32
    %ne3A_295 = arith.cmpi ne, %rem3A_293, %ne3A_294 : i32
    %and3A_296 = arith.andi %ne3A_292, %ne3A_295 : i1
    %sub3A_297 = arith.constant 1 : i32
    %sub3A_298 = arith.subi %div3A_277, %sub3A_297 : i32
    %select_n3A_299 = arith.select %and3A_296, %sub3A_298, %div3A_277 : i32
    %jit3A_300 = arith.constant 16384 : i32
    %eq3A_301 = arith.constant 0 : i32
    %eq3A_302 = arith.cmpi eq, %jit3A_300, %eq3A_301 : i32
    %jit3A_303 = arith.constant 1 : i32
    %select_n3A_304 = arith.select %eq3A_302, %jit3A_303, %jit3A_300 : i32
    %rem3A_305 = arith.remsi %add3A_275, %select_n3A_304 : i32
    %ne3A_306 = arith.constant 0 : i32
    %ne3A_307 = arith.cmpi ne, %rem3A_305, %ne3A_306 : i32
    %lt3A_308 = arith.constant 0 : i32
    %lt3A_309 = arith.cmpi slt, %rem3A_305, %lt3A_308 : i32
    %lt3A_310 = arith.constant 0 : i32
    %lt3A_311 = arith.cmpi slt, %select_n3A_304, %lt3A_310 : i32
    %ne3A_312 = arith.xori %lt3A_309, %lt3A_311 : i1
    %and3A_313 = arith.andi %ne3A_312, %ne3A_307 : i1
    %add3A_314 = arith.addi %rem3A_305, %select_n3A_304 : i32
    %select_n3A_315 = arith.select %and3A_313, %add3A_314, %rem3A_305 : i32
    %dma_wait3A_316 = arith.constant 0 : i32
    %dma_wait3A_317 = arith.constant 0 : i32
    %dma_wait3A_318 = tpu.memref_slice %arg9[%dma_wait3A_316, %dma_wait3A_317] : memref<64x264xf32, #tpu.memory_space<vmem>> -> memref<64x256xf32, #tpu.memory_space<vmem>>
    %dma_wait3A_319 = arith.constant 0 : i32
    %dma_wait3A_320 = tpu.memref_slice %arg4[%select_n3A_299, %dma_wait3A_319, %select_n3A_315] : memref<50x64x16384xf32, #tpu.memory_space<hbm>> -> memref<1x64x256xf32, #tpu.memory_space<hbm>>
    %dma_wait3A_321 = tpu.memref_squeeze %dma_wait3A_320 : memref<1x64x256xf32, #tpu.memory_space<hbm>> -> memref<64x256xf32, #tpu.memory_space<hbm>>
    %dma_wait3A_322 = arith.constant 0 : i32
    %dma_wait3A_323 = tpu.memref_slice %arg4[%select_n3A_299, %dma_wait3A_322, %select_n3A_315] : memref<50x64x16384xf32, #tpu.memory_space<hbm>> -> memref<1x64x256xf32, #tpu.memory_space<hbm>>
    %dma_wait3A_324 = tpu.memref_squeeze %dma_wait3A_323 : memref<1x64x256xf32, #tpu.memory_space<hbm>> -> memref<64x256xf32, #tpu.memory_space<hbm>>
    %dma_wait3A_325 = arith.constant 0 : i32
    %dma_wait3A_326 = arith.constant 0 : i32
    %dma_wait3A_327 = tpu.memref_slice %arg9[%dma_wait3A_325, %dma_wait3A_326] : memref<64x264xf32, #tpu.memory_space<vmem>> -> memref<64x256xf32, #tpu.memory_space<vmem>>
    tpu.wait_dma2 semaphore(%arg12 : memref<!tpu.dma_semaphore, #tpu.memory_space<semaphore_mem>>) src(%dma_wait3A_327 : memref<64x256xf32, #tpu.memory_space<vmem>>) dst(%dma_wait3A_324 : memref<64x256xf32, #tpu.memory_space<hbm>>)
    return
  }
}

</mosaic_0001>

<sc_bundles>
// kernel: kernel.3.cloned.1.call-start
scs
__scs_entry_jumppad:
0x0: {  	(pc) =	sbr.rel $0x88, $3  }
0x1: {  	(tag) =	ssettag $0x0;
	lr =	simm.s32 $0x1  }
0x2: {  	[smem:$0x3F9F] =	sst lr;
	_ =	strace $0xD0000000  }
0x3: {  	_ = 	snop  }
0x4: {  	_ = 	snop  }
0x5: {  	_ = 	snop  }
0x6: {  	_ = 	snop  }
0x7: {  	_ = 	snop  }
__scs_overlays_trampoline_lowered:
0x8: {  	[smem:$0x3FAE] =	sst s0  }
0x9: {  	[smem:$0x3FAF] =	sst s1  }
0xa: {  	[smem:$0x3FB0] =	sst s2  }
0xb: {  	[smem:$0x3FB1] =	sst s3  }
0xc: {  	[smem:$0x3FB2] =	sst s4  }
0xd: {  	[smem:$0x3FB3] =	sst s5  }
0xe: {  	[smem:$0x3FB4] =	sst s6  }
0xf: {  	[smem:$0x3FB5] =	sst s7  }
0x10: {  	[smem:$0x3FB6] =	sst s8  }
0x11: {  	[smem:$0x3FB7] =	sst s9;
	s0 =	simm.s32 @!p0 $0x0  }
0x12: {  	s1 =	sld [smem:$0x3F9D];
	s0 =	simm.s32 @p0 $0x1  }
0x13: {  	[smem:$0x3FB8] =	sst s0;
	s0 =	simm.s32 @!p1 $0x0  }
0x14: {  	s2 =	sld [smem:$0x3F9C];
	s0 =	simm.s32 @p1 $0x1  }
0x15: {  	[smem:$0x3FB9] =	sst s0;
	s0 =	simm.s32 @!p2 $0x0  }
0x16: {  	s3 =	sld [smem:$0x3FDB];
	s0 =	simm.s32 @p2 $0x1  }
0x17: {  	s4 =	simm.s32 $0x1BF5;
	[smem:$0x3FBB] =	sst s0  }
0x18: {  	s0 =	sld [smem:$0x3F9E];
	_ =	swait.ge [sflag:s4], $0x0  }
0x19: {  	s7 =	sld [smem:$0x3F9F]  }
0x1a: {  	s8 =	sadd.s32 $0xFFFFE003, lr  }
0x1b: {  	s9 =	sadd.s32 $0xFFFFFEF7, lr;
	s5 =	simm.s32 $0xFFFFFFFF;
	p2 =	slt.u32 s8, $0xFFFFF086  }
0x1c: {  	p1 =	slt.u32 s9, $0xF7A;
	s5 =	simm.s32 @!p2 $0x0  }
0x1d: {  	s5 =	simm.s32 @p1 $0x1;
	p0 =	seq.s32 s7, s2  }
0x1e: {  	s7 =	smul.u32 @!p0 $0xF7A, s2;
	p2 =	seq.s32 @!p0 s5, $0x0  }
0x1f: {  	s9 =	smul.u32 $0xF7A, s1;
	s8 =	simm.s32 @!p0 $0x1BF5;
	p2 =	por !p2, p0  }
0x20: {  	[sflag:s8] =	ssyncset.s32 @!p0 $0xFFFFF086;
	s6 =	sadd.s32 @!p0 s3, s7;
	s7 =	simm.s32 @!p0 $0x108  }
0x21: {  	s3 =	sadd.s32 s3, s9;
	s6 =	sadd.s32 @!p0 $0x88, s6;
	s7 =	simm.s32 @p2 $0x1082  }
0x22: {  	[simem:s7], [sflag:s8] =	dma.local @!p0 [hbm:s6], $0xF7A  }
0x23: {  	s9 =	sor.u32 $0xD0000000, s2;
	s6 =	simm.s32 $0x108;
	_ =	swait.ge @!p0 [sflag:s8], $0x0  }
0x24: {  	s3 =	sadd.s32 $0x88, s3;
	s6 =	simm.s32 @!p1 $0x1082;
	[sflag:s4] =	ssyncset.s32 $0xFFFFF086  }
0x25: {  	[simem:s6], [sflag:s4] =	dma.local [hbm:s3], $0xF7A  }
0x26: {  	[smem:$0x3F9F] =	sst s1;
	(tag) =	ssettag s2;
	_ =	strace s9  }
0x27: {  	s1 =	sld [smem:$0x3FAF]  }
0x28: {  	s2 =	sld [smem:$0x3FB0]  }
0x29: {  	s4 =	sld [smem:$0x3FB2]  }
0x2a: {  	p0 =	seq.s32 s5, $0x0;
	s5 =	sld [smem:$0x3FB3]  }
0x2b: {  	s6 =	sld [smem:$0x3FB4]  }
0x2c: {  	s7 =	sld [smem:$0x3FB5]  }
0x2d: {  	s3 =	simm.s32 $0x108;
	s8 =	sld [smem:$0x3FB6]  }
0x2e: {  	s3 =	simm.s32 @!p0 $0x1082;
	s9 =	sld [smem:$0x3FB7]  }
0x2f: {  	lr =	sadd.s32 s0, s3;
	s0 =	sld [smem:$0x3FAE]  }
0x30: {  	s3 =	sld [smem:$0x3FB1]  }
0x31: {  	[smem:$0x3FBA] =	sst s10  }
0x32: {  	s10 =	sld [smem:$0x3FB8];
	_ =	sdelay $0x3  }
0x33: {  	p0 =	seq.s32 s10, $0x1;
	s10 =	sld [smem:$0x3FBA];
	_ =	sdelay $0x3  }
0x34: {  	[smem:$0x3FBA] =	sst s10  }
0x35: {  	s10 =	sld [smem:$0x3FB9];
	_ =	sdelay $0x3  }
0x36: {  	p1 =	seq.s32 s10, $0x1;
	s10 =	sld [smem:$0x3FBA];
	_ =	sdelay $0x3  }
0x37: {  	[smem:$0x3FBA] =	sst s10  }
0x38: {  	s10 =	sld [smem:$0x3FBB]  }
0x39: {  	_ = 	snop;
	(pc) =	sbr.ind lr, $3  }
0x3a: {  	_ = 	snop  }
0x3b: {  	_ = 	snop  }
0x3c: {  	p2 =	seq.s32 s10, $0x1;
	s10 =	sld [smem:$0x3FBA]  }
0x3d: {  	_ =	shalt  }
0x3e: {  	_ =	shalt  }
0x3f: {  	_ =	shalt  }
0x40: {  	_ =	shalt  }
0x41: {  	_ =	shalt  }
0x42: {  	_ =	shalt  }
0x43: {  	_ =	shalt  }
0x44: {  	_ =	shalt  }
0x45: {  	_ =	shalt  }
0x46: {  	_ =	shalt  }
0x47: {  	_ =	shalt  }
0x48: {  	_ =	shalt  }
0x49: {  	_ =	shalt  }
0x4a: {  	_ =	shalt  }
0x4b: {  	_ =	shalt  }
0x4c: {  	_ =	shalt  }
0x4d: {  	_ =	shalt  }
0x4e: {  	_ =	shalt  }
0x4f: {  	_ =	shalt  }
0x50: {  	_ =	shalt  }
0x51: {  	_ =	shalt  }
0x52: {  	_ =	shalt  }
0x53: {  	_ =	shalt  }
0x54: {  	_ =	shalt  }
0x55: {  	_ =	shalt  }
0x56: {  	_ =	shalt  }
0x57: {  	_ =	shalt  }
0x58: {  	_ =	shalt  }
0x59: {  	_ =	shalt  }
0x5a: {  	_ =	shalt  }
0x5b: {  	_ =	shalt  }
0x5c: {  	_ =	shalt  }
0x5d: {  	_ =	shalt  }
0x5e: {  	_ =	shalt  }
0x5f: {  	_ =	shalt  }
0x60: {  	_ =	shalt  }
0x61: {  	_ =	shalt  }
0x62: {  	_ =	shalt  }
0x63: {  	_ =	shalt  }
0x64: {  	_ =	shalt  }
0x65: {  	_ =	shalt  }
0x66: {  	_ =	shalt  }
0x67: {  	_ =	shalt  }
0x68: {  	_ =	shalt  }
0x69: {  	_ =	shalt  }
0x6a: {  	_ =	shalt  }
0x6b: {  	_ =	shalt  }
0x6c: {  	_ =	shalt  }
0x6d: {  	_ =	shalt  }
0x6e: {  	_ =	shalt  }
0x6f: {  	_ =	shalt  }
0x70: {  	_ =	shalt  }
0x71: {  	_ =	shalt  }
0x72: {  	_ =	shalt  }
0x73: {  	_ =	shalt  }
0x74: {  	_ =	shalt  }
0x75: {  	_ =	shalt  }
0x76: {  	_ =	shalt  }
0x77: {  	_ =	shalt  }
0x78: {  	_ =	shalt  }
0x79: {  	_ =	shalt  }
0x7a: {  	_ =	shalt  }
0x7b: {  	_ =	shalt  }
0x7c: {  	_ =	shalt  }
0x7d: {  	_ =	shalt  }
0x7e: {  	_ =	shalt  }
0x7f: {  	_ =	shalt  }
0x80: {  	_ =	shalt  }
0x81: {  	_ =	shalt  }
0x82: {  	_ =	shalt  }
0x83: {  	_ =	shalt  }
0x84: {  	_ =	shalt  }
0x85: {  	_ =	shalt  }
0x86: {  	_ =	shalt  }
0x87: {  	_ =	shalt  }
.Lfunc_end0:
.L_simem_size_0:
called_computation_lowered:
.L_overlay_start_0:
0x88: {  	s2 =	sld [smem:$0x3FD9]  }
0x89: {  	s3 =	sld [smem:$0x3FFE];
	_ =	sdelay $0x1  }
0x8a: {  	s1 =	srdreg.scid  }
0x8b: {  	s0 =	sand.u32 $0x1, s1  }
0x8c: {  	s17 =	sshll.u32 s0, $0xA;
	s2 =	sadd.s32 s3, s2  }
0x8d: {  	s2 =	sadd.s32 s2, s17  }
0x8e: {  	[smem:$0x3FC6] =	sst s2  }
0x8f: {  	_ = 	snop  }
0x90: {  	s2 =	sld [smem:$0x3FD0];
	(tm) =	ssettm $0x1  }
0x91: {  	s18 =	sld [smem:$0x3FFB];
	_ =	sdelay $0x3  }
0x92: {  	_ =	strace s18  }
0x93: {  	s3 =	sld [smem:$0x3FFC];
	_ =	sdelay $0x3  }
0x94: {  	_ =	strace s3  }
0x95: {  	s3 =	sld [smem:$0x3FFD];
	_ =	sdelay $0x3  }
0x96: {  	_ =	strace s3  }
0x97: {  	_ =	strace $0x8FFFFFFF  }
0x98: {  	s19 =	sld [smem:$0x3FDB];
	_ =	sdelay $0x1  }
0x99: {  	s4 =	simm.s32 $_scs_section_size  }
0x9a: {  	s5 =	simm.s32 $_size__tile_overlayer_lowered;
	s6 =	simm.s32 $_tile_overlayer_lowered  }
0x9b: {  	s22 =	simm.s32 $0x1BFF;
	s21 =	sshll.u32 s6, $0x1;
	s3 =	sadd.s32 s4, s19  }
0x9c: {  	s7 =	simm.s32 $0x0;
	s20 =	sshll.u32 s5, $0x1;
	s5 =	sadd.s32 s21, s3  }
0x9d: {  	[timem:s7], [sflag:s22] =	dma.local [hbm:s5], s20  }
0x9e: {  	_ =	swait.ge [sflag:s22], s20  }
0x9f: {  	s4 =	ssub.s32 $0x0, s20;
	[sflag:s22] =	ssyncset.done $0x0  }
0xa0: {  	[sflag:s22] =	ssyncadd.s32 s4;
	_ =	sdelay $0x1  }
0xa1: {  	s23 =	simm.s32 $0x1B8B  }
0xa2: {  	_ =	swait.ge [sflag:s23], $0x1  }
0xa3: {  	[sflag:s23] =	ssyncset.done $0x0  }
0xa4: {  	s25 =	simm.s32 $0x1B8E;
	s24 =	sld [smem:$0x3FFE];
	[sflag:s23] =	ssyncadd.s32 $0xFFFFFFFF  }
0xa5: {  	s26 =	simm.s32 $execute0_lowered;
	[smem:$0x3FD2] =	sst s25  }
0xa6: {  	s5 =	sshll.u32 s26, $0x1;
	_ =	strace $0x80000046;
	[dreg:$0x1] =	wrdreg $0xFFFFFFFF  }
0xa7: {  	s28 =	simm.s32 $_size_execute0_lowered;
	s3 =	sadd.s32 s3, s5;
	[dreg:$0x0] =	wrdreg $0x0  }
0xa8: {  	s5 =	sshll.u32 s28, $0x1;
	[dreg:$0x2] =	wrdreg s3  }
0xa9: {  	[dreg:$0x3] =	wrdreg s5  }
0xaa: {  	[dreg:$0x4] =	wrdreg $0xC0  }
0xab: {  	_ =	task [dreg:s7], $0x5FFFF  }
0xac: {  	[dreg:$0x1] =	wrdreg $0xFFFFFFFF  }
0xad: {  	[dreg:$0x0] =	wrdreg $0x60  }
0xae: {  	[dreg:$0x2] =	wrdreg s24  }
0xaf: {  	[dreg:$0x3] =	wrdreg s2  }
0xb0: {  	[dreg:$0x4] =	wrdreg $0x9  }
0xb1: {  	_ =	task.clear_ibuf [dreg:s7], $0x5FFFF;
	_ =	strace $0x90000046  }
0xb2: {  	s29 =	simm.s32 $0x9;
	_ =	strace $0x80000048  }
0xb3: {  	_ =	swait.ge [sflag:s29], $0x1  }
0xb4: {  	[sflag:s29] =	ssyncadd.s32 $0xFFFFFFFF  }
0xb5: {  	_ =	strace $0x90000048  }
0xb6: {  	_ =	sfence  }
0xb7: {  	s30 =	sld [smem:$0x0];
	_ =	sdelay $0x2  }
0xb8: {  	s31 =	sshll.u32 s1, $0xD;
	s1 =	sshrl.u32 s1, $0x2  }
0xb9: {  	s3 =	sand.u32 $0x4000, s31;
	s1 =	sadd.s32 s1, s30  }
0xba: {  	s0 =	sor.u32 s3, s0;
	s1 =	sshll.u32 s1, $0x11  }
0xbb: {  	s0 =	sor.u32 s1, s0  }
0xbc: {  	s0 =	sadd.s32 $0x8F2B, s0  }
0xbd: {  	[sflag:s0] =	ssyncadd.remote.s32 $0x1  }
0xbe: {  	_ =	sfence.sel $0xFFFF  }
0xbf: {  	[dreg:$0x0] =	wrdreg $0xFFFFFFFF;
	(pc) =	sbr.abs _section_cstart, $3  }
0xc0: {  	[dreg:$0x1] =	wrdreg $0xFFFFFFFF  }
0xc1: {  	_ =	task.clear_ibuf [dreg:s7], $0x2FFFF;
	_ =	strace $0x9FFFFFFF  }
0xc2: {  	(tm) =	ssettm $0x7FFFFFFF  }
0xc3: {  	_ =	shalt  }
tec
execute0_lowered:
.L_overlay_start_1:
0x0: {  	(tag) =	ssettag $0x1  }
0x1: {  	v0 =	vimm.s32 $0xF80  }
0x2: {  	vm14 =	vcmask $0x300;
	vm13 =	vcmask $0x704;
	vm12 =	vcmask $0xB08  }
0x3: {  	vm11 =	vcmask $0xF0C;
	vm10 =	vcmask $0x1310;
	vm9 =	vcmask $0x1714  }
0x4: {  	vm8 =	vcmask $0x1B18;
	vm7 =	vcmask $0x1F1C;
	vm6 =	vcmask $0x2320  }
0x5: {  	vm5 =	vcmask $0x2724;
	vm4 =	vcmask $0x2B28;
	vm3 =	vcmask $0x2F2C  }
0x6: {  	vm2 =	vcmask $0x3330;
	vm1 =	vcmask $0x3734;
	vm0 =	vcmask $0x3B38  }
0x7: {  	v1 =	vimm.s32 $0x2780;
	v2 =	vimm.s32 $0x3F80;
	v3 =	vimm.s32 $0x5780  }
0x8: {  	v0 =	vsel vm14, $0x0, v0;
	v1 =	vsel vm14, $0x1800, v1;
	v2 =	vsel vm14, $0x3000, v2  }
0x9: {  	s0 =	rddreg [dreg:$0x0];
	s1 =	srdreg.scid;
	v3 =	vsel vm14, $0x4800, v3;
	v0 =	vsel vm13, $0x80, v0;
	v1 =	vsel vm13, $0x1880, v1  }
0xa: {  	s2 =	stileid.u32;
	s9 =	rddreg [dreg:$0x1];
	s3 =	simm.s32 $0x0;
	v2 =	vsel vm13, $0x3080, v2;
	v3 =	vsel vm13, $0x4880, v3;
	v0 =	vsel vm12, $0x100, v0  }
0xb: {  	s14 =	simm.s32 $0x4;
	s15 =	simm.s32 $0x100;
	s18 =	simm.s32 $0x1;
	v1 =	vsel vm12, $0x1900, v1;
	v2 =	vsel vm12, $0x3100, v2;
	v3 =	vsel vm12, $0x4900, v3  }
0xc: {  	s19 =	simm.s32 $0x10200;
	s28 =	simm.s32 $0x2;
	s29 =	simm.s32 $0x3;
	v0 =	vsel vm11, $0x180, v0;
	v1 =	vsel vm11, $0x1980, v1;
	v2 =	vsel vm11, $0x3180, v2  }
0xd: {  	s1 =	sand.u32 $0x1, s1;
	s4 =	sshll.u32 s2, $0x1;
	[smem:$0x7FF] =	sst s3;
	v3 =	vsel vm11, $0x4980, v3;
	v0 =	vsel vm10, $0x200, v0;
	v1 =	vsel vm10, $0x1A00, v1  }
0xe: {  	s5 =	sadd.s32 $0xF42A00, s0;
	s4 =	sor.u32 s1, s4;
	s1 =	ssub.s32 $0x2, s1;
	v2 =	vsel vm10, $0x3200, v2;
	v3 =	vsel vm10, $0x4A00, v3;
	v0 =	vsel vm9, $0x280, v0  }
0xf: {  	s6 =	sadd.s32 $0xF5BA00, s0;
	s4 =	smul.u32 $0x6400, s4;
	s20 =	sshrl.u32 s1, $0x1;
	v1 =	vsel vm9, $0x1A80, v1;
	v2 =	vsel vm9, $0x3280, v2;
	v3 =	vsel vm9, $0x4A80, v3  }
0x10: {  	s10 =	smov.u32 s9;
	_ =	strace $0x80000047;
	s0 =	ssub.s32 s1, s20;
	v0 =	vsel vm8, $0x300, v0;
	v1 =	vsel vm8, $0x1B00, v1;
	v2 =	vsel vm8, $0x3300, v2  }
0x11: {  	s20 =	simm.s32 $0x10E00;
	s7 =	sshrl.u32 s4, $0x3;
	s23 =	sadd.s32 $0x6200, s4;
	v3 =	vsel vm8, $0x4B00, v3;
	v0 =	vsel vm7, $0x380, v0;
	v1 =	vsel vm7, $0x1B80, v1  }
0x12: {  	s24 =	sor.u32 $0x200, s4;
	s25 =	sor.u32 $0x300, s4;
	s8 =	sadd.s32 $0x6300, s4;
	v2 =	vsel vm7, $0x3380, v2;
	v3 =	vsel vm7, $0x4B80, v3;
	v0 =	vsel vm6, $0xC00, v0  }
0x13: {  	s0 =	smax.u32 s0, $0x1;
	s21 =	sadd.s32 s5, s7;
	[dreg:$0x5] =	wrdreg s24;
	v1 =	vsel vm6, $0x2400, v1;
	v2 =	vsel vm6, $0x3C00, v2;
	v3 =	vsel vm6, $0x5400, v3  }
0x14: {  	[dreg:$0x6] =	wrdreg s25;
	s26 =	sshll.u32 s23, $0x3;
	s1 =	sand.u32 $0x3E00, s23;
	v0 =	vsel vm5, $0xC80, v0;
	v1 =	vsel vm5, $0x2480, v1;
	v2 =	vsel vm5, $0x3C80, v2  }
0x15: {  	s11 =	sshll.u32 s8, $0x3;
	s8 =	sand.u32 $0x3F00, s8;
	[dreg:$0x9] =	wrdreg s0;
	v3 =	vsel vm5, $0x5480, v3;
	v0 =	vsel vm4, $0xD00, v0;
	v1 =	vsel vm4, $0x2500, v1  }
0x16: {  	s23 =	simm.s32 $0x13200;
	s24 =	simm.s32 $0x13E00;
	s25 =	simm.s32 $0x14A00;
	v2 =	vsel vm4, $0x3D00, v2;
	v3 =	vsel vm4, $0x5500, v3;
	v0 =	vsel vm3, $0xD80, v0  }
0x17: {  	[dreg:$0x3] =	wrdreg s21;
	s22 =	sadd.s32 $0x20, s21;
	s7 =	sand.u32 $0xFE0000, s26;
	v1 =	vsel vm3, $0x2580, v1;
	v2 =	vsel vm3, $0x3D80, v2;
	v3 =	vsel vm3, $0x5580, v3  }
0x18: {  	s1 =	sadd.s32 s9, s1;
	s30 =	sand.u32 $0xFE0000, s11;
	s31 =	sadd.s32 s9, s8;
	v0 =	vsel vm2, $0xE00, v0;
	v1 =	vsel vm2, $0x2600, v1;
	v2 =	vsel vm2, $0x3E00, v2  }
0x19: {  	s21 =	simm.s32 $0x11A00;
	[dreg:$0x4] =	wrdreg s22;
	s1 =	sadd.s32 s7, s1;
	v3 =	vsel vm2, $0x5600, v3;
	v0 =	vsel vm1, $0xE80, v0;
	v1 =	vsel vm1, $0x2680, v1  }
0x1a: {  	s26 =	simm.s32 $0x15600;
	[dreg:$0x7] =	wrdreg s1;
	s1 =	sadd.s32 s30, s31;
	v2 =	vsel vm1, $0x3E80, v2;
	v3 =	vsel vm1, $0x5680, v3;
	v0 =	vsel vm0, $0xF00, v0  }
0x1b: {  	s9 =	simm.s32 $0x0;
	s22 =	simm.s32 $0x12600;
	[dreg:$0x8] =	wrdreg s1;
	v1 =	vsel vm0, $0x2700, v1;
	v2 =	vsel vm0, $0x3F00, v2;
	v3 =	vsel vm0, $0x5700, v3  }
.LBB2_1:
0x1c: {  	[dreg:$0xa] =	wrdreg s9  }
0x1d: {  	s0 =	rddreg [dreg:$0x3]  }
0x1e: {  	[tilespmem:s3], [sflag:$0x4] =	stream.linear.gather [hbm4b:s0+s3], $0x100, $0x38;
	[tilespmem:$0x16200] =	vst v63  }
0x1f: {  	_ =	swait.ge [sflag:s14], $0x100  }
0x20: {  	[sflag:s14] =	ssyncset.done $0x0  }
0x21: {  	s16 =	simm.s32 $0x200;
	[sflag:s14] =	ssyncadd.s32 $0xFFFFFF00  }
0x22: {  	[tilespmem:s16], [sflag:$0x1] =	stream.indirect.gather [hbm4b:s6+s15], $0x80, s3, s15, $0xb8;
	[tilespmem:$0x16200] =	vst v63  }
0x23: {  	s17 =	rddreg [dreg:$0x4]  }
0x24: {  	[tilespmem:s15], [sflag:$0x4] =	stream.linear.gather [hbm4b:s17+s3], $0x100, $0x38;
	[tilespmem:$0x16200] =	vst v63  }
0x25: {  	_ =	swait.ge [sflag:s14], $0x100  }
0x26: {  	[sflag:s14] =	ssyncset.done $0x0  }
0x27: {  	s30 =	simm.s32 $0x8200;
	s31 =	simm.s32 $0x0;
	[sflag:s14] =	ssyncadd.s32 $0xFFFFFF00  }
0x28: {  	[tilespmem:s30], [sflag:$0x2] =	stream.indirect.gather [hbm4b:s6+s15], $0x80, s15, s15, $0xb8;
	[tilespmem:$0x16200] =	vst v63  }
.LBB2_2:
0x29: {  	s0 =	simm.s32 $0x0  }
0x2a: {  	s1 =	simm.s32 $0x2;
	s7 =	simm.s32 $0x3;
	s11 =	simm.s32 $0x4;
	v4 =	vmov s0  }
0x2b: {  	s12 =	simm.s32 $0x5;
	s13 =	simm.s32 $0x6;
	v5 =	vmov s1;
	v6 =	vmov s7;
	v7 =	vmov s11  }
0x2c: {  	s9 =	simm.s32 $0x1;
	v8 =	vmov s12;
	v9 =	vmov s13;
	v12 =	vand.u32 $0x78, v4  }
0x2d: {  	v10 =	vshll.u32 v4, $0x3;
	v4 =	vmov s9;
	v13 =	vand.u32 $0x7A, v5  }
0x2e: {  	_ =	swait.ge [sflag:s18], $0x8000;
	s16 =	simm.s32 $0x7;
	v14 =	vand.u32 $0x7B, v6;
	v15 =	vand.u32 $0x7C, v7;
	v16 =	vand.u32 $0x7D, v8  }
0x2f: {  	p0 =	seq.s32 s31, $0x0;
	[sflag:s18] =	ssyncset.done $0x0;
	v17 =	vand.u32 $0x7E, v9;
	v18 =	vshll.u32 v5, $0x3;
	v5 =	vmov s16  }
0x30: {  	s1 =	simm.s32 @!p0 $0x3;
	[sflag:s18] =	ssyncadd.s32 $0xFFFF8000;
	v19 =	vshll.u32 v6, $0x3;
	v20 =	vshll.u32 v7, $0x3;
	v21 =	vshll.u32 v8, $0x3  }
0x31: {  	v22 =	vshll.u32 v9, $0x3;
	v11 =	vand.u32 $0x79, v4;
	_ =	swait.ge @!p0 [sflag:s1], $0x4000;
	v6 =	vshll.u32 v5, $0x3  }
0x32: {  	v4 =	vshll.u32 v4, $0x3;
	v5 =	vand.u32 $0x7F, v5;
	[sflag:s1] =	ssyncset.done @!p0 $0x0;
	v6 =	vand.u32 $0x400, v6  }
0x33: {  	s30 =	simm.s32 $0x400;
	v7 =	vand.u32 $0x400, v19;
	v4 =	vand.u32 $0x400, v4;
	[sflag:s1] =	ssyncadd.s32 @!p0 $0xFFFFC000;
	v5 =	vor.u32 v5, v6  }
0x34: {  	v4 =	vor.u32 v11, v4;
	v6 =	vand.u32 $0x400, v18;
	v11 =	vld [tilespmem:s30+$0x180];
	v18 =	vadd.s32 v0, v5  }
0x35: {  	v8 =	vand.u32 $0x400, v20;
	v7 =	vor.u32 v14, v7;
	v23 =	vld [tilespmem:s30+$0xFFFFFE80];
	v24 =	vadd.s32 v0, v4  }
0x36: {  	v9 =	vand.u32 $0x400, v21;
	v8 =	vor.u32 v15, v8;
	v27 =	vadd.s32 v0, v7;
	v20 =	vld [tilespmem:s30+$0xFFFFFF80]  }
0x37: {  	v9 =	vor.u32 v16, v9;
	v21 =	vadd.s32 v0, v8;
	v15 =	vld [tilespmem:s30+$0x0]  }
0x38: {  	v30 =	vadd.s32 v0, v9;
	v6 =	vor.u32 v13, v6;
	v13 =	vand.u32 $0x400, v22;
	v29 =	vld [tilespmem:s30+$0x80]  }
0x39: {  	s8 =	simm.s32 $0xC;
	v14 =	vand.u32 $0x400, v10;
	v19 =	vld [tilespmem:s30+$0xFFFFFF00];
	v25 =	vadd.s32 v0, v6;
	v10 =	vor.u32 v17, v13;
	[tilespmem:v18+s19+$0x0] =	vst.idx.msk $0xffff, v11  }
0x3a: {  	s7 =	simm.s32 $0xB;
	v28 =	vmov s8;
	v12 =	vor.u32 v12, v14;
	s1 =	simm.s32 $0xA;
	v31 =	vld [tilespmem:s30+$0x100];
	v32 =	vadd.s32 v0, v10;
	[tilespmem:v24+s19+$0x0] =	vst.idx.msk $0xffff, v23  }
0x3b: {  	s17 =	simm.s32 $0x8;
	s11 =	simm.s32 $0xD;
	s13 =	simm.s32 $0xE;
	v16 =	vadd.s32 v0, v12;
	v26 =	vmov s1;
	v22 =	vmov s7;
	[tilespmem:v27+s19+$0x0] =	vst.idx.msk $0xffff, v20;
	v20 =	vld [tilespmem:s30+$0xFFFFFE00]  }
0x3c: {  	v11 =	vmov s17;
	v27 =	vmov s11;
	v24 =	vmov s13;
	[tilespmem:v21+s19+$0x0] =	vst.idx.msk $0xffff, v15  }
0x3d: {  	s0 =	simm.s32 $0x9;
	v21 =	vand.u32 $0x7A, v26;
	[tilespmem:v30+s19+$0x0] =	vst.idx.msk $0xffff, v29;
	v18 =	vand.u32 $0x7C, v28;
	v13 =	vand.u32 $0x78, v11  }
0x3e: {  	v14 =	vshll.u32 v11, $0x3;
	[tilespmem:v25+s19+$0x0] =	vst.idx.msk $0xffff, v19;
	v25 =	vmov s0;
	v19 =	vand.u32 $0x7B, v22  }
0x3f: {  	s12 =	simm.s32 $0x10;
	s16 =	simm.s32 $0xF;
	v17 =	vand.u32 $0x7D, v27;
	v15 =	vand.u32 $0x7E, v24;
	v23 =	vand.u32 $0x79, v25;
	[tilespmem:v32+s19+$0x0] =	vst.idx.msk $0xffff, v31  }
.LBB2_3:
0x40: {  	p0 =	slt.u32 s12, $0xF8;
	v25 =	vshll.u32 v25, $0x3;
	v26 =	vshll.u32 v26, $0x3;
	v29 =	vmov s16;
	[tilespmem:v16+s19+$0x0] =	vst.idx.msk $0xffff, v20  }
0x41: {  	v16 =	vshll.u32 v22, $0x3;
	v20 =	vshll.u32 v28, $0x3;
	v22 =	vshll.u32 v29, $0x3  }
0x42: {  	v27 =	vshll.u32 v27, $0x3;
	v28 =	vand.u32 $0x7F, v29;
	v22 =	vand.u32 $0x400, v22  }
0x43: {  	v24 =	vshll.u32 v24, $0x3;
	s30 =	sadd.s32 $0x400, s30;
	v25 =	vand.u32 $0x400, v25;
	v22 =	vor.u32 v28, v22  }
0x44: {  	v23 =	vor.u32 v23, v25;
	v25 =	vand.u32 $0x400, v26;
	v26 =	vld [tilespmem:s30+$0x180];
	v22 =	vadd.s32 v0, v22  }
0x45: {  	v16 =	vand.u32 $0x400, v16;
	v23 =	vadd.s32 v0, v23;
	v21 =	vor.u32 v21, v25;
	v28 =	vld [tilespmem:s30+$0xFFFFFE80]  }
0x46: {  	v16 =	vor.u32 v19, v16;
	v19 =	vand.u32 $0x400, v20;
	v21 =	vadd.s32 v0, v21;
	v25 =	vld [tilespmem:s30+$0xFFFFFF00]  }
0x47: {  	v30 =	vadd.s32 v0, v16;
	v16 =	vor.u32 v18, v19;
	v18 =	vand.u32 $0x400, v27;
	v29 =	vld [tilespmem:s30+$0xFFFFFF80]  }
0x48: {  	v31 =	vadd.s32 v0, v16;
	v16 =	vor.u32 v17, v18;
	v17 =	vand.u32 $0x400, v24;
	v19 =	vld [tilespmem:s30+$0x0]  }
0x49: {  	v14 =	vand.u32 $0x400, v14;
	v32 =	vadd.s32 v0, v16;
	v15 =	vor.u32 v15, v17;
	v18 =	vld [tilespmem:s30+$0x80];
	[tilespmem:v22+s19+$0x0] =	vst.idx.msk $0xffff, v26  }
0x4a: {  	s16 =	sadd.s32 $0x1, s12;
	v16 =	vmov s12;
	v17 =	vor.u32 v13, v14;
	v34 =	vadd.s32 v0, v15;
	[tilespmem:v23+s19+$0x0] =	vst.idx.msk $0xffff, v28;
	v33 =	vld [tilespmem:s30+$0x100]  }
.Ltmp0:
0x4b: {  	s17 =	sadd.s32 $0x2, s12;
	s2 =	sadd.s32 $0x3, s12;
	v13 =	vand.u32 $0x78, v16;
	v14 =	vshll.u32 v16, $0x3;
	v16 =	vadd.s32 v0, v17;
	v20 =	vld [tilespmem:s30+$0xFFFFFE00];
	[tilespmem:v21+s19+$0x0] =	vst.idx.msk $0xffff, v25;
	(pc) =	sbr.rel @p0 .LBB2_3-.Ltmp0, $4  }
0x4c: {  	v26 =	vmov s17;
	v22 =	vmov s2;
	s2 =	sadd.s32 $0x4, s12;
	s17 =	sadd.s32 $0x6, s12;
	v25 =	vmov s16;
	s16 =	sadd.s32 $0x5, s12;
	[tilespmem:v30+s19+$0x0] =	vst.idx.msk $0xffff, v29  }
0x4d: {  	v28 =	vmov s2;
	v24 =	vmov s17;
	v27 =	vmov s16;
	[tilespmem:v31+s19+$0x0] =	vst.idx.msk $0xffff, v19  }
0x4e: {  	v21 =	vand.u32 $0x7A, v26;
	v23 =	vand.u32 $0x79, v25;
	v19 =	vand.u32 $0x7B, v22;
	[tilespmem:v32+s19+$0x0] =	vst.idx.msk $0xffff, v18  }
0x4f: {  	v15 =	vand.u32 $0x7E, v24;
	s16 =	sadd.s32 $0x7, s12;
	s12 =	sadd.s32 $0x8, s12;
	v17 =	vand.u32 $0x7D, v27;
	v18 =	vand.u32 $0x7C, v28;
	[tilespmem:v34+s19+$0x0] =	vst.idx.msk $0xffff, v33  }
0x50: {  	_ = 	snop  }
0x51: {  	v29 =	vmov s16;
	v25 =	vshll.u32 v25, $0x3;
	v26 =	vshll.u32 v26, $0x3  }
0x52: {  	v22 =	vshll.u32 v22, $0x3;
	v28 =	vshll.u32 v28, $0x3;
	v27 =	vshll.u32 v27, $0x3  }
0x53: {  	v24 =	vshll.u32 v24, $0x3;
	v14 =	vand.u32 $0x400, v14;
	v25 =	vand.u32 $0x400, v25  }
0x54: {  	s2 =	sadd.s32 $0x400, s30;
	[tilespmem:v16+s19+$0x0] =	vst.idx.msk $0xffff, v20;
	v56 =	vand.u32 $0x400, v26;
	v20 =	vand.u32 $0x400, v24;
	v13 =	vor.u32 v13, v14  }
0x55: {  	v23 =	vor.u32 v23, v25;
	v15 =	vor.u32 v15, v20;
	v20 =	vld [tilespmem:s2+$0xFFFFFE00];
	v13 =	vadd.s32 v0, v13  }
0x56: {  	v58 =	vld [tilespmem:s2+$0xFFFFFE80];
	v22 =	vand.u32 $0x400, v22;
	v21 =	vor.u32 v21, v56;
	v23 =	vadd.s32 v0, v23  }
0x57: {  	v59 =	vld [tilespmem:s2+$0xFFFFFF00];
	v28 =	vand.u32 $0x400, v28;
	v19 =	vor.u32 v19, v22;
	v21 =	vadd.s32 v0, v21  }
0x58: {  	v60 =	vld [tilespmem:s2+$0xFFFFFF80];
	v27 =	vand.u32 $0x400, v27;
	v18 =	vor.u32 v18, v28;
	v19 =	vadd.s32 v0, v19  }
0x59: {  	v30 =	vshll.u32 v29, $0x3;
	v16 =	vld [tilespmem:s2+$0x0];
	v17 =	vor.u32 v17, v27;
	v18 =	vadd.s32 v0, v18  }
0x5a: {  	v29 =	vand.u32 $0x7F, v29;
	v61 =	vld [tilespmem:s2+$0x80];
	v30 =	vand.u32 $0x400, v30;
	v17 =	vadd.s32 v0, v17;
	[tilespmem:v13+s19+$0x0] =	vst.idx.msk $0xffff, v20  }
0x5b: {  	v14 =	vld [tilespmem:s2+$0x100];
	v29 =	vor.u32 v29, v30;
	v15 =	vadd.s32 v0, v15;
	[tilespmem:v23+s19+$0x0] =	vst.idx.msk $0xffff, v58  }
0x5c: {  	v57 =	vld [tilespmem:s2+$0x180];
	v29 =	vadd.s32 v0, v29;
	[tilespmem:v21+s19+$0x0] =	vst.idx.msk $0xffff, v59  }
0x5d: {  	[tilespmem:v19+s19+$0x0] =	vst.idx.msk $0xffff, v60  }
0x5e: {  	[tilespmem:v18+s19+$0x0] =	vst.idx.msk $0xffff, v16  }
0x5f: {  	[tilespmem:v17+s19+$0x0] =	vst.idx.msk $0xffff, v61  }
0x60: {  	[tilespmem:v15+s19+$0x0] =	vst.idx.msk $0xffff, v14  }
0x61: {  	s12 =	simm.s32 $0x410;
	[tilespmem:v29+s19+$0x0] =	vst.idx.msk $0xffff, v57  }
0x62: {  	v5 =	vadd.s32 v1, v5;
	v13 =	vld [tilespmem:s12+$0x180]  }
0x63: {  	v4 =	vadd.s32 v1, v4;
	v14 =	vld [tilespmem:s12+$0xFFFFFE80]  }
0x64: {  	v6 =	vadd.s32 v1, v6;
	v15 =	vld [tilespmem:s12+$0xFFFFFF00]  }
0x65: {  	v7 =	vadd.s32 v1, v7;
	v16 =	vld [tilespmem:s12+$0xFFFFFF80]  }
0x66: {  	v62 =	vadd.s32 v1, v8;
	v20 =	vld [tilespmem:s12+$0x0]  }
0x67: {  	v9 =	vadd.s32 v1, v9;
	v22 =	vld [tilespmem:s12+$0x80];
	[tilespmem:v5+s19+$0x0] =	vst.idx.msk $0xffff, v13  }
0x68: {  	v63 =	vadd.s32 v1, v10;
	v23 =	vld [tilespmem:s12+$0x100];
	[tilespmem:v4+s19+$0x0] =	vst.idx.msk $0xffff, v14  }
0x69: {  	v8 =	vadd.s32 v1, v12;
	v4 =	vand.u32 $0x78, v11;
	v5 =	vshll.u32 v11, $0x3;
	[tilespmem:v6+s19+$0x0] =	vst.idx.msk $0xffff, v15;
	v11 =	vld [tilespmem:s12+$0xFFFFFE00]  }
0x6a: {  	v17 =	vmov s0;
	v18 =	vmov s1;
	v19 =	vmov s8;
	[tilespmem:v7+s19+$0x0] =	vst.idx.msk $0xffff, v16  }
0x6b: {  	v12 =	vand.u32 $0x7A, v18;
	v15 =	vmov s7;
	v16 =	vmov s11;
	[tilespmem:v62+s19+$0x0] =	vst.idx.msk $0xffff, v20  }
0x6c: {  	v14 =	vmov s13;
	v13 =	vand.u32 $0x79, v17;
	[tilespmem:v9+s19+$0x0] =	vst.idx.msk $0xffff, v22;
	v9 =	vand.u32 $0x7C, v19  }
0x6d: {  	s1 =	simm.s32 $0xF;
	s0 =	simm.s32 $0x10;
	[tilespmem:v63+s19+$0x0] =	vst.idx.msk $0xffff, v23;
	v10 =	vand.u32 $0x7B, v15;
	v7 =	vand.u32 $0x7D, v16;
	v6 =	vand.u32 $0x7E, v14  }
.LBB2_5:
0x6e: {  	p0 =	slt.u32 s0, $0xF8;
	v17 =	vshll.u32 v17, $0x3;
	v18 =	vshll.u32 v18, $0x3;
	v20 =	vmov s1;
	[tilespmem:v8+s19+$0x0] =	vst.idx.msk $0xffff, v11  }
0x6f: {  	v8 =	vshll.u32 v15, $0x3;
	v11 =	vshll.u32 v19, $0x3;
	v15 =	vshll.u32 v20, $0x3  }
0x70: {  	v16 =	vshll.u32 v16, $0x3;
	v19 =	vand.u32 $0x7F, v20;
	v15 =	vand.u32 $0x400, v15  }
0x71: {  	v14 =	vshll.u32 v14, $0x3;
	s12 =	sadd.s32 $0x400, s12;
	v17 =	vand.u32 $0x400, v17;
	v15 =	vor.u32 v19, v15  }
0x72: {  	v13 =	vor.u32 v13, v17;
	v17 =	vand.u32 $0x400, v18;
	v18 =	vld [tilespmem:s12+$0x180];
	v15 =	vadd.s32 v1, v15  }
0x73: {  	v8 =	vand.u32 $0x400, v8;
	v13 =	vadd.s32 v1, v13;
	v12 =	vor.u32 v12, v17;
	v19 =	vld [tilespmem:s12+$0xFFFFFE80]  }
0x74: {  	v8 =	vor.u32 v10, v8;
	v10 =	vand.u32 $0x400, v11;
	v12 =	vadd.s32 v1, v12;
	v17 =	vld [tilespmem:s12+$0xFFFFFF00]  }
0x75: {  	v21 =	vadd.s32 v1, v8;
	v8 =	vor.u32 v9, v10;
	v9 =	vand.u32 $0x400, v16;
	v20 =	vld [tilespmem:s12+$0xFFFFFF80]  }
0x76: {  	v22 =	vadd.s32 v1, v8;
	v7 =	vor.u32 v7, v9;
	v8 =	vand.u32 $0x400, v14;
	v10 =	vld [tilespmem:s12+$0x0]  }
0x77: {  	v5 =	vand.u32 $0x400, v5;
	v7 =	vadd.s32 v1, v7;
	v6 =	vor.u32 v6, v8;
	v9 =	vld [tilespmem:s12+$0x80];
	[tilespmem:v15+s19+$0x0] =	vst.idx.msk $0xffff, v18  }
0x78: {  	s1 =	sadd.s32 $0x1, s0;
	v14 =	vor.u32 v4, v5;
	v8 =	vmov s0;
	v24 =	vadd.s32 v1, v6;
	[tilespmem:v13+s19+$0x0] =	vst.idx.msk $0xffff, v19;
	v23 =	vld [tilespmem:s12+$0x100]  }
.Ltmp1:
0x79: {  	s2 =	sadd.s32 $0x2, s0;
	s7 =	sadd.s32 $0x3, s0;
	v4 =	vand.u32 $0x78, v8;
	v5 =	vshll.u32 v8, $0x3;
	v8 =	vadd.s32 v1, v14;
	v11 =	vld [tilespmem:s12+$0xFFFFFE00];
	[tilespmem:v12+s19+$0x0] =	vst.idx.msk $0xffff, v17;
	(pc) =	sbr.rel @p0 .LBB2_5-.Ltmp1, $4  }
0x7a: {  	v18 =	vmov s2;
	v15 =	vmov s7;
	s2 =	sadd.s32 $0x5, s0;
	s7 =	sadd.s32 $0x6, s0;
	v17 =	vmov s1;
	s1 =	sadd.s32 $0x4, s0;
	[tilespmem:v21+s19+$0x0] =	vst.idx.msk $0xffff, v20  }
0x7b: {  	v16 =	vmov s2;
	v14 =	vmov s7;
	v19 =	vmov s1;
	[tilespmem:v22+s19+$0x0] =	vst.idx.msk $0xffff, v10  }
0x7c: {  	v12 =	vand.u32 $0x7A, v18;
	v13 =	vand.u32 $0x79, v17;
	v10 =	vand.u32 $0x7B, v15;
	[tilespmem:v7+s19+$0x0] =	vst.idx.msk $0xffff, v9  }
0x7d: {  	v6 =	vand.u32 $0x7E, v14;
	s1 =	sadd.s32 $0x7, s0;
	s0 =	sadd.s32 $0x8, s0;
	v9 =	vand.u32 $0x7C, v19;
	v7 =	vand.u32 $0x7D, v16;
	[tilespmem:v24+s19+$0x0] =	vst.idx.msk $0xffff, v23  }
0x7e: {  	v17 =	vshll.u32 v17, $0x3;
	v18 =	vshll.u32 v18, $0x3  }
0x7f: {  	v20 =	vmov s1;
	v15 =	vshll.u32 v15, $0x3;
	v19 =	vshll.u32 v19, $0x3  }
0x80: {  	v16 =	vshll.u32 v16, $0x3;
	v14 =	vshll.u32 v14, $0x3;
	v5 =	vand.u32 $0x400, v5  }
0x81: {  	v21 =	vshll.u32 v20, $0x3;
	v20 =	vand.u32 $0x7F, v20;
	v17 =	vand.u32 $0x400, v17  }
0x82: {  	s0 =	sadd.s32 $0x400, s12;
	v15 =	vand.u32 $0x400, v15;
	v21 =	vand.u32 $0x400, v21;
	v13 =	vor.u32 v13, v17  }
0x83: {  	[tilespmem:v8+s19+$0x0] =	vst.idx.msk $0xffff, v11;
	v11 =	vand.u32 $0x400, v14;
	v20 =	vor.u32 v20, v21;
	v21 =	vld [tilespmem:s0+$0xFFFFFE80];
	v13 =	vadd.s32 v1, v13  }
0x84: {  	v17 =	vand.u32 $0x400, v18;
	v18 =	vld [tilespmem:s0+$0x180];
	v10 =	vor.u32 v10, v15;
	v20 =	vadd.s32 v1, v20  }
0x85: {  	v15 =	vand.u32 $0x400, v19;
	v19 =	vld [tilespmem:s0+$0xFFFFFF80];
	v12 =	vor.u32 v12, v17;
	v10 =	vadd.s32 v1, v10  }
0x86: {  	v17 =	vld [tilespmem:s0+$0xFFFFFF00];
	v9 =	vor.u32 v9, v15;
	v15 =	vand.u32 $0x400, v16;
	v12 =	vadd.s32 v1, v12  }
0x87: {  	v8 =	vld [tilespmem:s0+$0x0];
	v4 =	vor.u32 v4, v5;
	v9 =	vadd.s32 v1, v9;
	v7 =	vor.u32 v7, v15  }
0x88: {  	s11 =	simm.s32 $0x0;
	s12 =	simm.s32 $0x1;
	v22 =	vld [tilespmem:s0+$0x80];
	v6 =	vor.u32 v6, v11;
	v7 =	vadd.s32 v1, v7;
	[tilespmem:v13+s19+$0x0] =	vst.idx.msk $0xffff, v21  }
0x89: {  	s17 =	simm.s32 $0x5;
	s30 =	simm.s32 $0x6;
	v5 =	vmov s11;
	v14 =	vmov s12;
	v6 =	vadd.s32 v1, v6;
	[tilespmem:v20+s19+$0x0] =	vst.idx.msk $0xffff, v18;
	v18 =	vld [tilespmem:s0+$0x100]  }
0x8a: {  	s13 =	simm.s32 $0x2;
	p1 =	por $0x1, $0x1;
	v11 =	vmov s30;
	v16 =	vmov s17;
	v21 =	vadd.s32 v1, v4;
	[tilespmem:v10+s19+$0x0] =	vst.idx.msk $0xffff, v19;
	v20 =	vld [tilespmem:s0+$0xFFFFFE00]  }
.Ltmp2:
0x8b: {  	s2 =	simm.s32 $0x3;
	s16 =	simm.s32 $0x4;
	v26 =	vmovc v14;
	v30 =	vmovc v11;
	v15 =	vmov s13;
	v4 =	vand.u32 $0x78, v5;
	v5 =	vshll.u32 v5, $0x3;
	[tilespmem:v12+s19+$0x0] =	vst.idx.msk $0xffff, v17;
	(pc) =	sbr.rel @!p1 .LBB2_10-.Ltmp2, $4  }
0x8c: {  	v32 =	vmovc v16;
	v28 =	vmovc v15;
	v13 =	vmov s2;
	v10 =	vand.u32 $0x7A, v15;
	[tilespmem:v9+s19+$0x0] =	vst.idx.msk $0xffff, v8;
	v17 =	vmov s16  }
0x8d: {  	s7 =	simm.s32 $0x420;
	v12 =	vand.u32 $0x79, v14;
	v9 =	vand.u32 $0x7B, v13;
	v29 =	vmovc v13;
	v27 =	vmovc v10;
	v19 =	vmov v5;
	[tilespmem:v7+s19+$0x0] =	vst.idx.msk $0xffff, v22  }
0x8e: {  	s1 =	simm.s32 $0x8;
	p0 =	por $0x0, $0x0;
	s8 =	simm.s32 $0x420;
	v8 =	vand.u32 $0x7C, v17;
	v7 =	vand.u32 $0x7D, v16;
	v33 =	vmovc v17;
	v31 =	vmovc v12;
	[tilespmem:v6+s19+$0x0] =	vst.idx.msk $0xffff, v18;
	v6 =	vand.u32 $0x7E, v11  }
0x8f: {  	p2 =	por $0x0, $0x0;
	s12 =	simm.s32 $0x7;
	s0 =	simm.s32 $0x7;
	v25 =	vmovc v9;
	v24 =	vmovc v8;
	v22 =	vmov v7;
	[tilespmem:v21+s19+$0x0] =	vst.idx.msk $0xffff, v20;
	v18 =	vmov v4;
	v21 =	vmov v6  }
0x90: {  	v18 =	vshll.u32 v14, $0x3;
	v19 =	vshll.u32 v15, $0x3;
	v20 =	vmov s0  }
0x91: {  	v21 =	vshll.u32 v13, $0x3;
	v22 =	vshll.u32 v17, $0x3;
	v24 =	vshll.u32 v16, $0x3  }
0x92: {  	v25 =	vshll.u32 v11, $0x3;
	v23 =	vshll.u32 v20, $0x3;
	v18 =	vand.u32 $0x400, v18  }
0x93: {  	v20 =	vand.u32 $0x7F, v20;
	v23 =	vand.u32 $0x400, v23;
	v18 =	vor.u32 v12, v18  }
0x94: {  	v26 =	vld [tilespmem:s7+$0xFFFFFE80];
	v19 =	vand.u32 $0x400, v19;
	v20 =	vor.u32 v20, v23;
	v18 =	vadd.s32 v2, v18  }
0x95: {  	v21 =	vand.u32 $0x400, v21;
	v19 =	vor.u32 v10, v19;
	v23 =	vld [tilespmem:s7+$0x180];
	v20 =	vadd.s32 v2, v20  }
0x96: {  	v27 =	vld [tilespmem:s7+$0xFFFFFF00];
	v28 =	vadd.s32 v2, v19;
	v19 =	vor.u32 v9, v21;
	v21 =	vand.u32 $0x400, v22  }
0x97: {  	v22 =	vld [tilespmem:s7+$0xFFFFFF80];
	v30 =	vadd.s32 v2, v19;
	v19 =	vor.u32 v8, v21;
	v21 =	vand.u32 $0x400, v24  }
0x98: {  	v24 =	vld [tilespmem:s7+$0x0];
	v31 =	vadd.s32 v2, v19;
	v19 =	vor.u32 v7, v21;
	v21 =	vand.u32 $0x400, v25  }
0x99: {  	v34 =	vld [tilespmem:s7+$0x80];
	v25 =	vand.u32 $0x400, v5;
	v35 =	vadd.s32 v2, v19;
	v19 =	vor.u32 v6, v21;
	[tilespmem:v18+s19+$0x0] =	vst.idx.msk $0xffff, v26  }
0x9a: {  	v36 =	vld [tilespmem:s7+$0x100];
	s11 =	simm.s32 $0xB;
	p3 =	por $0x1, $0x1;
	v21 =	vor.u32 v4, v25;
	v37 =	vadd.s32 v2, v19;
	[tilespmem:v20+s19+$0x0] =	vst.idx.msk $0xffff, v23;
	v20 =	vmov s1  }
.Ltmp3:
0x9b: {  	s16 =	simm.s32 $0xC;
	s17 =	simm.s32 $0xD;
	[tilespmem:v28+s19+$0x0] =	vst.idx.msk $0xffff, v27;
	v23 =	vld [tilespmem:s7+$0xFFFFFE00];
	v18 =	vand.u32 $0x78, v20;
	v19 =	vshll.u32 v20, $0x3;
	v20 =	vadd.s32 v2, v21;
	(pc) =	sbr.rel @!p3 .LBB2_8-.Ltmp3, $4  }
0x9c: {  	s2 =	simm.s32 $0x9;
	s8 =	simm.s32 $0xA;
	v29 =	vmov s11;
	v33 =	vmov s16;
	v32 =	vmov s17;
	[tilespmem:v30+s19+$0x0] =	vst.idx.msk $0xffff, v22  }
0x9d: {  	s30 =	simm.s32 $0xE;
	v25 =	vand.u32 $0x7B, v29;
	v26 =	vmov s2;
	v28 =	vmov s8;
	[tilespmem:v31+s19+$0x0] =	vst.idx.msk $0xffff, v24  }
0x9e: {  	s12 =	simm.s32 $0xF;
	v30 =	vmov s30;
	v27 =	vand.u32 $0x7A, v28;
	v22 =	vand.u32 $0x7D, v32;
	[tilespmem:v35+s19+$0x0] =	vst.idx.msk $0xffff, v34  }
0x9f: {  	p2 =	por $0x1, $0x1;
	s11 =	simm.s32 $0x10;
	s8 =	simm.s32 $0x420;
	v31 =	vand.u32 $0x79, v26;
	v24 =	vand.u32 $0x7C, v33;
	v21 =	vand.u32 $0x7E, v30;
	[tilespmem:v37+s19+$0x0] =	vst.idx.msk $0xffff, v36  }
.LBB2_9:
0xa0: {  	p3 =	slt.u32 s11, $0xF8;
	v26 =	vshll.u32 v26, $0x3;
	v28 =	vshll.u32 v28, $0x3;
	v34 =	vmov s12;
	[tilespmem:v20+s19+$0x0] =	vst.idx.msk $0xffff, v23  }
0xa1: {  	v20 =	vshll.u32 v29, $0x3;
	v23 =	vshll.u32 v33, $0x3;
	v29 =	vshll.u32 v34, $0x3  }
0xa2: {  	v32 =	vshll.u32 v32, $0x3;
	v33 =	vand.u32 $0x7F, v34;
	v29 =	vand.u32 $0x400, v29  }
0xa3: {  	v30 =	vshll.u32 v30, $0x3;
	s8 =	sadd.s32 $0x400, s8;
	v26 =	vand.u32 $0x400, v26;
	v29 =	vor.u32 v33, v29  }
0xa4: {  	v28 =	vand.u32 $0x400, v28;
	v26 =	vor.u32 v31, v26;
	v31 =	vld [tilespmem:s8+$0x180];
	v29 =	vadd.s32 v2, v29  }
0xa5: {  	v20 =	vand.u32 $0x400, v20;
	v27 =	vor.u32 v27, v28;
	v26 =	vadd.s32 v2, v26;
	v33 =	vld [tilespmem:s8+$0xFFFFFE80]  }
0xa6: {  	v23 =	vand.u32 $0x400, v23;
	v20 =	vor.u32 v25, v20;
	v27 =	vadd.s32 v2, v27;
	v28 =	vld [tilespmem:s8+$0xFFFFFF00]  }
0xa7: {  	v34 =	vadd.s32 v2, v20;
	v20 =	vor.u32 v24, v23;
	v23 =	vand.u32 $0x400, v32;
	v25 =	vld [tilespmem:s8+$0xFFFFFF80]  }
0xa8: {  	v35 =	vadd.s32 v2, v20;
	v20 =	vor.u32 v22, v23;
	v22 =	vand.u32 $0x400, v30;
	v24 =	vld [tilespmem:s8+$0x0]  }
0xa9: {  	v19 =	vand.u32 $0x400, v19;
	v37 =	vadd.s32 v2, v20;
	v20 =	vor.u32 v21, v22;
	v36 =	vld [tilespmem:s8+$0x80];
	[tilespmem:v29+s19+$0x0] =	vst.idx.msk $0xffff, v31  }
0xaa: {  	s2 =	sadd.s32 $0x1, s11;
	v21 =	vmov s11;
	v22 =	vor.u32 v18, v19;
	v39 =	vadd.s32 v2, v20;
	[tilespmem:v26+s19+$0x0] =	vst.idx.msk $0xffff, v33;
	v38 =	vld [tilespmem:s8+$0x100]  }
.Ltmp4:
0xab: {  	s12 =	sadd.s32 $0x2, s11;
	s13 =	sadd.s32 $0x3, s11;
	v18 =	vand.u32 $0x78, v21;
	v19 =	vshll.u32 v21, $0x3;
	v20 =	vadd.s32 v2, v22;
	v23 =	vld [tilespmem:s8+$0xFFFFFE00];
	[tilespmem:v27+s19+$0x0] =	vst.idx.msk $0xffff, v28;
	(pc) =	sbr.rel @p3 .LBB2_9-.Ltmp4, $4  }
0xac: {  	v29 =	vmov s13;
	s13 =	sadd.s32 $0x6, s11;
	v26 =	vmov s2;
	s2 =	sadd.s32 $0x4, s11;
	v28 =	vmov s12;
	s12 =	sadd.s32 $0x5, s11;
	[tilespmem:v34+s19+$0x0] =	vst.idx.msk $0xffff, v25  }
0xad: {  	v30 =	vmov s13;
	v33 =	vmov s2;
	v32 =	vmov s12;
	[tilespmem:v35+s19+$0x0] =	vst.idx.msk $0xffff, v24  }
0xae: {  	v31 =	vand.u32 $0x79, v26;
	v27 =	vand.u32 $0x7A, v28;
	v25 =	vand.u32 $0x7B, v29;
	[tilespmem:v37+s19+$0x0] =	vst.idx.msk $0xffff, v36  }
0xaf: {  	v21 =	vand.u32 $0x7E, v30;
	s12 =	sadd.s32 $0x7, s11;
	s11 =	sadd.s32 $0x8, s11;
	v24 =	vand.u32 $0x7C, v33;
	v22 =	vand.u32 $0x7D, v32;
	[tilespmem:v39+s19+$0x0] =	vst.idx.msk $0xffff, v38  }
.LBB2_10:
0xb0: {  	v34 =	vmov s12;
	v26 =	vshll.u32 v26, $0x3;
	v28 =	vshll.u32 v28, $0x3  }
0xb1: {  	v29 =	vshll.u32 v29, $0x3;
	v33 =	vshll.u32 v33, $0x3;
	v32 =	vshll.u32 v32, $0x3  }
0xb2: {  	s2 =	sadd.s32 @p2 $0x400, s8;
	v30 =	vshll.u32 v30, $0x3;
	v19 =	vand.u32 $0x400, v19;
	v35 =	vshll.u32 v34, $0x3  }
0xb3: {  	v34 =	vand.u32 $0x7F, v34;
	v26 =	vand.u32 $0x400, v26;
	s7 =	smov.u32 @p2 s2;
	v18 =	vor.u32 v18, v19  }
0xb4: {  	v28 =	vand.u32 $0x400, v28;
	v26 =	vor.u32 v31, v26;
	v63 =	vld [tilespmem:s7+$0xFFFFFE00];
	v18 =	vadd.s32 v2, v18  }
0xb5: {  	v29 =	vand.u32 $0x400, v29;
	v27 =	vor.u32 v27, v28;
	v56 =	vld [tilespmem:s7+$0xFFFFFE80];
	v26 =	vadd.s32 v2, v26  }
0xb6: {  	v33 =	vand.u32 $0x400, v33;
	v25 =	vor.u32 v25, v29;
	v57 =	vld [tilespmem:s7+$0xFFFFFF00];
	v27 =	vadd.s32 v2, v27  }
0xb7: {  	v32 =	vand.u32 $0x400, v32;
	v24 =	vor.u32 v24, v33;
	v58 =	vld [tilespmem:s7+$0xFFFFFF80];
	v25 =	vadd.s32 v2, v25  }
0xb8: {  	[tilespmem:v20+s19+$0x0] =	vst.idx.msk @p2 $0xffff, v23;
	v61 =	vand.u32 $0x400, v30;
	v59 =	vld [tilespmem:s7+$0x0];
	v22 =	vor.u32 v22, v32;
	v60 =	vadd.s32 v2, v24  }
0xb9: {  	v35 =	vand.u32 $0x400, v35;
	v62 =	vld [tilespmem:s7+$0x80];
	v21 =	vor.u32 v21, v61;
	v22 =	vadd.s32 v2, v22;
	[tilespmem:v18+s19+$0x0] =	vst.idx.msk $0xffff, v63  }
0xba: {  	v19 =	vld [tilespmem:s7+$0x100];
	v34 =	vor.u32 v34, v35;
	v21 =	vadd.s32 v2, v21;
	[tilespmem:v26+s19+$0x0] =	vst.idx.msk $0xffff, v56  }
0xbb: {  	v55 =	vld [tilespmem:s7+$0x180];
	v34 =	vadd.s32 v2, v34;
	[tilespmem:v27+s19+$0x0] =	vst.idx.msk $0xffff, v57  }
.Ltmp5:
0xbc: {  	[tilespmem:v25+s19+$0x0] =	vst.idx.msk $0xffff, v58;
	(pc) =	sbr.rel @!p1 .LBB2_11-.Ltmp5, $4  }
0xbd: {  	[tilespmem:v60+s19+$0x0] =	vst.idx.msk $0xffff, v59  }
0xbe: {  	[tilespmem:v22+s19+$0x0] =	vst.idx.msk $0xffff, v62  }
0xbf: {  	[tilespmem:v21+s19+$0x0] =	vst.idx.msk $0xffff, v19  }
0xc0: {  	s7 =	simm.s32 $0x430;
	[tilespmem:v34+s19+$0x0] =	vst.idx.msk $0xffff, v55  }
0xc1: {  	v14 =	vshll.u32 v14, $0x3  }
0xc2: {  	v15 =	vshll.u32 v15, $0x3;
	v18 =	vmov s0;
	v13 =	vshll.u32 v13, $0x3  }
0xc3: {  	v17 =	vshll.u32 v17, $0x3;
	v16 =	vshll.u32 v16, $0x3;
	v11 =	vshll.u32 v11, $0x3  }
0xc4: {  	v19 =	vshll.u32 v18, $0x3;
	v18 =	vand.u32 $0x7F, v18;
	v14 =	vand.u32 $0x400, v14  }
0xc5: {  	v13 =	vand.u32 $0x400, v13;
	v19 =	vand.u32 $0x400, v19;
	v12 =	vor.u32 v12, v14  }
0xc6: {  	v9 =	vor.u32 v9, v13;
	v18 =	vor.u32 v18, v19;
	v19 =	vld [tilespmem:s7+$0xFFFFFE80];
	v12 =	vadd.s32 v3, v12  }
0xc7: {  	v11 =	vand.u32 $0x400, v11;
	v13 =	vand.u32 $0x400, v17;
	v17 =	vld [tilespmem:s7+$0xFFFFFF80];
	v9 =	vadd.s32 v3, v9  }
0xc8: {  	v14 =	vand.u32 $0x400, v15;
	v15 =	vld [tilespmem:s7+$0x180];
	v6 =	vor.u32 v6, v11;
	v18 =	vadd.s32 v3, v18  }
0xc9: {  	v5 =	vand.u32 $0x400, v5;
	v22 =	vld [tilespmem:s7+$0x100];
	v10 =	vor.u32 v10, v14;
	v23 =	vadd.s32 v3, v6  }
0xca: {  	v14 =	vld [tilespmem:s7+$0xFFFFFF00];
	v8 =	vor.u32 v8, v13;
	v13 =	vand.u32 $0x400, v16;
	v10 =	vadd.s32 v3, v10  }
0xcb: {  	v20 =	vld [tilespmem:s7+$0x0];
	v11 =	vmov s1;
	v8 =	vadd.s32 v3, v8;
	v7 =	vor.u32 v7, v13;
	[tilespmem:v12+s19+$0x0] =	vst.idx.msk $0xffff, v19  }
0xcc: {  	v21 =	vld [tilespmem:s7+$0x80];
	s30 =	simm.s32 $0xE;
	p1 =	por $0x1, $0x1;
	v13 =	vor.u32 v4, v5;
	v4 =	vand.u32 $0x78, v11;
	v7 =	vadd.s32 v3, v7;
	[tilespmem:v9+s19+$0x0] =	vst.idx.msk $0xffff, v17  }
.Ltmp6:
0xcd: {  	s17 =	simm.s32 $0xD;
	v5 =	vshll.u32 v11, $0x3;
	v11 =	vmov s30;
	v19 =	vld [tilespmem:s7+$0xFFFFFE00];
	[tilespmem:v18+s19+$0x0] =	vst.idx.msk $0xffff, v15;
	v18 =	vadd.s32 v3, v13;
	(pc) =	sbr.rel @!p1 .LBB2_13-.Ltmp6, $4  }
0xce: {  	s12 =	simm.s32 $0x9;
	s13 =	simm.s32 $0xA;
	s16 =	simm.s32 $0xC;
	v16 =	vmov s17;
	v6 =	vand.u32 $0x7E, v11;
	[tilespmem:v23+s19+$0x0] =	vst.idx.msk $0xffff, v22  }
0xcf: {  	s2 =	simm.s32 $0xB;
	v17 =	vmov s16;
	[tilespmem:v10+s19+$0x0] =	vst.idx.msk $0xffff, v14;
	v14 =	vmov s12;
	v15 =	vmov s13  }
0xd0: {  	s0 =	simm.s32 $0xF;
	v13 =	vmov s2;
	[tilespmem:v8+s19+$0x0] =	vst.idx.msk $0xffff, v20;
	v8 =	vand.u32 $0x7C, v17;
	v12 =	vand.u32 $0x79, v14  }
0xd1: {  	s8 =	simm.s32 $0x10;
	p0 =	por $0x1, $0x1;
	s1 =	simm.s32 $0x430;
	v10 =	vand.u32 $0x7A, v15;
	v9 =	vand.u32 $0x7B, v13;
	[tilespmem:v7+s19+$0x0] =	vst.idx.msk $0xffff, v21;
	v7 =	vand.u32 $0x7D, v16  }
.LBB2_14:
0xd2: {  	p1 =	slt.u32 s8, $0xF8;
	v14 =	vshll.u32 v14, $0x3;
	v15 =	vshll.u32 v15, $0x3;
	v20 =	vmov s0;
	[tilespmem:v18+s19+$0x0] =	vst.idx.msk $0xffff, v19  }
0xd3: {  	v13 =	vshll.u32 v13, $0x3;
	v17 =	vshll.u32 v17, $0x3;
	v18 =	vshll.u32 v20, $0x3  }
0xd4: {  	v16 =	vshll.u32 v16, $0x3;
	v19 =	vand.u32 $0x7F, v20;
	v18 =	vand.u32 $0x400, v18  }
0xd5: {  	v11 =	vshll.u32 v11, $0x3;
	s1 =	sadd.s32 $0x400, s1;
	v14 =	vand.u32 $0x400, v14;
	v18 =	vor.u32 v19, v18  }
0xd6: {  	v12 =	vor.u32 v12, v14;
	v14 =	vand.u32 $0x400, v15;
	v15 =	vld [tilespmem:s1+$0x180];
	v18 =	vadd.s32 v3, v18  }
0xd7: {  	v13 =	vand.u32 $0x400, v13;
	v12 =	vadd.s32 v3, v12;
	v10 =	vor.u32 v10, v14;
	v19 =	vld [tilespmem:s1+$0xFFFFFE80]  }
0xd8: {  	v9 =	vor.u32 v9, v13;
	v13 =	vand.u32 $0x400, v17;
	v10 =	vadd.s32 v3, v10;
	v14 =	vld [tilespmem:s1+$0xFFFFFF00]  }
0xd9: {  	v9 =	vadd.s32 v3, v9;
	v8 =	vor.u32 v8, v13;
	v13 =	vand.u32 $0x400, v16;
	v17 =	vld [tilespmem:s1+$0xFFFFFF80]  }
0xda: {  	v11 =	vand.u32 $0x400, v11;
	v8 =	vadd.s32 v3, v8;
	v7 =	vor.u32 v7, v13;
	v20 =	vld [tilespmem:s1+$0x0]  }
0xdb: {  	v5 =	vand.u32 $0x400, v5;
	v6 =	vor.u32 v6, v11;
	v7 =	vadd.s32 v3, v7;
	v21 =	vld [tilespmem:s1+$0x80];
	[tilespmem:v18+s19+$0x0] =	vst.idx.msk $0xffff, v15  }
0xdc: {  	s0 =	sadd.s32 $0x1, s8;
	v11 =	vmov s8;
	v23 =	vadd.s32 v3, v6;
	v13 =	vor.u32 v4, v5;
	[tilespmem:v12+s19+$0x0] =	vst.idx.msk $0xffff, v19;
	v22 =	vld [tilespmem:s1+$0x100]  }
.Ltmp7:
0xdd: {  	s2 =	sadd.s32 $0x2, s8;
	s11 =	sadd.s32 $0x3, s8;
	v4 =	vand.u32 $0x78, v11;
	v5 =	vshll.u32 v11, $0x3;
	v18 =	vadd.s32 v3, v13;
	v19 =	vld [tilespmem:s1+$0xFFFFFE00];
	[tilespmem:v10+s19+$0x0] =	vst.idx.msk $0xffff, v14;
	(pc) =	sbr.rel @p1 .LBB2_14-.Ltmp7, $4  }
0xde: {  	v15 =	vmov s2;
	v13 =	vmov s11;
	s2 =	sadd.s32 $0x5, s8;
	s11 =	sadd.s32 $0x6, s8;
	v14 =	vmov s0;
	s0 =	sadd.s32 $0x4, s8;
	[tilespmem:v9+s19+$0x0] =	vst.idx.msk $0xffff, v17  }
0xdf: {  	v16 =	vmov s2;
	v11 =	vmov s11;
	v17 =	vmov s0;
	[tilespmem:v8+s19+$0x0] =	vst.idx.msk $0xffff, v20  }
0xe0: {  	v10 =	vand.u32 $0x7A, v15;
	v12 =	vand.u32 $0x79, v14;
	v9 =	vand.u32 $0x7B, v13;
	[tilespmem:v7+s19+$0x0] =	vst.idx.msk $0xffff, v21  }
0xe1: {  	v6 =	vand.u32 $0x7E, v11;
	s0 =	sadd.s32 $0x7, s8;
	s8 =	sadd.s32 $0x8, s8;
	v8 =	vand.u32 $0x7C, v17;
	v7 =	vand.u32 $0x7D, v16;
	[tilespmem:v23+s19+$0x0] =	vst.idx.msk $0xffff, v22  }
.LBB2_15:
0xe2: {  	v14 =	vshll.u32 v14, $0x3  }
0xe3: {  	v20 =	vmov s0;
	v13 =	vshll.u32 v13, $0x3;
	v17 =	vshll.u32 v17, $0x3  }
0xe4: {  	v11 =	vshll.u32 v11, $0x3;
	v5 =	vand.u32 $0x400, v5;
	v21 =	vshll.u32 v20, $0x3  }
0xe5: {  	s0 =	sadd.s32 @p0 $0x400, s1;
	v20 =	vand.u32 $0x7F, v20;
	v14 =	vand.u32 $0x400, v14;
	v13 =	vand.u32 $0x400, v13  }
0xe6: {  	s7 =	smov.u32 @p0 s0;
	v11 =	vand.u32 $0x400, v11;
	v4 =	vor.u32 v4, v5;
	v21 =	vand.u32 $0x400, v21  }
0xe7: {  	v12 =	vor.u32 v12, v14;
	v6 =	vor.u32 v6, v11;
	v11 =	vld [tilespmem:s7+$0xFFFFFE00];
	v4 =	vadd.s32 v3, v4  }
0xe8: {  	v9 =	vor.u32 v9, v13;
	v20 =	vor.u32 v20, v21;
	v21 =	vld [tilespmem:s7+$0xFFFFFE80];
	v12 =	vadd.s32 v3, v12  }
0xe9: {  	v15 =	vshll.u32 v15, $0x3;
	v13 =	vand.u32 $0x400, v17;
	v17 =	vld [tilespmem:s7+$0xFFFFFF80];
	v9 =	vadd.s32 v3, v9  }
0xea: {  	v14 =	vand.u32 $0x400, v15;
	v5 =	vld [tilespmem:s7+$0x100];
	v6 =	vadd.s32 v3, v6  }
0xeb: {  	v16 =	vshll.u32 v16, $0x3;
	[tilespmem:v18+s19+$0x0] =	vst.idx.msk @p0 $0xffff, v19;
	v15 =	vld [tilespmem:s7+$0x180];
	v10 =	vor.u32 v10, v14;
	v20 =	vadd.s32 v3, v20  }
0xec: {  	v14 =	vld [tilespmem:s7+$0xFFFFFF00];
	v8 =	vor.u32 v8, v13;
	v13 =	vand.u32 $0x400, v16;
	v10 =	vadd.s32 v3, v10;
	[tilespmem:v4+s19+$0x0] =	vst.idx.msk $0xffff, v11  }
0xed: {  	v16 =	vld [tilespmem:s7+$0x0];
	v8 =	vadd.s32 v3, v8;
	v7 =	vor.u32 v7, v13;
	[tilespmem:v12+s19+$0x0] =	vst.idx.msk $0xffff, v21  }
0xee: {  	v13 =	vld [tilespmem:s7+$0x80];
	v7 =	vadd.s32 v3, v7;
	[tilespmem:v9+s19+$0x0] =	vst.idx.msk $0xffff, v17  }
0xef: {  	s1 =	sshll.u32 s31, $0x9;
	[tilespmem:v6+s19+$0x0] =	vst.idx.msk $0xffff, v5  }
0xf0: {  	s16 =	sadd.s32 s4, s1;
	[tilespmem:v20+s19+$0x0] =	vst.idx.msk $0xffff, v15  }
0xf1: {  	s2 =	sshll.u32 s16, $0x3;
	s0 =	sand.u32 $0x3E00, s16;
	[tilespmem:v10+s19+$0x0] =	vst.idx.msk $0xffff, v14  }
0xf2: {  	s2 =	sand.u32 $0xFFE0000, s2;
	s0 =	sadd.s32 s10, s0;
	[tilespmem:v8+s19+$0x0] =	vst.idx.msk $0xffff, v16  }
0xf3: {  	s0 =	sadd.s32 s2, s0;
	s2 =	simm.s32 $0x0;
	[tilespmem:v7+s19+$0x0] =	vst.idx.msk $0xffff, v13  }
0xf4: {  	[hbm4b:s0+s2] =	stream.linear.scatter [tilespmem:s19], [sflag:$0x3], $0x800, $0x38;
	[tilespmem:$0x16200] =	vst v63  }
0xf5: {  	s17 =	sadd.s32 $0x4000, s0  }
0xf6: {  	[hbm4b:s17+s2] =	stream.linear.scatter [tilespmem:s20], [sflag:$0x3], $0x800, $0x38;
	[tilespmem:$0x16200] =	vst v63  }
0xf7: {  	s8 =	sadd.s32 $0x8000, s0  }
0xf8: {  	[hbm4b:s8+s2] =	stream.linear.scatter [tilespmem:s21], [sflag:$0x3], $0x800, $0x38;
	[tilespmem:$0x16200] =	vst v63  }
0xf9: {  	s9 =	sadd.s32 $0xC000, s0  }
0xfa: {  	[hbm4b:s9+s2] =	stream.linear.scatter [tilespmem:s22], [sflag:$0x3], $0x800, $0x38;
	[tilespmem:$0x16200] =	vst v63  }
0xfb: {  	s11 =	sadd.s32 $0x10000, s0  }
0xfc: {  	[hbm4b:s11+s2] =	stream.linear.scatter [tilespmem:s23], [sflag:$0x3], $0x800, $0x38;
	[tilespmem:$0x16200] =	vst v63  }
0xfd: {  	s12 =	sadd.s32 $0x14000, s0  }
0xfe: {  	[hbm4b:s12+s2] =	stream.linear.scatter [tilespmem:s24], [sflag:$0x3], $0x800, $0x38;
	[tilespmem:$0x16200] =	vst v63  }
0xff: {  	s13 =	sadd.s32 $0x18000, s0  }
0x100: {  	[hbm4b:s13+s2] =	stream.linear.scatter [tilespmem:s25], [sflag:$0x3], $0x800, $0x38;
	[tilespmem:$0x16200] =	vst v63  }
0x101: {  	s0 =	sadd.s32 $0x1C000, s0;
	s16 =	rddreg [dreg:$0x5]  }
0x102: {  	[hbm4b:s0+s2] =	stream.linear.scatter [tilespmem:s26], [sflag:$0x3], $0x800, $0x38;
	[tilespmem:$0x16200] =	vst v63  }
0x103: {  	s0 =	sadd.s32 s1, s16  }
0x104: {  	s0 =	sshrl.u32 s0, $0x3  }
0x105: {  	s7 =	simm.s32 $0x1;
	s0 =	sadd.s32 s5, s0  }
0x106: {  	v4 =	vmov s2;
	[tilespmem:s2], [sflag:$0x4] =	stream.linear.gather [hbm4b:s0+s2], $0x100, $0x38;
	[tilespmem:$0x16200] =	vst v63  }
0x107: {  	v12 =	vand.u32 $0x78, v4;
	v10 =	vshll.u32 v4, $0x3;
	v4 =	vmov s7;
	_ =	swait.ge [sflag:s14], $0x100  }
0x108: {  	v11 =	vand.u32 $0x79, v4;
	v4 =	vshll.u32 v4, $0x3;
	s17 =	simm.s32 $0x200;
	[sflag:s14] =	ssyncset.done $0x0  }
0x109: {  	v4 =	vand.u32 $0x400, v4;
	s8 =	simm.s32 $0x2;
	s9 =	simm.s32 $0x3;
	[sflag:s14] =	ssyncadd.s32 $0xFFFFFF00  }
0x10a: {  	v4 =	vor.u32 v11, v4;
	v5 =	vmov s8;
	[tilespmem:s17], [sflag:$0x1] =	stream.indirect.gather [hbm4b:s6+s15], $0x80, s2, s15, $0xb8;
	[tilespmem:$0x16200] =	vst v63  }
0x10b: {  	v24 =	vadd.s32 v0, v4;
	v13 =	vand.u32 $0x7A, v5;
	v6 =	vmov s9;
	s11 =	simm.s32 $0x4;
	_ =	swait.ge [sflag:s28], $0x8000  }
0x10c: {  	v18 =	vshll.u32 v5, $0x3;
	v14 =	vand.u32 $0x7B, v6;
	v7 =	vmov s11;
	s16 =	simm.s32 $0x7;
	[sflag:s28] =	ssyncset.done $0x0  }
0x10d: {  	v19 =	vshll.u32 v6, $0x3;
	v15 =	vand.u32 $0x7C, v7;
	v5 =	vmov s16;
	[sflag:s28] =	ssyncadd.s32 $0xFFFF8000  }
0x10e: {  	s12 =	simm.s32 $0x5;
	v20 =	vshll.u32 v7, $0x3;
	v7 =	vand.u32 $0x400, v19;
	v6 =	vshll.u32 v5, $0x3;
	_ =	swait.ge [sflag:s29], $0x4000  }
0x10f: {  	v8 =	vmov s12;
	v5 =	vand.u32 $0x7F, v5;
	v6 =	vand.u32 $0x400, v6;
	[sflag:s29] =	ssyncset.done $0x0  }
0x110: {  	s12 =	simm.s32 $0x8400;
	v7 =	vor.u32 v14, v7;
	v16 =	vand.u32 $0x7D, v8;
	v5 =	vor.u32 v5, v6;
	[sflag:s29] =	ssyncadd.s32 $0xFFFFC000  }
0x111: {  	s13 =	simm.s32 $0x6;
	v21 =	vshll.u32 v8, $0x3;
	v6 =	vand.u32 $0x400, v18;
	v18 =	vadd.s32 v0, v5;
	v11 =	vld [tilespmem:s12+$0x180]  }
0x112: {  	v8 =	vand.u32 $0x400, v20;
	v27 =	vadd.s32 v0, v7;
	v9 =	vmov s13;
	v23 =	vld [tilespmem:s12+$0xFFFFFE80]  }
0x113: {  	v8 =	vor.u32 v15, v8;
	v17 =	vand.u32 $0x7E, v9;
	v6 =	vor.u32 v13, v6;
	v20 =	vld [tilespmem:s12+$0xFFFFFF80]  }
0x114: {  	v22 =	vshll.u32 v9, $0x3;
	v9 =	vand.u32 $0x400, v21;
	v25 =	vadd.s32 v0, v6;
	v19 =	vld [tilespmem:s12+$0xFFFFFF00]  }
0x115: {  	v21 =	vadd.s32 v0, v8;
	v9 =	vor.u32 v16, v9;
	v13 =	vand.u32 $0x400, v22;
	v15 =	vld [tilespmem:s12+$0x0]  }
0x116: {  	s7 =	simm.s32 $0xA;
	v14 =	vand.u32 $0x400, v10;
	v30 =	vadd.s32 v0, v9;
	v10 =	vor.u32 v17, v13;
	v29 =	vld [tilespmem:s12+$0x80];
	[tilespmem:v18+s19+$0x0] =	vst.idx.msk $0xffff, v11  }
0x117: {  	v26 =	vmov s7;
	s8 =	simm.s32 $0xB;
	s11 =	simm.s32 $0xC;
	v12 =	vor.u32 v12, v14;
	v32 =	vadd.s32 v0, v10;
	v31 =	vld [tilespmem:s12+$0x100];
	[tilespmem:v24+s19+$0x0] =	vst.idx.msk $0xffff, v23  }
0x118: {  	v28 =	vmov s11;
	s13 =	simm.s32 $0xD;
	v16 =	vadd.s32 v0, v12;
	s0 =	simm.s32 $0x9;
	v22 =	vmov s8;
	s17 =	simm.s32 $0x8;
	[tilespmem:v27+s19+$0x0] =	vst.idx.msk $0xffff, v20;
	v20 =	vld [tilespmem:s12+$0xFFFFFE00]  }
0x119: {  	s30 =	simm.s32 $0xE;
	v11 =	vmov s17;
	[tilespmem:v25+s19+$0x0] =	vst.idx.msk $0xffff, v19;
	v25 =	vmov s0;
	v27 =	vmov s13  }
0x11a: {  	v24 =	vmov s30;
	[tilespmem:v21+s19+$0x0] =	vst.idx.msk $0xffff, v15;
	v21 =	vand.u32 $0x7A, v26;
	v19 =	vand.u32 $0x7B, v22  }
0x11b: {  	[tilespmem:v30+s19+$0x0] =	vst.idx.msk $0xffff, v29;
	v18 =	vand.u32 $0x7C, v28;
	v13 =	vand.u32 $0x78, v11;
	v14 =	vshll.u32 v11, $0x3  }
0x11c: {  	s16 =	simm.s32 $0x10;
	s17 =	simm.s32 $0xF;
	[tilespmem:v32+s19+$0x0] =	vst.idx.msk $0xffff, v31;
	v23 =	vand.u32 $0x79, v25;
	v17 =	vand.u32 $0x7D, v27;
	v15 =	vand.u32 $0x7E, v24  }
.LBB2_16:
0x11d: {  	p0 =	slt.u32 s16, $0xF8;
	v25 =	vshll.u32 v25, $0x3;
	v26 =	vshll.u32 v26, $0x3;
	v29 =	vmov s17;
	[tilespmem:v16+s19+$0x0] =	vst.idx.msk $0xffff, v20  }
0x11e: {  	v16 =	vshll.u32 v22, $0x3;
	v20 =	vshll.u32 v28, $0x3;
	v22 =	vshll.u32 v29, $0x3  }
0x11f: {  	v27 =	vshll.u32 v27, $0x3;
	v28 =	vand.u32 $0x7F, v29;
	v22 =	vand.u32 $0x400, v22  }
0x120: {  	v24 =	vshll.u32 v24, $0x3;
	s12 =	sadd.s32 $0x400, s12;
	v25 =	vand.u32 $0x400, v25;
	v22 =	vor.u32 v28, v22  }
0x121: {  	v23 =	vor.u32 v23, v25;
	v25 =	vand.u32 $0x400, v26;
	v26 =	vld [tilespmem:s12+$0x180];
	v22 =	vadd.s32 v0, v22  }
0x122: {  	v16 =	vand.u32 $0x400, v16;
	v23 =	vadd.s32 v0, v23;
	v21 =	vor.u32 v21, v25;
	v28 =	vld [tilespmem:s12+$0xFFFFFE80]  }
0x123: {  	v16 =	vor.u32 v19, v16;
	v19 =	vand.u32 $0x400, v20;
	v21 =	vadd.s32 v0, v21;
	v25 =	vld [tilespmem:s12+$0xFFFFFF00]  }
0x124: {  	v30 =	vadd.s32 v0, v16;
	v16 =	vor.u32 v18, v19;
	v18 =	vand.u32 $0x400, v27;
	v29 =	vld [tilespmem:s12+$0xFFFFFF80]  }
0x125: {  	v31 =	vadd.s32 v0, v16;
	v16 =	vor.u32 v17, v18;
	v17 =	vand.u32 $0x400, v24;
	v19 =	vld [tilespmem:s12+$0x0]  }
0x126: {  	v14 =	vand.u32 $0x400, v14;
	v32 =	vadd.s32 v0, v16;
	v15 =	vor.u32 v15, v17;
	v18 =	vld [tilespmem:s12+$0x80];
	[tilespmem:v22+s19+$0x0] =	vst.idx.msk $0xffff, v26  }
0x127: {  	s2 =	sadd.s32 $0x1, s16;
	v16 =	vmov s16;
	v17 =	vor.u32 v13, v14;
	v34 =	vadd.s32 v0, v15;
	[tilespmem:v23+s19+$0x0] =	vst.idx.msk $0xffff, v28;
	v33 =	vld [tilespmem:s12+$0x100]  }
.Ltmp8:
0x128: {  	s17 =	sadd.s32 $0x2, s16;
	s9 =	sadd.s32 $0x3, s16;
	v13 =	vand.u32 $0x78, v16;
	v14 =	vshll.u32 v16, $0x3;
	v16 =	vadd.s32 v0, v17;
	v20 =	vld [tilespmem:s12+$0xFFFFFE00];
	[tilespmem:v21+s19+$0x0] =	vst.idx.msk $0xffff, v25;
	(pc) =	sbr.rel @p0 .LBB2_16-.Ltmp8, $4  }
0x129: {  	v26 =	vmov s17;
	v22 =	vmov s9;
	s9 =	sadd.s32 $0x5, s16;
	s17 =	sadd.s32 $0x6, s16;
	v25 =	vmov s2;
	s2 =	sadd.s32 $0x4, s16;
	[tilespmem:v30+s19+$0x0] =	vst.idx.msk $0xffff, v29  }
0x12a: {  	v27 =	vmov s9;
	v24 =	vmov s17;
	v28 =	vmov s2;
	[tilespmem:v31+s19+$0x0] =	vst.idx.msk $0xffff, v19  }
0x12b: {  	v21 =	vand.u32 $0x7A, v26;
	v23 =	vand.u32 $0x79, v25;
	v19 =	vand.u32 $0x7B, v22;
	[tilespmem:v32+s19+$0x0] =	vst.idx.msk $0xffff, v18  }
0x12c: {  	s17 =	sadd.s32 $0x7, s16;
	v17 =	vand.u32 $0x7D, v27;
	v15 =	vand.u32 $0x7E, v24;
	s16 =	sadd.s32 $0x8, s16;
	v18 =	vand.u32 $0x7C, v28;
	[tilespmem:v34+s19+$0x0] =	vst.idx.msk $0xffff, v33  }
0x12d: {  	_ = 	snop  }
0x12e: {  	v29 =	vmov s17;
	v25 =	vshll.u32 v25, $0x3;
	v26 =	vshll.u32 v26, $0x3  }
0x12f: {  	v22 =	vshll.u32 v22, $0x3;
	v28 =	vshll.u32 v28, $0x3;
	v27 =	vshll.u32 v27, $0x3  }
0x130: {  	v24 =	vshll.u32 v24, $0x3;
	v14 =	vand.u32 $0x400, v14;
	v25 =	vand.u32 $0x400, v25  }
0x131: {  	s2 =	sadd.s32 $0x400, s12;
	[tilespmem:v16+s19+$0x0] =	vst.idx.msk $0xffff, v20;
	v56 =	vand.u32 $0x400, v26;
	v20 =	vand.u32 $0x400, v24;
	v13 =	vor.u32 v13, v14  }
0x132: {  	v23 =	vor.u32 v23, v25;
	v15 =	vor.u32 v15, v20;
	v20 =	vld [tilespmem:s2+$0xFFFFFE00];
	v13 =	vadd.s32 v0, v13  }
0x133: {  	v58 =	vld [tilespmem:s2+$0xFFFFFE80];
	v22 =	vand.u32 $0x400, v22;
	v21 =	vor.u32 v21, v56;
	v23 =	vadd.s32 v0, v23  }
0x134: {  	v59 =	vld [tilespmem:s2+$0xFFFFFF00];
	v28 =	vand.u32 $0x400, v28;
	v19 =	vor.u32 v19, v22;
	v21 =	vadd.s32 v0, v21  }
0x135: {  	v60 =	vld [tilespmem:s2+$0xFFFFFF80];
	v27 =	vand.u32 $0x400, v27;
	v18 =	vor.u32 v18, v28;
	v19 =	vadd.s32 v0, v19  }
0x136: {  	v30 =	vshll.u32 v29, $0x3;
	v16 =	vld [tilespmem:s2+$0x0];
	v17 =	vor.u32 v17, v27;
	v18 =	vadd.s32 v0, v18  }
0x137: {  	v29 =	vand.u32 $0x7F, v29;
	v61 =	vld [tilespmem:s2+$0x80];
	v30 =	vand.u32 $0x400, v30;
	v17 =	vadd.s32 v0, v17;
	[tilespmem:v13+s19+$0x0] =	vst.idx.msk $0xffff, v20  }
0x138: {  	v14 =	vld [tilespmem:s2+$0x100];
	v29 =	vor.u32 v29, v30;
	v15 =	vadd.s32 v0, v15;
	[tilespmem:v23+s19+$0x0] =	vst.idx.msk $0xffff, v58  }
0x139: {  	v57 =	vld [tilespmem:s2+$0x180];
	v29 =	vadd.s32 v0, v29;
	[tilespmem:v21+s19+$0x0] =	vst.idx.msk $0xffff, v59  }
0x13a: {  	[tilespmem:v19+s19+$0x0] =	vst.idx.msk $0xffff, v60  }
0x13b: {  	[tilespmem:v18+s19+$0x0] =	vst.idx.msk $0xffff, v16  }
0x13c: {  	[tilespmem:v17+s19+$0x0] =	vst.idx.msk $0xffff, v61  }
0x13d: {  	[tilespmem:v15+s19+$0x0] =	vst.idx.msk $0xffff, v14  }
0x13e: {  	s12 =	simm.s32 $0x8410;
	[tilespmem:v29+s19+$0x0] =	vst.idx.msk $0xffff, v57  }
0x13f: {  	v5 =	vadd.s32 v1, v5;
	v13 =	vld [tilespmem:s12+$0x180]  }
0x140: {  	v4 =	vadd.s32 v1, v4;
	v14 =	vld [tilespmem:s12+$0xFFFFFE80]  }
0x141: {  	v6 =	vadd.s32 v1, v6;
	v15 =	vld [tilespmem:s12+$0xFFFFFF00]  }
0x142: {  	v7 =	vadd.s32 v1, v7;
	v16 =	vld [tilespmem:s12+$0xFFFFFF80]  }
0x143: {  	v62 =	vadd.s32 v1, v8;
	v20 =	vld [tilespmem:s12+$0x0]  }
0x144: {  	v9 =	vadd.s32 v1, v9;
	v22 =	vld [tilespmem:s12+$0x80];
	[tilespmem:v5+s19+$0x0] =	vst.idx.msk $0xffff, v13  }
0x145: {  	v63 =	vadd.s32 v1, v10;
	v23 =	vld [tilespmem:s12+$0x100];
	[tilespmem:v4+s19+$0x0] =	vst.idx.msk $0xffff, v14  }
0x146: {  	v8 =	vadd.s32 v1, v12;
	v4 =	vand.u32 $0x78, v11;
	v5 =	vshll.u32 v11, $0x3;
	[tilespmem:v6+s19+$0x0] =	vst.idx.msk $0xffff, v15;
	v11 =	vld [tilespmem:s12+$0xFFFFFE00]  }
0x147: {  	v17 =	vmov s0;
	v18 =	vmov s7;
	v19 =	vmov s11;
	[tilespmem:v7+s19+$0x0] =	vst.idx.msk $0xffff, v16  }
0x148: {  	v12 =	vand.u32 $0x7A, v18;
	v15 =	vmov s8;
	v16 =	vmov s13;
	[tilespmem:v62+s19+$0x0] =	vst.idx.msk $0xffff, v20  }
0x149: {  	v14 =	vmov s30;
	v13 =	vand.u32 $0x79, v17;
	[tilespmem:v9+s19+$0x0] =	vst.idx.msk $0xffff, v22;
	v9 =	vand.u32 $0x7C, v19  }
0x14a: {  	s7 =	simm.s32 $0xF;
	s0 =	simm.s32 $0x10;
	[tilespmem:v63+s19+$0x0] =	vst.idx.msk $0xffff, v23;
	v10 =	vand.u32 $0x7B, v15;
	v7 =	vand.u32 $0x7D, v16;
	v6 =	vand.u32 $0x7E, v14  }
.LBB2_18:
0x14b: {  	p0 =	slt.u32 s0, $0xF8;
	v17 =	vshll.u32 v17, $0x3;
	v18 =	vshll.u32 v18, $0x3;
	v20 =	vmov s7;
	[tilespmem:v8+s19+$0x0] =	vst.idx.msk $0xffff, v11  }
0x14c: {  	v8 =	vshll.u32 v15, $0x3;
	v11 =	vshll.u32 v19, $0x3;
	v15 =	vshll.u32 v20, $0x3  }
0x14d: {  	v16 =	vshll.u32 v16, $0x3;
	v19 =	vand.u32 $0x7F, v20;
	v15 =	vand.u32 $0x400, v15  }
0x14e: {  	v14 =	vshll.u32 v14, $0x3;
	s12 =	sadd.s32 $0x400, s12;
	v17 =	vand.u32 $0x400, v17;
	v15 =	vor.u32 v19, v15  }
0x14f: {  	v13 =	vor.u32 v13, v17;
	v17 =	vand.u32 $0x400, v18;
	v18 =	vld [tilespmem:s12+$0x180];
	v15 =	vadd.s32 v1, v15  }
0x150: {  	v8 =	vand.u32 $0x400, v8;
	v13 =	vadd.s32 v1, v13;
	v12 =	vor.u32 v12, v17;
	v19 =	vld [tilespmem:s12+$0xFFFFFE80]  }
0x151: {  	v8 =	vor.u32 v10, v8;
	v10 =	vand.u32 $0x400, v11;
	v12 =	vadd.s32 v1, v12;
	v17 =	vld [tilespmem:s12+$0xFFFFFF00]  }
0x152: {  	v21 =	vadd.s32 v1, v8;
	v8 =	vor.u32 v9, v10;
	v9 =	vand.u32 $0x400, v16;
	v20 =	vld [tilespmem:s12+$0xFFFFFF80]  }
0x153: {  	v22 =	vadd.s32 v1, v8;
	v7 =	vor.u32 v7, v9;
	v8 =	vand.u32 $0x400, v14;
	v10 =	vld [tilespmem:s12+$0x0]  }
0x154: {  	v5 =	vand.u32 $0x400, v5;
	v7 =	vadd.s32 v1, v7;
	v6 =	vor.u32 v6, v8;
	v9 =	vld [tilespmem:s12+$0x80];
	[tilespmem:v15+s19+$0x0] =	vst.idx.msk $0xffff, v18  }
0x155: {  	s2 =	sadd.s32 $0x1, s0;
	v14 =	vor.u32 v4, v5;
	v8 =	vmov s0;
	v24 =	vadd.s32 v1, v6;
	[tilespmem:v13+s19+$0x0] =	vst.idx.msk $0xffff, v19;
	v23 =	vld [tilespmem:s12+$0x100]  }
.Ltmp9:
0x156: {  	s7 =	sadd.s32 $0x2, s0;
	s8 =	sadd.s32 $0x3, s0;
	v4 =	vand.u32 $0x78, v8;
	v5 =	vshll.u32 v8, $0x3;
	v8 =	vadd.s32 v1, v14;
	v11 =	vld [tilespmem:s12+$0xFFFFFE00];
	[tilespmem:v12+s19+$0x0] =	vst.idx.msk $0xffff, v17;
	(pc) =	sbr.rel @p0 .LBB2_18-.Ltmp9, $4  }
0x157: {  	v18 =	vmov s7;
	v15 =	vmov s8;
	s7 =	sadd.s32 $0x5, s0;
	s8 =	sadd.s32 $0x6, s0;
	v17 =	vmov s2;
	s2 =	sadd.s32 $0x4, s0;
	[tilespmem:v21+s19+$0x0] =	vst.idx.msk $0xffff, v20  }
0x158: {  	v16 =	vmov s7;
	v14 =	vmov s8;
	v19 =	vmov s2;
	[tilespmem:v22+s19+$0x0] =	vst.idx.msk $0xffff, v10  }
0x159: {  	v12 =	vand.u32 $0x7A, v18;
	v13 =	vand.u32 $0x79, v17;
	v10 =	vand.u32 $0x7B, v15;
	[tilespmem:v7+s19+$0x0] =	vst.idx.msk $0xffff, v9  }
0x15a: {  	s7 =	sadd.s32 $0x7, s0;
	v6 =	vand.u32 $0x7E, v14;
	s0 =	sadd.s32 $0x8, s0;
	v9 =	vand.u32 $0x7C, v19;
	v7 =	vand.u32 $0x7D, v16;
	[tilespmem:v24+s19+$0x0] =	vst.idx.msk $0xffff, v23  }
0x15b: {  	v17 =	vshll.u32 v17, $0x3;
	v18 =	vshll.u32 v18, $0x3  }
0x15c: {  	v20 =	vmov s7;
	v15 =	vshll.u32 v15, $0x3;
	v19 =	vshll.u32 v19, $0x3  }
0x15d: {  	v16 =	vshll.u32 v16, $0x3;
	v14 =	vshll.u32 v14, $0x3;
	v5 =	vand.u32 $0x400, v5  }
0x15e: {  	v21 =	vshll.u32 v20, $0x3;
	v20 =	vand.u32 $0x7F, v20;
	v17 =	vand.u32 $0x400, v17  }
0x15f: {  	s0 =	sadd.s32 $0x400, s12;
	v15 =	vand.u32 $0x400, v15;
	v21 =	vand.u32 $0x400, v21;
	v13 =	vor.u32 v13, v17  }
0x160: {  	[tilespmem:v8+s19+$0x0] =	vst.idx.msk $0xffff, v11;
	v11 =	vand.u32 $0x400, v14;
	v20 =	vor.u32 v20, v21;
	v21 =	vld [tilespmem:s0+$0xFFFFFE80];
	v13 =	vadd.s32 v1, v13  }
0x161: {  	v17 =	vand.u32 $0x400, v18;
	v18 =	vld [tilespmem:s0+$0x180];
	v10 =	vor.u32 v10, v15;
	v20 =	vadd.s32 v1, v20  }
0x162: {  	v15 =	vand.u32 $0x400, v19;
	v19 =	vld [tilespmem:s0+$0xFFFFFF80];
	v12 =	vor.u32 v12, v17;
	v10 =	vadd.s32 v1, v10  }
0x163: {  	v17 =	vld [tilespmem:s0+$0xFFFFFF00];
	v9 =	vor.u32 v9, v15;
	v15 =	vand.u32 $0x400, v16;
	v12 =	vadd.s32 v1, v12  }
0x164: {  	v8 =	vld [tilespmem:s0+$0x0];
	v4 =	vor.u32 v4, v5;
	v9 =	vadd.s32 v1, v9;
	v7 =	vor.u32 v7, v15  }
0x165: {  	s2 =	simm.s32 $0x0;
	s11 =	simm.s32 $0x1;
	v22 =	vld [tilespmem:s0+$0x80];
	v6 =	vor.u32 v6, v11;
	v7 =	vadd.s32 v1, v7;
	[tilespmem:v13+s19+$0x0] =	vst.idx.msk $0xffff, v21  }
0x166: {  	s13 =	simm.s32 $0x3;
	s17 =	simm.s32 $0x5;
	v5 =	vmov s2;
	v14 =	vmov s11;
	v6 =	vadd.s32 v1, v6;
	[tilespmem:v20+s19+$0x0] =	vst.idx.msk $0xffff, v18;
	v18 =	vld [tilespmem:s0+$0x100]  }
0x167: {  	s12 =	simm.s32 $0x2;
	p1 =	por $0x1, $0x1;
	v11 =	vmov s13;
	v16 =	vmov s17;
	v21 =	vadd.s32 v1, v4;
	[tilespmem:v10+s19+$0x0] =	vst.idx.msk $0xffff, v19;
	v20 =	vld [tilespmem:s0+$0xFFFFFE00]  }
.Ltmp10:
0x168: {  	s16 =	simm.s32 $0x4;
	v26 =	vmovc v14;
	v29 =	vmovc v11;
	v15 =	vmov s12;
	v4 =	vand.u32 $0x78, v5;
	v5 =	vshll.u32 v5, $0x3;
	[tilespmem:v12+s19+$0x0] =	vst.idx.msk $0xffff, v17;
	(pc) =	sbr.rel @!p1 .LBB2_23-.Ltmp10, $4  }
0x169: {  	s30 =	simm.s32 $0x6;
	v32 =	vmovc v16;
	v28 =	vmovc v15;
	v13 =	vand.u32 $0x79, v14;
	v10 =	vand.u32 $0x7A, v15;
	[tilespmem:v9+s19+$0x0] =	vst.idx.msk $0xffff, v8;
	v17 =	vmov s16  }
0x16a: {  	s7 =	simm.s32 $0x8420;
	v12 =	vmov s30;
	v9 =	vand.u32 $0x7B, v11;
	v31 =	vmovc v13;
	v27 =	vmovc v10;
	v19 =	vmov v5;
	[tilespmem:v7+s19+$0x0] =	vst.idx.msk $0xffff, v22  }
0x16b: {  	s8 =	simm.s32 $0x7;
	p0 =	por $0x0, $0x0;
	p2 =	por $0x0, $0x0;
	v8 =	vand.u32 $0x7C, v17;
	v7 =	vand.u32 $0x7D, v16;
	v33 =	vmovc v17;
	v30 =	vmovc v12;
	[tilespmem:v6+s19+$0x0] =	vst.idx.msk $0xffff, v18;
	v6 =	vand.u32 $0x7E, v12  }
0x16c: {  	s11 =	simm.s32 $0x8420;
	s13 =	simm.s32 $0x7;
	s0 =	simm.s32 $0x8;
	v25 =	vmovc v9;
	v24 =	vmovc v8;
	v22 =	vmov v7;
	[tilespmem:v21+s19+$0x0] =	vst.idx.msk $0xffff, v20;
	v18 =	vmov v4;
	v21 =	vmov v6  }
0x16d: {  	v18 =	vshll.u32 v14, $0x3;
	v19 =	vshll.u32 v15, $0x3;
	v20 =	vmov s8  }
0x16e: {  	v21 =	vshll.u32 v11, $0x3;
	v22 =	vshll.u32 v17, $0x3;
	v24 =	vshll.u32 v16, $0x3  }
0x16f: {  	v25 =	vshll.u32 v12, $0x3;
	v23 =	vshll.u32 v20, $0x3;
	v18 =	vand.u32 $0x400, v18  }
0x170: {  	v20 =	vand.u32 $0x7F, v20;
	v23 =	vand.u32 $0x400, v23;
	v18 =	vor.u32 v13, v18  }
0x171: {  	v26 =	vld [tilespmem:s7+$0xFFFFFE80];
	v19 =	vand.u32 $0x400, v19;
	v20 =	vor.u32 v20, v23;
	v18 =	vadd.s32 v2, v18  }
0x172: {  	v21 =	vand.u32 $0x400, v21;
	v19 =	vor.u32 v10, v19;
	v23 =	vld [tilespmem:s7+$0x180];
	v20 =	vadd.s32 v2, v20  }
0x173: {  	v27 =	vld [tilespmem:s7+$0xFFFFFF00];
	v28 =	vadd.s32 v2, v19;
	v19 =	vor.u32 v9, v21;
	v21 =	vand.u32 $0x400, v22  }
0x174: {  	v22 =	vld [tilespmem:s7+$0xFFFFFF80];
	v30 =	vadd.s32 v2, v19;
	v19 =	vor.u32 v8, v21;
	v21 =	vand.u32 $0x400, v24  }
0x175: {  	v24 =	vld [tilespmem:s7+$0x0];
	v31 =	vadd.s32 v2, v19;
	v19 =	vor.u32 v7, v21;
	v21 =	vand.u32 $0x400, v25  }
0x176: {  	v34 =	vld [tilespmem:s7+$0x80];
	v25 =	vand.u32 $0x400, v5;
	v35 =	vadd.s32 v2, v19;
	v19 =	vor.u32 v6, v21;
	[tilespmem:v18+s19+$0x0] =	vst.idx.msk $0xffff, v26  }
0x177: {  	v36 =	vld [tilespmem:s7+$0x100];
	s11 =	simm.s32 $0xB;
	p3 =	por $0x1, $0x1;
	v21 =	vor.u32 v4, v25;
	v37 =	vadd.s32 v2, v19;
	[tilespmem:v20+s19+$0x0] =	vst.idx.msk $0xffff, v23;
	v20 =	vmov s0  }
.Ltmp11:
0x178: {  	s16 =	simm.s32 $0xC;
	s17 =	simm.s32 $0xD;
	[tilespmem:v28+s19+$0x0] =	vst.idx.msk $0xffff, v27;
	v23 =	vld [tilespmem:s7+$0xFFFFFE00];
	v18 =	vand.u32 $0x78, v20;
	v19 =	vshll.u32 v20, $0x3;
	v20 =	vadd.s32 v2, v21;
	(pc) =	sbr.rel @!p3 .LBB2_21-.Ltmp11, $4  }
0x179: {  	s2 =	simm.s32 $0x9;
	s9 =	simm.s32 $0xA;
	v29 =	vmov s11;
	v33 =	vmov s16;
	v32 =	vmov s17;
	[tilespmem:v30+s19+$0x0] =	vst.idx.msk $0xffff, v22  }
0x17a: {  	s30 =	simm.s32 $0xE;
	v25 =	vand.u32 $0x7B, v29;
	v26 =	vmov s2;
	v28 =	vmov s9;
	[tilespmem:v31+s19+$0x0] =	vst.idx.msk $0xffff, v24  }
0x17b: {  	s13 =	simm.s32 $0xF;
	v30 =	vmov s30;
	v27 =	vand.u32 $0x7A, v28;
	v22 =	vand.u32 $0x7D, v32;
	[tilespmem:v35+s19+$0x0] =	vst.idx.msk $0xffff, v34  }
0x17c: {  	s12 =	simm.s32 $0x10;
	p2 =	por $0x1, $0x1;
	s11 =	simm.s32 $0x8420;
	v31 =	vand.u32 $0x79, v26;
	v24 =	vand.u32 $0x7C, v33;
	v21 =	vand.u32 $0x7E, v30;
	[tilespmem:v37+s19+$0x0] =	vst.idx.msk $0xffff, v36  }
.LBB2_22:
0x17d: {  	p3 =	slt.u32 s12, $0xF8;
	v26 =	vshll.u32 v26, $0x3;
	v28 =	vshll.u32 v28, $0x3;
	v34 =	vmov s13;
	[tilespmem:v20+s19+$0x0] =	vst.idx.msk $0xffff, v23  }
0x17e: {  	v20 =	vshll.u32 v29, $0x3;
	v23 =	vshll.u32 v33, $0x3;
	v29 =	vshll.u32 v34, $0x3  }
0x17f: {  	v32 =	vshll.u32 v32, $0x3;
	v33 =	vand.u32 $0x7F, v34;
	v29 =	vand.u32 $0x400, v29  }
0x180: {  	v30 =	vshll.u32 v30, $0x3;
	s11 =	sadd.s32 $0x400, s11;
	v26 =	vand.u32 $0x400, v26;
	v29 =	vor.u32 v33, v29  }
0x181: {  	v28 =	vand.u32 $0x400, v28;
	v26 =	vor.u32 v31, v26;
	v31 =	vld [tilespmem:s11+$0x180];
	v29 =	vadd.s32 v2, v29  }
0x182: {  	v20 =	vand.u32 $0x400, v20;
	v27 =	vor.u32 v27, v28;
	v26 =	vadd.s32 v2, v26;
	v33 =	vld [tilespmem:s11+$0xFFFFFE80]  }
0x183: {  	v23 =	vand.u32 $0x400, v23;
	v20 =	vor.u32 v25, v20;
	v27 =	vadd.s32 v2, v27;
	v28 =	vld [tilespmem:s11+$0xFFFFFF00]  }
0x184: {  	v34 =	vadd.s32 v2, v20;
	v20 =	vor.u32 v24, v23;
	v23 =	vand.u32 $0x400, v32;
	v25 =	vld [tilespmem:s11+$0xFFFFFF80]  }
0x185: {  	v35 =	vadd.s32 v2, v20;
	v20 =	vor.u32 v22, v23;
	v22 =	vand.u32 $0x400, v30;
	v24 =	vld [tilespmem:s11+$0x0]  }
0x186: {  	v19 =	vand.u32 $0x400, v19;
	v37 =	vadd.s32 v2, v20;
	v20 =	vor.u32 v21, v22;
	v36 =	vld [tilespmem:s11+$0x80];
	[tilespmem:v29+s19+$0x0] =	vst.idx.msk $0xffff, v31  }
0x187: {  	s2 =	sadd.s32 $0x1, s12;
	v21 =	vmov s12;
	v22 =	vor.u32 v18, v19;
	v39 =	vadd.s32 v2, v20;
	[tilespmem:v26+s19+$0x0] =	vst.idx.msk $0xffff, v33;
	v38 =	vld [tilespmem:s11+$0x100]  }
.Ltmp12:
0x188: {  	s9 =	sadd.s32 $0x2, s12;
	s13 =	sadd.s32 $0x3, s12;
	v18 =	vand.u32 $0x78, v21;
	v19 =	vshll.u32 v21, $0x3;
	v20 =	vadd.s32 v2, v22;
	v23 =	vld [tilespmem:s11+$0xFFFFFE00];
	[tilespmem:v27+s19+$0x0] =	vst.idx.msk $0xffff, v28;
	(pc) =	sbr.rel @p3 .LBB2_22-.Ltmp12, $4  }
0x189: {  	v29 =	vmov s13;
	s13 =	sadd.s32 $0x6, s12;
	v26 =	vmov s2;
	s2 =	sadd.s32 $0x4, s12;
	v28 =	vmov s9;
	s9 =	sadd.s32 $0x5, s12;
	[tilespmem:v34+s19+$0x0] =	vst.idx.msk $0xffff, v25  }
0x18a: {  	v30 =	vmov s13;
	v33 =	vmov s2;
	v32 =	vmov s9;
	[tilespmem:v35+s19+$0x0] =	vst.idx.msk $0xffff, v24  }
0x18b: {  	v31 =	vand.u32 $0x79, v26;
	v27 =	vand.u32 $0x7A, v28;
	v25 =	vand.u32 $0x7B, v29;
	[tilespmem:v37+s19+$0x0] =	vst.idx.msk $0xffff, v36  }
0x18c: {  	s13 =	sadd.s32 $0x7, s12;
	v21 =	vand.u32 $0x7E, v30;
	s12 =	sadd.s32 $0x8, s12;
	v24 =	vand.u32 $0x7C, v33;
	v22 =	vand.u32 $0x7D, v32;
	[tilespmem:v39+s19+$0x0] =	vst.idx.msk $0xffff, v38  }
.LBB2_23:
0x18d: {  	v34 =	vmov s13;
	v26 =	vshll.u32 v26, $0x3;
	v28 =	vshll.u32 v28, $0x3  }
0x18e: {  	v29 =	vshll.u32 v29, $0x3;
	v33 =	vshll.u32 v33, $0x3;
	v32 =	vshll.u32 v32, $0x3  }
0x18f: {  	s2 =	sadd.s32 @p2 $0x400, s11;
	v30 =	vshll.u32 v30, $0x3;
	v19 =	vand.u32 $0x400, v19;
	v35 =	vshll.u32 v34, $0x3  }
0x190: {  	v34 =	vand.u32 $0x7F, v34;
	v26 =	vand.u32 $0x400, v26;
	s7 =	smov.u32 @p2 s2;
	v18 =	vor.u32 v18, v19  }
0x191: {  	v28 =	vand.u32 $0x400, v28;
	v26 =	vor.u32 v31, v26;
	v63 =	vld [tilespmem:s7+$0xFFFFFE00];
	v18 =	vadd.s32 v2, v18  }
0x192: {  	v29 =	vand.u32 $0x400, v29;
	v27 =	vor.u32 v27, v28;
	v56 =	vld [tilespmem:s7+$0xFFFFFE80];
	v26 =	vadd.s32 v2, v26  }
0x193: {  	v33 =	vand.u32 $0x400, v33;
	v25 =	vor.u32 v25, v29;
	v57 =	vld [tilespmem:s7+$0xFFFFFF00];
	v27 =	vadd.s32 v2, v27  }
0x194: {  	v32 =	vand.u32 $0x400, v32;
	v24 =	vor.u32 v24, v33;
	v58 =	vld [tilespmem:s7+$0xFFFFFF80];
	v25 =	vadd.s32 v2, v25  }
0x195: {  	[tilespmem:v20+s19+$0x0] =	vst.idx.msk @p2 $0xffff, v23;
	v61 =	vand.u32 $0x400, v30;
	v59 =	vld [tilespmem:s7+$0x0];
	v22 =	vor.u32 v22, v32;
	v60 =	vadd.s32 v2, v24  }
0x196: {  	v35 =	vand.u32 $0x400, v35;
	v62 =	vld [tilespmem:s7+$0x80];
	v21 =	vor.u32 v21, v61;
	v22 =	vadd.s32 v2, v22;
	[tilespmem:v18+s19+$0x0] =	vst.idx.msk $0xffff, v63  }
0x197: {  	v19 =	vld [tilespmem:s7+$0x100];
	v34 =	vor.u32 v34, v35;
	v21 =	vadd.s32 v2, v21;
	[tilespmem:v26+s19+$0x0] =	vst.idx.msk $0xffff, v56  }
0x198: {  	v55 =	vld [tilespmem:s7+$0x180];
	v34 =	vadd.s32 v2, v34;
	[tilespmem:v27+s19+$0x0] =	vst.idx.msk $0xffff, v57  }
.Ltmp13:
0x199: {  	[tilespmem:v25+s19+$0x0] =	vst.idx.msk $0xffff, v58;
	(pc) =	sbr.rel @!p1 .LBB2_24-.Ltmp13, $4  }
0x19a: {  	[tilespmem:v60+s19+$0x0] =	vst.idx.msk $0xffff, v59  }
0x19b: {  	[tilespmem:v22+s19+$0x0] =	vst.idx.msk $0xffff, v62  }
0x19c: {  	[tilespmem:v21+s19+$0x0] =	vst.idx.msk $0xffff, v19  }
0x19d: {  	s7 =	simm.s32 $0x8430;
	[tilespmem:v34+s19+$0x0] =	vst.idx.msk $0xffff, v55  }
0x19e: {  	v14 =	vshll.u32 v14, $0x3;
	v15 =	vshll.u32 v15, $0x3;
	v18 =	vmov s8  }
0x19f: {  	v11 =	vshll.u32 v11, $0x3;
	v17 =	vshll.u32 v17, $0x3;
	v16 =	vshll.u32 v16, $0x3  }
0x1a0: {  	v19 =	vshll.u32 v18, $0x3;
	v18 =	vand.u32 $0x7F, v18;
	v14 =	vand.u32 $0x400, v14  }
0x1a1: {  	v11 =	vand.u32 $0x400, v11;
	v19 =	vand.u32 $0x400, v19;
	v13 =	vor.u32 v13, v14  }
0x1a2: {  	v9 =	vor.u32 v9, v11;
	v18 =	vor.u32 v18, v19;
	v19 =	vld [tilespmem:s7+$0xFFFFFE80];
	v13 =	vadd.s32 v3, v13  }
0x1a3: {  	v14 =	vand.u32 $0x400, v15;
	v11 =	vand.u32 $0x400, v17;
	v17 =	vld [tilespmem:s7+$0xFFFFFF80];
	v9 =	vadd.s32 v3, v9  }
0x1a4: {  	v12 =	vshll.u32 v12, $0x3;
	v15 =	vld [tilespmem:s7+$0x180];
	v10 =	vor.u32 v10, v14;
	v18 =	vadd.s32 v3, v18  }
0x1a5: {  	v14 =	vld [tilespmem:s7+$0xFFFFFF00];
	v8 =	vor.u32 v8, v11;
	v11 =	vand.u32 $0x400, v16;
	v10 =	vadd.s32 v3, v10  }
0x1a6: {  	v20 =	vld [tilespmem:s7+$0x0];
	v8 =	vadd.s32 v3, v8;
	v7 =	vor.u32 v7, v11;
	v11 =	vand.u32 $0x400, v12  }
0x1a7: {  	v5 =	vand.u32 $0x400, v5;
	v21 =	vld [tilespmem:s7+$0x80];
	v7 =	vadd.s32 v3, v7;
	v6 =	vor.u32 v6, v11;
	[tilespmem:v13+s19+$0x0] =	vst.idx.msk $0xffff, v19  }
0x1a8: {  	v22 =	vld [tilespmem:s7+$0x100];
	s17 =	simm.s32 $0xD;
	p1 =	por $0x1, $0x1;
	v12 =	vor.u32 v4, v5;
	v11 =	vmov s0;
	v23 =	vadd.s32 v3, v6;
	[tilespmem:v9+s19+$0x0] =	vst.idx.msk $0xffff, v17  }
.Ltmp14:
0x1a9: {  	s13 =	simm.s32 $0xB;
	s16 =	simm.s32 $0xC;
	v16 =	vmov s17;
	v4 =	vand.u32 $0x78, v11;
	v19 =	vld [tilespmem:s7+$0xFFFFFE00];
	[tilespmem:v18+s19+$0x0] =	vst.idx.msk $0xffff, v15;
	v18 =	vadd.s32 v3, v12;
	(pc) =	sbr.rel @!p1 .LBB2_26-.Ltmp14, $4  }
0x1aa: {  	s12 =	simm.s32 $0x9;
	s2 =	simm.s32 $0xA;
	v5 =	vshll.u32 v11, $0x3;
	v11 =	vmov s13;
	v17 =	vmov s16;
	[tilespmem:v10+s19+$0x0] =	vst.idx.msk $0xffff, v14  }
0x1ab: {  	s30 =	simm.s32 $0xE;
	v9 =	vand.u32 $0x7B, v11;
	v14 =	vmov s12;
	v15 =	vmov s2;
	[tilespmem:v8+s19+$0x0] =	vst.idx.msk $0xffff, v20  }
0x1ac: {  	s8 =	simm.s32 $0xF;
	v12 =	vmov s30;
	v8 =	vand.u32 $0x7C, v17;
	v13 =	vand.u32 $0x79, v14;
	[tilespmem:v7+s19+$0x0] =	vst.idx.msk $0xffff, v21  }
0x1ad: {  	s11 =	simm.s32 $0x10;
	p0 =	por $0x1, $0x1;
	s0 =	simm.s32 $0x8430;
	v10 =	vand.u32 $0x7A, v15;
	v7 =	vand.u32 $0x7D, v16;
	v6 =	vand.u32 $0x7E, v12;
	[tilespmem:v23+s19+$0x0] =	vst.idx.msk $0xffff, v22  }
.LBB2_27:
0x1ae: {  	p1 =	slt.u32 s11, $0xF8;
	v14 =	vshll.u32 v14, $0x3;
	v15 =	vshll.u32 v15, $0x3;
	v20 =	vmov s8;
	[tilespmem:v18+s19+$0x0] =	vst.idx.msk $0xffff, v19  }
0x1af: {  	v11 =	vshll.u32 v11, $0x3;
	v17 =	vshll.u32 v17, $0x3;
	v18 =	vshll.u32 v20, $0x3  }
0x1b0: {  	v16 =	vshll.u32 v16, $0x3;
	v19 =	vand.u32 $0x7F, v20;
	v18 =	vand.u32 $0x400, v18  }
0x1b1: {  	v12 =	vshll.u32 v12, $0x3;
	s0 =	sadd.s32 $0x400, s0;
	v14 =	vand.u32 $0x400, v14;
	v18 =	vor.u32 v19, v18  }
0x1b2: {  	v13 =	vor.u32 v13, v14;
	v14 =	vand.u32 $0x400, v15;
	v15 =	vld [tilespmem:s0+$0x180];
	v18 =	vadd.s32 v3, v18  }
0x1b3: {  	v11 =	vand.u32 $0x400, v11;
	v13 =	vadd.s32 v3, v13;
	v10 =	vor.u32 v10, v14;
	v19 =	vld [tilespmem:s0+$0xFFFFFE80]  }
0x1b4: {  	v9 =	vor.u32 v9, v11;
	v11 =	vand.u32 $0x400, v17;
	v10 =	vadd.s32 v3, v10;
	v14 =	vld [tilespmem:s0+$0xFFFFFF00]  }
0x1b5: {  	v9 =	vadd.s32 v3, v9;
	v8 =	vor.u32 v8, v11;
	v11 =	vand.u32 $0x400, v16;
	v17 =	vld [tilespmem:s0+$0xFFFFFF80]  }
0x1b6: {  	v8 =	vadd.s32 v3, v8;
	v7 =	vor.u32 v7, v11;
	v11 =	vand.u32 $0x400, v12;
	v20 =	vld [tilespmem:s0+$0x0]  }
0x1b7: {  	v5 =	vand.u32 $0x400, v5;
	v7 =	vadd.s32 v3, v7;
	v6 =	vor.u32 v6, v11;
	v21 =	vld [tilespmem:s0+$0x80];
	[tilespmem:v18+s19+$0x0] =	vst.idx.msk $0xffff, v15  }
0x1b8: {  	s2 =	sadd.s32 $0x1, s11;
	v12 =	vor.u32 v4, v5;
	v11 =	vmov s11;
	v23 =	vadd.s32 v3, v6;
	[tilespmem:v13+s19+$0x0] =	vst.idx.msk $0xffff, v19;
	v22 =	vld [tilespmem:s0+$0x100]  }
.Ltmp15:
0x1b9: {  	s8 =	sadd.s32 $0x2, s11;
	s9 =	sadd.s32 $0x3, s11;
	v4 =	vand.u32 $0x78, v11;
	v5 =	vshll.u32 v11, $0x3;
	v18 =	vadd.s32 v3, v12;
	v19 =	vld [tilespmem:s0+$0xFFFFFE00];
	[tilespmem:v10+s19+$0x0] =	vst.idx.msk $0xffff, v14;
	(pc) =	sbr.rel @p1 .LBB2_27-.Ltmp15, $4  }
0x1ba: {  	v11 =	vmov s9;
	s9 =	sadd.s32 $0x6, s11;
	v15 =	vmov s8;
	s8 =	sadd.s32 $0x5, s11;
	v14 =	vmov s2;
	s2 =	sadd.s32 $0x4, s11;
	[tilespmem:v9+s19+$0x0] =	vst.idx.msk $0xffff, v17  }
0x1bb: {  	v12 =	vmov s9;
	v16 =	vmov s8;
	v17 =	vmov s2;
	[tilespmem:v8+s19+$0x0] =	vst.idx.msk $0xffff, v20  }
0x1bc: {  	v10 =	vand.u32 $0x7A, v15;
	v13 =	vand.u32 $0x79, v14;
	v9 =	vand.u32 $0x7B, v11;
	[tilespmem:v7+s19+$0x0] =	vst.idx.msk $0xffff, v21  }
0x1bd: {  	v6 =	vand.u32 $0x7E, v12;
	s8 =	sadd.s32 $0x7, s11;
	s11 =	sadd.s32 $0x8, s11;
	v8 =	vand.u32 $0x7C, v17;
	v7 =	vand.u32 $0x7D, v16;
	[tilespmem:v23+s19+$0x0] =	vst.idx.msk $0xffff, v22  }
.LBB2_28:
0x1be: {  	v20 =	vmov s8;
	v14 =	vshll.u32 v14, $0x3;
	v15 =	vshll.u32 v15, $0x3  }
0x1bf: {  	v11 =	vshll.u32 v11, $0x3;
	v17 =	vshll.u32 v17, $0x3;
	v16 =	vshll.u32 v16, $0x3  }
0x1c0: {  	s0 =	sadd.s32 @p0 $0x400, s0;
	v12 =	vshll.u32 v12, $0x3;
	v5 =	vand.u32 $0x400, v5;
	v21 =	vshll.u32 v20, $0x3  }
0x1c1: {  	v20 =	vand.u32 $0x7F, v20;
	v14 =	vand.u32 $0x400, v14;
	s7 =	smov.u32 @p0 s0;
	v4 =	vor.u32 v4, v5  }
0x1c2: {  	v56 =	vand.u32 $0x400, v15;
	v13 =	vor.u32 v13, v14;
	v63 =	vld [tilespmem:s7+$0xFFFFFE00];
	v4 =	vadd.s32 v3, v4  }
0x1c3: {  	v11 =	vand.u32 $0x400, v11;
	v10 =	vor.u32 v10, v56;
	v58 =	vld [tilespmem:s7+$0xFFFFFE80];
	v13 =	vadd.s32 v3, v13  }
0x1c4: {  	v17 =	vand.u32 $0x400, v17;
	v9 =	vor.u32 v9, v11;
	v59 =	vld [tilespmem:s7+$0xFFFFFF00];
	v10 =	vadd.s32 v3, v10  }
0x1c5: {  	v16 =	vand.u32 $0x400, v16;
	v8 =	vor.u32 v8, v17;
	v60 =	vld [tilespmem:s7+$0xFFFFFF80];
	v9 =	vadd.s32 v3, v9  }
0x1c6: {  	[tilespmem:v18+s19+$0x0] =	vst.idx.msk @p0 $0xffff, v19;
	v12 =	vand.u32 $0x400, v12;
	v61 =	vld [tilespmem:s7+$0x0];
	v7 =	vor.u32 v7, v16;
	v8 =	vadd.s32 v3, v8  }
0x1c7: {  	v21 =	vand.u32 $0x400, v21;
	v62 =	vld [tilespmem:s7+$0x80];
	v6 =	vor.u32 v6, v12;
	v7 =	vadd.s32 v3, v7;
	[tilespmem:v4+s19+$0x0] =	vst.idx.msk $0xffff, v63  }
0x1c8: {  	v5 =	vld [tilespmem:s7+$0x100];
	v20 =	vor.u32 v20, v21;
	v6 =	vadd.s32 v3, v6;
	[tilespmem:v13+s19+$0x0] =	vst.idx.msk $0xffff, v58  }
0x1c9: {  	v57 =	vld [tilespmem:s7+$0x180];
	v20 =	vadd.s32 v3, v20;
	[tilespmem:v10+s19+$0x0] =	vst.idx.msk $0xffff, v59  }
0x1ca: {  	s8 =	sadd.s32 s1, s4;
	[tilespmem:v9+s19+$0x0] =	vst.idx.msk $0xffff, v60  }
0x1cb: {  	s0 =	sadd.s32 $0x100, s8;
	[tilespmem:v8+s19+$0x0] =	vst.idx.msk $0xffff, v61  }
0x1cc: {  	s2 =	sshll.u32 s0, $0x3;
	s0 =	sand.u32 $0x3F00, s0;
	[tilespmem:v7+s19+$0x0] =	vst.idx.msk $0xffff, v62  }
0x1cd: {  	s2 =	sand.u32 $0xFFE0000, s2;
	s0 =	sadd.s32 s10, s0;
	[tilespmem:v6+s19+$0x0] =	vst.idx.msk $0xffff, v5  }
0x1ce: {  	s0 =	sadd.s32 s2, s0;
	[tilespmem:v20+s19+$0x0] =	vst.idx.msk $0xffff, v57  }
0x1cf: {  	[hbm4b:s0+s3] =	stream.linear.scatter [tilespmem:s19], [sflag:$0x3], $0x800, $0x38;
	[tilespmem:$0x16200] =	vst v63  }
0x1d0: {  	s2 =	sadd.s32 $0x4000, s0  }
0x1d1: {  	[hbm4b:s2+s3] =	stream.linear.scatter [tilespmem:s20], [sflag:$0x3], $0x800, $0x38;
	[tilespmem:$0x16200] =	vst v63  }
0x1d2: {  	s9 =	sadd.s32 $0x8000, s0  }
0x1d3: {  	[hbm4b:s9+s3] =	stream.linear.scatter [tilespmem:s21], [sflag:$0x3], $0x800, $0x38;
	[tilespmem:$0x16200] =	vst v63  }
0x1d4: {  	s11 =	sadd.s32 $0xC000, s0  }
0x1d5: {  	[hbm4b:s11+s3] =	stream.linear.scatter [tilespmem:s22], [sflag:$0x3], $0x800, $0x38;
	[tilespmem:$0x16200] =	vst v63  }
0x1d6: {  	s12 =	sadd.s32 $0x10000, s0  }
0x1d7: {  	[hbm4b:s12+s3] =	stream.linear.scatter [tilespmem:s23], [sflag:$0x3], $0x800, $0x38;
	[tilespmem:$0x16200] =	vst v63  }
0x1d8: {  	s13 =	sadd.s32 $0x14000, s0  }
0x1d9: {  	[hbm4b:s13+s3] =	stream.linear.scatter [tilespmem:s24], [sflag:$0x3], $0x800, $0x38;
	[tilespmem:$0x16200] =	vst v63  }
0x1da: {  	s16 =	sadd.s32 $0x18000, s0  }
0x1db: {  	[hbm4b:s16+s3] =	stream.linear.scatter [tilespmem:s25], [sflag:$0x3], $0x800, $0x38;
	[tilespmem:$0x16200] =	vst v63  }
0x1dc: {  	s0 =	sadd.s32 $0x1C000, s0;
	s17 =	rddreg [dreg:$0x6]  }
0x1dd: {  	[hbm4b:s0+s3] =	stream.linear.scatter [tilespmem:s26], [sflag:$0x3], $0x800, $0x38;
	[tilespmem:$0x16200] =	vst v63  }
0x1de: {  	s0 =	sadd.s32 s1, s17  }
0x1df: {  	s31 =	sadd.s32 $0x1, s31;
	s0 =	sshrl.u32 s0, $0x3  }
0x1e0: {  	p0 =	sne.s32 s31, $0x31;
	s0 =	sadd.s32 s5, s0  }
0x1e1: {  	[tilespmem:s15], [sflag:$0x4] =	stream.linear.gather [hbm4b:s0+s3], $0x100, $0x38;
	[tilespmem:$0x16200] =	vst v63  }
.Ltmp16:
0x1e2: {  	_ = 	snop;
	(pc) =	sbr.rel @p0 .LBB2_2-.Ltmp16, $4  }
.Ltmp17:
0x1e3: {  	_ =	swait.ge [sflag:s14], $0x100;
	(pc) =	sbr.rel @!p0 .LBB2_29-.Ltmp17, $4  }
0x1e4: {  	[sflag:s14] =	ssyncset.done $0x0  }
0x1e5: {  	s30 =	simm.s32 $0x8200;
	[sflag:s14] =	ssyncadd.s32 $0xFFFFFF00  }
0x1e6: {  	[tilespmem:s30], [sflag:$0x2] =	stream.indirect.gather [hbm4b:s6+s15], $0x80, s15, s15, $0xb8;
	[tilespmem:$0x16200] =	vst v63  }
0x1e7: {  	_ = 	snop  }
.LBB2_11:
.Ltmp18:
0x1e8: {  	(pc) =	sbr.rel .LBB2_15-.Ltmp18, $2  }
0x1e9: {  	_ =	sdelay $0x2  }
0x1ea: {  	s1 =	simm.s32 $0x430  }
.LBB2_24:
.Ltmp19:
0x1eb: {  	(pc) =	sbr.rel .LBB2_28-.Ltmp19, $2  }
0x1ec: {  	_ =	sdelay $0x2  }
0x1ed: {  	s0 =	simm.s32 $0x8430  }
.LBB2_8:
.Ltmp20:
0x1ee: {  	(pc) =	sbr.rel .LBB2_10-.Ltmp20, $2  }
0x1ef: {  	_ =	sdelay $0x2  }
0x1f0: {  	s8 =	simm.s32 $0x420  }
.LBB2_13:
.Ltmp21:
0x1f1: {  	(pc) =	sbr.rel .LBB2_15-.Ltmp21, $2  }
0x1f2: {  	_ =	sdelay $0x2  }
0x1f3: {  	s1 =	simm.s32 $0x430  }
.LBB2_21:
.Ltmp22:
0x1f4: {  	(pc) =	sbr.rel .LBB2_23-.Ltmp22, $2  }
0x1f5: {  	_ =	sdelay $0x2  }
0x1f6: {  	s11 =	simm.s32 $0x8420  }
.LBB2_26:
.Ltmp23:
0x1f7: {  	(pc) =	sbr.rel .LBB2_28-.Ltmp23, $2  }
0x1f8: {  	_ =	sdelay $0x2  }
0x1f9: {  	s0 =	simm.s32 $0x8430  }
.LBB2_29:
0x1fa: {  	s0 =	simm.s32 $0x0  }
0x1fb: {  	s1 =	simm.s32 $0x2;
	s2 =	simm.s32 $0x3;
	s13 =	simm.s32 $0x4;
	v4 =	vmov s0  }
0x1fc: {  	s16 =	simm.s32 $0x5;
	s17 =	simm.s32 $0x6;
	v5 =	vmov s1;
	v6 =	vmov s2;
	v7 =	vmov s13  }
0x1fd: {  	s12 =	simm.s32 $0x1;
	v8 =	vmov s16;
	v9 =	vmov s17;
	v12 =	vand.u32 $0x78, v4  }
0x1fe: {  	v10 =	vshll.u32 v4, $0x3;
	v4 =	vmov s12;
	v13 =	vand.u32 $0x7A, v5  }
0x1ff: {  	_ =	swait.ge [sflag:s18], $0x8000;
	s30 =	simm.s32 $0x7;
	v14 =	vand.u32 $0x7B, v6;
	v15 =	vand.u32 $0x7C, v7;
	v16 =	vand.u32 $0x7D, v8  }
0x200: {  	[sflag:s18] =	ssyncset.done $0x0;
	v17 =	vand.u32 $0x7E, v9;
	v18 =	vshll.u32 v5, $0x3;
	v5 =	vmov s30  }
0x201: {  	[sflag:s18] =	ssyncadd.s32 $0xFFFF8000;
	v19 =	vshll.u32 v6, $0x3;
	v20 =	vshll.u32 v7, $0x3;
	v21 =	vshll.u32 v8, $0x3  }
0x202: {  	v22 =	vshll.u32 v9, $0x3;
	v11 =	vand.u32 $0x79, v4;
	_ =	swait.ge [sflag:s29], $0x4000;
	v6 =	vshll.u32 v5, $0x3  }
0x203: {  	v4 =	vshll.u32 v4, $0x3;
	v5 =	vand.u32 $0x7F, v5;
	[sflag:s29] =	ssyncset.done $0x0;
	v6 =	vand.u32 $0x400, v6  }
0x204: {  	s12 =	simm.s32 $0x400;
	v7 =	vand.u32 $0x400, v19;
	v4 =	vand.u32 $0x400, v4;
	[sflag:s29] =	ssyncadd.s32 $0xFFFFC000;
	v5 =	vor.u32 v5, v6  }
0x205: {  	v4 =	vor.u32 v11, v4;
	v6 =	vand.u32 $0x400, v18;
	v11 =	vld [tilespmem:s12+$0x180];
	v18 =	vadd.s32 v0, v5  }
0x206: {  	v8 =	vand.u32 $0x400, v20;
	v7 =	vor.u32 v14, v7;
	v23 =	vld [tilespmem:s12+$0xFFFFFE80];
	v24 =	vadd.s32 v0, v4  }
0x207: {  	v9 =	vand.u32 $0x400, v21;
	v8 =	vor.u32 v15, v8;
	v27 =	vadd.s32 v0, v7;
	v20 =	vld [tilespmem:s12+$0xFFFFFF80]  }
0x208: {  	v9 =	vor.u32 v16, v9;
	v21 =	vadd.s32 v0, v8;
	v15 =	vld [tilespmem:s12+$0x0]  }
0x209: {  	v30 =	vadd.s32 v0, v9;
	v6 =	vor.u32 v13, v6;
	v13 =	vand.u32 $0x400, v22;
	v29 =	vld [tilespmem:s12+$0x80]  }
0x20a: {  	s8 =	simm.s32 $0xC;
	v14 =	vand.u32 $0x400, v10;
	v19 =	vld [tilespmem:s12+$0xFFFFFF00];
	v25 =	vadd.s32 v0, v6;
	v10 =	vor.u32 v17, v13;
	[tilespmem:v18+s19+$0x0] =	vst.idx.msk $0xffff, v11  }
0x20b: {  	s7 =	simm.s32 $0xB;
	s1 =	simm.s32 $0xA;
	v28 =	vmov s8;
	v12 =	vor.u32 v12, v14;
	v31 =	vld [tilespmem:s12+$0x100];
	v32 =	vadd.s32 v0, v10;
	[tilespmem:v24+s19+$0x0] =	vst.idx.msk $0xffff, v23  }
0x20c: {  	s31 =	simm.s32 $0x8;
	s11 =	simm.s32 $0xD;
	s13 =	simm.s32 $0xE;
	v26 =	vmov s1;
	v16 =	vadd.s32 v0, v12;
	v22 =	vmov s7;
	[tilespmem:v27+s19+$0x0] =	vst.idx.msk $0xffff, v20;
	v20 =	vld [tilespmem:s12+$0xFFFFFE00]  }
0x20d: {  	v11 =	vmov s31;
	v27 =	vmov s11;
	v24 =	vmov s13;
	[tilespmem:v21+s19+$0x0] =	vst.idx.msk $0xffff, v15  }
0x20e: {  	s0 =	simm.s32 $0x9;
	v21 =	vand.u32 $0x7A, v26;
	[tilespmem:v30+s19+$0x0] =	vst.idx.msk $0xffff, v29;
	v18 =	vand.u32 $0x7C, v28;
	v13 =	vand.u32 $0x78, v11  }
0x20f: {  	v14 =	vshll.u32 v11, $0x3;
	[tilespmem:v25+s19+$0x0] =	vst.idx.msk $0xffff, v19;
	v25 =	vmov s0;
	v19 =	vand.u32 $0x7B, v22  }
0x210: {  	s17 =	simm.s32 $0xF;
	s16 =	simm.s32 $0x10;
	v17 =	vand.u32 $0x7D, v27;
	v15 =	vand.u32 $0x7E, v24;
	v23 =	vand.u32 $0x79, v25;
	[tilespmem:v32+s19+$0x0] =	vst.idx.msk $0xffff, v31  }
.LBB2_30:
0x211: {  	p0 =	slt.u32 s16, $0xF8;
	v25 =	vshll.u32 v25, $0x3;
	v26 =	vshll.u32 v26, $0x3;
	v29 =	vmov s17;
	[tilespmem:v16+s19+$0x0] =	vst.idx.msk $0xffff, v20  }
0x212: {  	v16 =	vshll.u32 v22, $0x3;
	v20 =	vshll.u32 v28, $0x3;
	v22 =	vshll.u32 v29, $0x3  }
0x213: {  	v27 =	vshll.u32 v27, $0x3;
	v28 =	vand.u32 $0x7F, v29;
	v22 =	vand.u32 $0x400, v22  }
0x214: {  	v24 =	vshll.u32 v24, $0x3;
	s12 =	sadd.s32 $0x400, s12;
	v25 =	vand.u32 $0x400, v25;
	v22 =	vor.u32 v28, v22  }
0x215: {  	v23 =	vor.u32 v23, v25;
	v25 =	vand.u32 $0x400, v26;
	v26 =	vld [tilespmem:s12+$0x180];
	v22 =	vadd.s32 v0, v22  }
0x216: {  	v16 =	vand.u32 $0x400, v16;
	v23 =	vadd.s32 v0, v23;
	v21 =	vor.u32 v21, v25;
	v28 =	vld [tilespmem:s12+$0xFFFFFE80]  }
0x217: {  	v16 =	vor.u32 v19, v16;
	v19 =	vand.u32 $0x400, v20;
	v21 =	vadd.s32 v0, v21;
	v25 =	vld [tilespmem:s12+$0xFFFFFF00]  }
0x218: {  	v30 =	vadd.s32 v0, v16;
	v16 =	vor.u32 v18, v19;
	v18 =	vand.u32 $0x400, v27;
	v29 =	vld [tilespmem:s12+$0xFFFFFF80]  }
0x219: {  	v31 =	vadd.s32 v0, v16;
	v16 =	vor.u32 v17, v18;
	v17 =	vand.u32 $0x400, v24;
	v19 =	vld [tilespmem:s12+$0x0]  }
0x21a: {  	v14 =	vand.u32 $0x400, v14;
	v32 =	vadd.s32 v0, v16;
	v15 =	vor.u32 v15, v17;
	v18 =	vld [tilespmem:s12+$0x80];
	[tilespmem:v22+s19+$0x0] =	vst.idx.msk $0xffff, v26  }
0x21b: {  	s2 =	sadd.s32 $0x1, s16;
	v16 =	vmov s16;
	v17 =	vor.u32 v13, v14;
	v34 =	vadd.s32 v0, v15;
	[tilespmem:v23+s19+$0x0] =	vst.idx.msk $0xffff, v28;
	v33 =	vld [tilespmem:s12+$0x100]  }
.Ltmp24:
0x21c: {  	s9 =	sadd.s32 $0x2, s16;
	s17 =	sadd.s32 $0x3, s16;
	v13 =	vand.u32 $0x78, v16;
	v14 =	vshll.u32 v16, $0x3;
	v16 =	vadd.s32 v0, v17;
	v20 =	vld [tilespmem:s12+$0xFFFFFE00];
	[tilespmem:v21+s19+$0x0] =	vst.idx.msk $0xffff, v25;
	(pc) =	sbr.rel @p0 .LBB2_30-.Ltmp24, $4  }
0x21d: {  	v26 =	vmov s9;
	v22 =	vmov s17;
	s9 =	sadd.s32 $0x5, s16;
	s17 =	sadd.s32 $0x6, s16;
	v25 =	vmov s2;
	s2 =	sadd.s32 $0x4, s16;
	[tilespmem:v30+s19+$0x0] =	vst.idx.msk $0xffff, v29  }
0x21e: {  	v27 =	vmov s9;
	v24 =	vmov s17;
	v28 =	vmov s2;
	[tilespmem:v31+s19+$0x0] =	vst.idx.msk $0xffff, v19  }
0x21f: {  	v21 =	vand.u32 $0x7A, v26;
	v23 =	vand.u32 $0x79, v25;
	v19 =	vand.u32 $0x7B, v22;
	[tilespmem:v32+s19+$0x0] =	vst.idx.msk $0xffff, v18  }
0x220: {  	s17 =	sadd.s32 $0x7, s16;
	v17 =	vand.u32 $0x7D, v27;
	v15 =	vand.u32 $0x7E, v24;
	s16 =	sadd.s32 $0x8, s16;
	v18 =	vand.u32 $0x7C, v28;
	[tilespmem:v34+s19+$0x0] =	vst.idx.msk $0xffff, v33  }
0x221: {  	_ = 	snop  }
0x222: {  	v29 =	vmov s17;
	v25 =	vshll.u32 v25, $0x3;
	v26 =	vshll.u32 v26, $0x3  }
0x223: {  	v22 =	vshll.u32 v22, $0x3;
	v28 =	vshll.u32 v28, $0x3;
	v27 =	vshll.u32 v27, $0x3  }
0x224: {  	v24 =	vshll.u32 v24, $0x3;
	v14 =	vand.u32 $0x400, v14;
	v25 =	vand.u32 $0x400, v25  }
0x225: {  	s2 =	sadd.s32 $0x400, s12;
	[tilespmem:v16+s19+$0x0] =	vst.idx.msk $0xffff, v20;
	v56 =	vand.u32 $0x400, v26;
	v20 =	vand.u32 $0x400, v24;
	v13 =	vor.u32 v13, v14  }
0x226: {  	v23 =	vor.u32 v23, v25;
	v15 =	vor.u32 v15, v20;
	v20 =	vld [tilespmem:s2+$0xFFFFFE00];
	v13 =	vadd.s32 v0, v13  }
0x227: {  	v58 =	vld [tilespmem:s2+$0xFFFFFE80];
	v22 =	vand.u32 $0x400, v22;
	v21 =	vor.u32 v21, v56;
	v23 =	vadd.s32 v0, v23  }
0x228: {  	v59 =	vld [tilespmem:s2+$0xFFFFFF00];
	v28 =	vand.u32 $0x400, v28;
	v19 =	vor.u32 v19, v22;
	v21 =	vadd.s32 v0, v21  }
0x229: {  	v60 =	vld [tilespmem:s2+$0xFFFFFF80];
	v27 =	vand.u32 $0x400, v27;
	v18 =	vor.u32 v18, v28;
	v19 =	vadd.s32 v0, v19  }
0x22a: {  	v30 =	vshll.u32 v29, $0x3;
	v16 =	vld [tilespmem:s2+$0x0];
	v17 =	vor.u32 v17, v27;
	v18 =	vadd.s32 v0, v18  }
0x22b: {  	v29 =	vand.u32 $0x7F, v29;
	v61 =	vld [tilespmem:s2+$0x80];
	v30 =	vand.u32 $0x400, v30;
	v17 =	vadd.s32 v0, v17;
	[tilespmem:v13+s19+$0x0] =	vst.idx.msk $0xffff, v20  }
0x22c: {  	v14 =	vld [tilespmem:s2+$0x100];
	v29 =	vor.u32 v29, v30;
	v15 =	vadd.s32 v0, v15;
	[tilespmem:v23+s19+$0x0] =	vst.idx.msk $0xffff, v58  }
0x22d: {  	v57 =	vld [tilespmem:s2+$0x180];
	v29 =	vadd.s32 v0, v29;
	[tilespmem:v21+s19+$0x0] =	vst.idx.msk $0xffff, v59  }
0x22e: {  	[tilespmem:v19+s19+$0x0] =	vst.idx.msk $0xffff, v60  }
0x22f: {  	[tilespmem:v18+s19+$0x0] =	vst.idx.msk $0xffff, v16  }
0x230: {  	[tilespmem:v17+s19+$0x0] =	vst.idx.msk $0xffff, v61  }
0x231: {  	[tilespmem:v15+s19+$0x0] =	vst.idx.msk $0xffff, v14  }
0x232: {  	s12 =	simm.s32 $0x410;
	[tilespmem:v29+s19+$0x0] =	vst.idx.msk $0xffff, v57  }
0x233: {  	v5 =	vadd.s32 v1, v5;
	v13 =	vld [tilespmem:s12+$0x180]  }
0x234: {  	v4 =	vadd.s32 v1, v4;
	v14 =	vld [tilespmem:s12+$0xFFFFFE80]  }
0x235: {  	v6 =	vadd.s32 v1, v6;
	v15 =	vld [tilespmem:s12+$0xFFFFFF00]  }
0x236: {  	v7 =	vadd.s32 v1, v7;
	v18 =	vld [tilespmem:s12+$0xFFFFFF80]  }
0x237: {  	v62 =	vadd.s32 v1, v8;
	v20 =	vld [tilespmem:s12+$0x0]  }
0x238: {  	v9 =	vadd.s32 v1, v9;
	v22 =	vld [tilespmem:s12+$0x80];
	[tilespmem:v5+s19+$0x0] =	vst.idx.msk $0xffff, v13  }
0x239: {  	v63 =	vadd.s32 v1, v10;
	v23 =	vld [tilespmem:s12+$0x100];
	[tilespmem:v4+s19+$0x0] =	vst.idx.msk $0xffff, v14  }
0x23a: {  	v8 =	vadd.s32 v1, v12;
	v4 =	vand.u32 $0x78, v11;
	v5 =	vshll.u32 v11, $0x3;
	[tilespmem:v6+s19+$0x0] =	vst.idx.msk $0xffff, v15;
	v11 =	vld [tilespmem:s12+$0xFFFFFE00]  }
0x23b: {  	v16 =	vmov s0;
	v17 =	vmov s1;
	v19 =	vmov s8;
	[tilespmem:v7+s19+$0x0] =	vst.idx.msk $0xffff, v18  }
0x23c: {  	v12 =	vand.u32 $0x7A, v17;
	v15 =	vmov s7;
	v18 =	vmov s11;
	[tilespmem:v62+s19+$0x0] =	vst.idx.msk $0xffff, v20  }
0x23d: {  	v14 =	vmov s13;
	v13 =	vand.u32 $0x79, v16;
	[tilespmem:v9+s19+$0x0] =	vst.idx.msk $0xffff, v22;
	v9 =	vand.u32 $0x7C, v19  }
0x23e: {  	s1 =	simm.s32 $0xF;
	s0 =	simm.s32 $0x10;
	[tilespmem:v63+s19+$0x0] =	vst.idx.msk $0xffff, v23;
	v10 =	vand.u32 $0x7B, v15;
	v7 =	vand.u32 $0x7D, v18;
	v6 =	vand.u32 $0x7E, v14  }
.LBB2_32:
0x23f: {  	p0 =	slt.u32 s0, $0xF8;
	v16 =	vshll.u32 v16, $0x3;
	v17 =	vshll.u32 v17, $0x3;
	v20 =	vmov s1;
	[tilespmem:v8+s19+$0x0] =	vst.idx.msk $0xffff, v11  }
0x240: {  	v8 =	vshll.u32 v15, $0x3;
	v11 =	vshll.u32 v19, $0x3;
	v15 =	vshll.u32 v20, $0x3  }
0x241: {  	v18 =	vshll.u32 v18, $0x3;
	v19 =	vand.u32 $0x7F, v20;
	v15 =	vand.u32 $0x400, v15  }
0x242: {  	v14 =	vshll.u32 v14, $0x3;
	s12 =	sadd.s32 $0x400, s12;
	v16 =	vand.u32 $0x400, v16;
	v15 =	vor.u32 v19, v15  }
0x243: {  	v13 =	vor.u32 v13, v16;
	v16 =	vand.u32 $0x400, v17;
	v17 =	vld [tilespmem:s12+$0x180];
	v15 =	vadd.s32 v1, v15  }
0x244: {  	v8 =	vand.u32 $0x400, v8;
	v13 =	vadd.s32 v1, v13;
	v12 =	vor.u32 v12, v16;
	v19 =	vld [tilespmem:s12+$0xFFFFFE80]  }
0x245: {  	v8 =	vor.u32 v10, v8;
	v10 =	vand.u32 $0x400, v11;
	v12 =	vadd.s32 v1, v12;
	v16 =	vld [tilespmem:s12+$0xFFFFFF00]  }
0x246: {  	v21 =	vadd.s32 v1, v8;
	v8 =	vor.u32 v9, v10;
	v9 =	vand.u32 $0x400, v18;
	v20 =	vld [tilespmem:s12+$0xFFFFFF80]  }
0x247: {  	v22 =	vadd.s32 v1, v8;
	v7 =	vor.u32 v7, v9;
	v8 =	vand.u32 $0x400, v14;
	v10 =	vld [tilespmem:s12+$0x0]  }
0x248: {  	v5 =	vand.u32 $0x400, v5;
	v7 =	vadd.s32 v1, v7;
	v6 =	vor.u32 v6, v8;
	v9 =	vld [tilespmem:s12+$0x80];
	[tilespmem:v15+s19+$0x0] =	vst.idx.msk $0xffff, v17  }
0x249: {  	s1 =	sadd.s32 $0x1, s0;
	v14 =	vor.u32 v4, v5;
	v8 =	vmov s0;
	v24 =	vadd.s32 v1, v6;
	[tilespmem:v13+s19+$0x0] =	vst.idx.msk $0xffff, v19;
	v23 =	vld [tilespmem:s12+$0x100]  }
.Ltmp25:
0x24a: {  	s2 =	sadd.s32 $0x2, s0;
	s7 =	sadd.s32 $0x3, s0;
	v4 =	vand.u32 $0x78, v8;
	v5 =	vshll.u32 v8, $0x3;
	v8 =	vadd.s32 v1, v14;
	v11 =	vld [tilespmem:s12+$0xFFFFFE00];
	[tilespmem:v12+s19+$0x0] =	vst.idx.msk $0xffff, v16;
	(pc) =	sbr.rel @p0 .LBB2_32-.Ltmp25, $4  }
0x24b: {  	v17 =	vmov s2;
	v15 =	vmov s7;
	s2 =	sadd.s32 $0x5, s0;
	s7 =	sadd.s32 $0x6, s0;
	v16 =	vmov s1;
	s1 =	sadd.s32 $0x4, s0;
	[tilespmem:v21+s19+$0x0] =	vst.idx.msk $0xffff, v20  }
0x24c: {  	v18 =	vmov s2;
	v14 =	vmov s7;
	v19 =	vmov s1;
	[tilespmem:v22+s19+$0x0] =	vst.idx.msk $0xffff, v10  }
0x24d: {  	v12 =	vand.u32 $0x7A, v17;
	v13 =	vand.u32 $0x79, v16;
	v10 =	vand.u32 $0x7B, v15;
	[tilespmem:v7+s19+$0x0] =	vst.idx.msk $0xffff, v9  }
0x24e: {  	v6 =	vand.u32 $0x7E, v14;
	s1 =	sadd.s32 $0x7, s0;
	s0 =	sadd.s32 $0x8, s0;
	v9 =	vand.u32 $0x7C, v19;
	v7 =	vand.u32 $0x7D, v18;
	[tilespmem:v24+s19+$0x0] =	vst.idx.msk $0xffff, v23  }
0x24f: {  	v20 =	vmov s1  }
0x250: {  	v16 =	vshll.u32 v16, $0x3;
	v17 =	vshll.u32 v17, $0x3;
	v15 =	vshll.u32 v15, $0x3  }
0x251: {  	v19 =	vshll.u32 v19, $0x3;
	v18 =	vshll.u32 v18, $0x3;
	v5 =	vand.u32 $0x400, v5  }
0x252: {  	v21 =	vshll.u32 v20, $0x3;
	v20 =	vand.u32 $0x7F, v20;
	v16 =	vand.u32 $0x400, v16  }
0x253: {  	s0 =	sadd.s32 $0x400, s12;
	v15 =	vand.u32 $0x400, v15;
	v4 =	vor.u32 v4, v5;
	v21 =	vand.u32 $0x400, v21  }
0x254: {  	v63 =	vld [tilespmem:s0+$0xFFFFFE00];
	v13 =	vor.u32 v13, v16;
	v16 =	vand.u32 $0x400, v17;
	v22 =	vadd.s32 v1, v4  }
0x255: {  	v20 =	vor.u32 v20, v21;
	v12 =	vor.u32 v12, v16;
	v16 =	vld [tilespmem:s0+$0xFFFFFE80];
	v13 =	vadd.s32 v1, v13  }
0x256: {  	v19 =	vand.u32 $0x400, v19;
	v17 =	vld [tilespmem:s0+$0x180];
	v10 =	vor.u32 v10, v15;
	v20 =	vadd.s32 v1, v20  }
0x257: {  	v18 =	vand.u32 $0x400, v18;
	v9 =	vor.u32 v9, v19;
	v19 =	vld [tilespmem:s0+$0xFFFFFF80];
	v10 =	vadd.s32 v1, v10  }
0x258: {  	v14 =	vshll.u32 v14, $0x3;
	[tilespmem:v8+s19+$0x0] =	vst.idx.msk $0xffff, v11;
	v8 =	vld [tilespmem:s0+$0x0];
	v7 =	vor.u32 v7, v18;
	v9 =	vadd.s32 v1, v9  }
0x259: {  	v11 =	vand.u32 $0x400, v14;
	v14 =	vld [tilespmem:s0+$0x80];
	v7 =	vadd.s32 v1, v7;
	[tilespmem:v22+s19+$0x0] =	vst.idx.msk $0xffff, v63  }
0x25a: {  	s17 =	simm.s32 $0x0;
	v15 =	vld [tilespmem:s0+$0xFFFFFF00];
	v6 =	vor.u32 v6, v11;
	v12 =	vadd.s32 v1, v12;
	[tilespmem:v13+s19+$0x0] =	vst.idx.msk $0xffff, v16  }
0x25b: {  	s31 =	simm.s32 $0x3;
	s7 =	simm.s32 $0x5;
	p0 =	por $0x1, $0x1;
	v11 =	vld [tilespmem:s0+$0x100];
	v4 =	vmov s17;
	[tilespmem:v20+s19+$0x0] =	vst.idx.msk $0xffff, v17;
	v20 =	vadd.s32 v1, v6  }
.Ltmp26:
0x25c: {  	s13 =	simm.s32 $0x4;
	v18 =	vmov s7;
	v5 =	vand.u32 $0x78, v4;
	s0 =	simm.s32 $0x1;
	[tilespmem:v10+s19+$0x0] =	vst.idx.msk $0xffff, v19;
	(pc) =	sbr.rel @!p0 .LBB2_34-.Ltmp26, $4  }
0x25d: {  	s30 =	simm.s32 $0x6;
	[tilespmem:v9+s19+$0x0] =	vst.idx.msk $0xffff, v8;
	v16 =	vmov s0;
	v13 =	vmov s31;
	v19 =	vmov s13  }
0x25e: {  	s8 =	simm.s32 $0x2;
	[tilespmem:v7+s19+$0x0] =	vst.idx.msk $0xffff, v14;
	v14 =	vmov s30;
	v8 =	vand.u32 $0x7D, v18;
	v6 =	vshll.u32 v4, $0x3  }
0x25f: {  	s11 =	simm.s32 $0x420;
	[tilespmem:v12+s19+$0x0] =	vst.idx.msk $0xffff, v15;
	v17 =	vmov s8;
	v15 =	vand.u32 $0x79, v16;
	v10 =	vand.u32 $0x7B, v13  }
0x260: {  	s1 =	simm.s32 $0x8;
	p1 =	por $0x0, $0x0;
	s17 =	simm.s32 $0x7;
	v9 =	vand.u32 $0x7C, v19;
	v7 =	vand.u32 $0x7E, v14;
	[tilespmem:v20+s19+$0x0] =	vst.idx.msk $0xffff, v11;
	v11 =	vand.u32 $0x7A, v17  }
0x261: {  	v12 =	vshll.u32 v16, $0x3  }
0x262: {  	v16 =	vshll.u32 v17, $0x3;
	v17 =	vmov s17;
	v13 =	vshll.u32 v13, $0x3  }
0x263: {  	v19 =	vshll.u32 v19, $0x3;
	v18 =	vshll.u32 v18, $0x3;
	v14 =	vshll.u32 v14, $0x3  }
0x264: {  	v20 =	vshll.u32 v17, $0x3;
	v17 =	vand.u32 $0x7F, v17;
	v12 =	vand.u32 $0x400, v12  }
0x265: {  	v13 =	vand.u32 $0x400, v13;
	v20 =	vand.u32 $0x400, v20;
	v12 =	vor.u32 v15, v12  }
0x266: {  	v10 =	vor.u32 v10, v13;
	v17 =	vor.u32 v17, v20;
	v20 =	vld [tilespmem:s11+$0xFFFFFE80];
	v12 =	vadd.s32 v2, v12  }
0x267: {  	v15 =	vand.u32 $0x400, v16;
	v13 =	vand.u32 $0x400, v19;
	v19 =	vld [tilespmem:s11+$0xFFFFFF80];
	v10 =	vadd.s32 v2, v10  }
0x268: {  	v6 =	vand.u32 $0x400, v6;
	v16 =	vld [tilespmem:s11+$0x180];
	v11 =	vor.u32 v11, v15;
	v17 =	vadd.s32 v2, v17  }
0x269: {  	v15 =	vld [tilespmem:s11+$0xFFFFFF00];
	v9 =	vor.u32 v9, v13;
	v13 =	vand.u32 $0x400, v18;
	v11 =	vadd.s32 v2, v11  }
0x26a: {  	v21 =	vld [tilespmem:s11+$0x0];
	v9 =	vadd.s32 v2, v9;
	v8 =	vor.u32 v8, v13;
	v13 =	vand.u32 $0x400, v14  }
0x26b: {  	v22 =	vld [tilespmem:s11+$0x80];
	v8 =	vadd.s32 v2, v8;
	v7 =	vor.u32 v7, v13;
	v13 =	vmov s1;
	[tilespmem:v12+s19+$0x0] =	vst.idx.msk $0xffff, v20  }
0x26c: {  	v23 =	vld [tilespmem:s11+$0x100];
	s12 =	simm.s32 $0xB;
	p2 =	por $0x1, $0x1;
	v14 =	vor.u32 v5, v6;
	v24 =	vadd.s32 v2, v7;
	v5 =	vand.u32 $0x78, v13;
	[tilespmem:v10+s19+$0x0] =	vst.idx.msk $0xffff, v19  }
.Ltmp27:
0x26d: {  	s16 =	simm.s32 $0xD;
	v6 =	vshll.u32 v13, $0x3;
	v13 =	vmov s12;
	s12 =	simm.s32 $0xC;
	v12 =	vadd.s32 v2, v14;
	v20 =	vld [tilespmem:s11+$0xFFFFFE00];
	[tilespmem:v17+s19+$0x0] =	vst.idx.msk $0xffff, v16;
	(pc) =	sbr.rel @!p2 .LBB2_36-.Ltmp27, $4  }
0x26e: {  	s2 =	simm.s32 $0x9;
	s17 =	simm.s32 $0xE;
	v18 =	vmov s16;
	v19 =	vmov s12;
	[tilespmem:v11+s19+$0x0] =	vst.idx.msk $0xffff, v15  }
0x26f: {  	s9 =	simm.s32 $0xA;
	v14 =	vmov s17;
	v10 =	vand.u32 $0x7B, v13;
	v16 =	vmov s2;
	[tilespmem:v9+s19+$0x0] =	vst.idx.msk $0xffff, v21  }
0x270: {  	p1 =	por $0x1, $0x1;
	v17 =	vmov s9;
	v9 =	vand.u32 $0x7C, v19;
	v7 =	vand.u32 $0x7E, v14;
	[tilespmem:v8+s19+$0x0] =	vst.idx.msk $0xffff, v22  }
0x271: {  	s16 =	simm.s32 $0x10;
	s17 =	simm.s32 $0xF;
	s12 =	simm.s32 $0x420;
	v15 =	vand.u32 $0x79, v16;
	v11 =	vand.u32 $0x7A, v17;
	v8 =	vand.u32 $0x7D, v18;
	[tilespmem:v24+s19+$0x0] =	vst.idx.msk $0xffff, v23  }
.LBB2_37:
0x272: {  	p2 =	slt.u32 s16, $0xF8;
	v16 =	vshll.u32 v16, $0x3;
	v17 =	vshll.u32 v17, $0x3;
	v21 =	vmov s17;
	[tilespmem:v12+s19+$0x0] =	vst.idx.msk $0xffff, v20  }
0x273: {  	v12 =	vshll.u32 v13, $0x3;
	v13 =	vshll.u32 v19, $0x3;
	v19 =	vshll.u32 v21, $0x3  }
0x274: {  	v18 =	vshll.u32 v18, $0x3;
	v20 =	vand.u32 $0x7F, v21;
	v19 =	vand.u32 $0x400, v19  }
0x275: {  	v14 =	vshll.u32 v14, $0x3;
	s12 =	sadd.s32 $0x400, s12;
	v16 =	vand.u32 $0x400, v16;
	v19 =	vor.u32 v20, v19  }
0x276: {  	v15 =	vor.u32 v15, v16;
	v16 =	vand.u32 $0x400, v17;
	v17 =	vld [tilespmem:s12+$0x180];
	v19 =	vadd.s32 v2, v19  }
0x277: {  	v12 =	vand.u32 $0x400, v12;
	v15 =	vadd.s32 v2, v15;
	v11 =	vor.u32 v11, v16;
	v20 =	vld [tilespmem:s12+$0xFFFFFE80]  }
0x278: {  	v10 =	vor.u32 v10, v12;
	v12 =	vand.u32 $0x400, v13;
	v11 =	vadd.s32 v2, v11;
	v16 =	vld [tilespmem:s12+$0xFFFFFF00]  }
0x279: {  	v10 =	vadd.s32 v2, v10;
	v9 =	vor.u32 v9, v12;
	v12 =	vand.u32 $0x400, v18;
	v21 =	vld [tilespmem:s12+$0xFFFFFF80]  }
0x27a: {  	v9 =	vadd.s32 v2, v9;
	v8 =	vor.u32 v8, v12;
	v12 =	vand.u32 $0x400, v14;
	v22 =	vld [tilespmem:s12+$0x0]  }
0x27b: {  	v6 =	vand.u32 $0x400, v6;
	v8 =	vadd.s32 v2, v8;
	v7 =	vor.u32 v7, v12;
	v23 =	vld [tilespmem:s12+$0x80];
	[tilespmem:v19+s19+$0x0] =	vst.idx.msk $0xffff, v17  }
0x27c: {  	s2 =	sadd.s32 $0x1, s16;
	v13 =	vor.u32 v5, v6;
	v12 =	vmov s16;
	v25 =	vadd.s32 v2, v7;
	[tilespmem:v15+s19+$0x0] =	vst.idx.msk $0xffff, v20;
	v24 =	vld [tilespmem:s12+$0x100]  }
.Ltmp28:
0x27d: {  	s9 =	sadd.s32 $0x2, s16;
	s17 =	sadd.s32 $0x3, s16;
	v5 =	vand.u32 $0x78, v12;
	v6 =	vshll.u32 v12, $0x3;
	v12 =	vadd.s32 v2, v13;
	v20 =	vld [tilespmem:s12+$0xFFFFFE00];
	[tilespmem:v11+s19+$0x0] =	vst.idx.msk $0xffff, v16;
	(pc) =	sbr.rel @p2 .LBB2_37-.Ltmp28, $4  }
0x27e: {  	v13 =	vmov s17;
	s17 =	sadd.s32 $0x6, s16;
	v17 =	vmov s9;
	s9 =	sadd.s32 $0x5, s16;
	v16 =	vmov s2;
	s2 =	sadd.s32 $0x4, s16;
	[tilespmem:v10+s19+$0x0] =	vst.idx.msk $0xffff, v21  }
0x27f: {  	v14 =	vmov s17;
	v18 =	vmov s9;
	v19 =	vmov s2;
	[tilespmem:v9+s19+$0x0] =	vst.idx.msk $0xffff, v22  }
0x280: {  	v11 =	vand.u32 $0x7A, v17;
	v15 =	vand.u32 $0x79, v16;
	v10 =	vand.u32 $0x7B, v13;
	[tilespmem:v8+s19+$0x0] =	vst.idx.msk $0xffff, v23  }
0x281: {  	s17 =	sadd.s32 $0x7, s16;
	v7 =	vand.u32 $0x7E, v14;
	s16 =	sadd.s32 $0x8, s16;
	v9 =	vand.u32 $0x7C, v19;
	v8 =	vand.u32 $0x7D, v18;
	[tilespmem:v25+s19+$0x0] =	vst.idx.msk $0xffff, v24  }
.LBB2_38:
0x282: {  	v21 =	vmov s17  }
0x283: {  	v16 =	vshll.u32 v16, $0x3;
	v17 =	vshll.u32 v17, $0x3;
	v13 =	vshll.u32 v13, $0x3  }
0x284: {  	v19 =	vshll.u32 v19, $0x3;
	v18 =	vshll.u32 v18, $0x3;
	v14 =	vshll.u32 v14, $0x3  }
0x285: {  	v6 =	vand.u32 $0x400, v6;
	v22 =	vshll.u32 v21, $0x3;
	v21 =	vand.u32 $0x7F, v21  }
0x286: {  	s2 =	sadd.s32 @p1 $0x400, s12;
	v16 =	vand.u32 $0x400, v16;
	v13 =	vand.u32 $0x400, v13;
	v19 =	vand.u32 $0x400, v19  }
0x287: {  	s11 =	smov.u32 @p1 s2;
	v14 =	vand.u32 $0x400, v14;
	v5 =	vor.u32 v5, v6;
	v15 =	vor.u32 v15, v16  }
0x288: {  	v16 =	vand.u32 $0x400, v17;
	v7 =	vor.u32 v7, v14;
	v14 =	vld [tilespmem:s11+$0xFFFFFE00];
	v5 =	vadd.s32 v2, v5  }
0x289: {  	v10 =	vor.u32 v10, v13;
	v11 =	vor.u32 v11, v16;
	v16 =	vld [tilespmem:s11+$0xFFFFFE80];
	v15 =	vadd.s32 v2, v15  }
0x28a: {  	v18 =	vand.u32 $0x400, v18;
	v9 =	vor.u32 v9, v19;
	v19 =	vld [tilespmem:s11+$0xFFFFFF80];
	v10 =	vadd.s32 v2, v10  }
0x28b: {  	[tilespmem:v12+s19+$0x0] =	vst.idx.msk @p1 $0xffff, v20;
	v22 =	vand.u32 $0x400, v22;
	v12 =	vld [tilespmem:s11+$0x0];
	v8 =	vor.u32 v8, v18;
	v9 =	vadd.s32 v2, v9  }
0x28c: {  	v18 =	vld [tilespmem:s11+$0x80];
	v21 =	vor.u32 v21, v22;
	v8 =	vadd.s32 v2, v8  }
0x28d: {  	v17 =	vld [tilespmem:s11+$0x180];
	v21 =	vadd.s32 v2, v21;
	[tilespmem:v5+s19+$0x0] =	vst.idx.msk $0xffff, v14  }
0x28e: {  	v13 =	vld [tilespmem:s11+$0xFFFFFF00];
	v11 =	vadd.s32 v2, v11;
	[tilespmem:v15+s19+$0x0] =	vst.idx.msk $0xffff, v16  }
0x28f: {  	v6 =	vld [tilespmem:s11+$0x100];
	v7 =	vadd.s32 v2, v7;
	[tilespmem:v10+s19+$0x0] =	vst.idx.msk $0xffff, v19  }
.Ltmp29:
0x290: {  	v5 =	vand.u32 $0x78, v4;
	v4 =	vshll.u32 v4, $0x3;
	[tilespmem:v9+s19+$0x0] =	vst.idx.msk $0xffff, v12;
	(pc) =	sbr.rel @!p0 .LBB2_39-.Ltmp29, $4  }
0x291: {  	v14 =	vmov s31;
	[tilespmem:v8+s19+$0x0] =	vst.idx.msk $0xffff, v18;
	v15 =	vmov s0;
	v16 =	vmov s8  }
0x292: {  	v19 =	vmov s13;
	v9 =	vand.u32 $0x7B, v14;
	[tilespmem:v21+s19+$0x0] =	vst.idx.msk $0xffff, v17;
	v17 =	vmov s7  }
0x293: {  	[tilespmem:v11+s19+$0x0] =	vst.idx.msk $0xffff, v13;
	v13 =	vmov s30;
	v12 =	vand.u32 $0x79, v15;
	v10 =	vand.u32 $0x7A, v16  }
0x294: {  	p1 =	por $0x0, $0x0;
	s11 =	simm.s32 $0x430;
	[tilespmem:v7+s19+$0x0] =	vst.idx.msk $0xffff, v6;
	v8 =	vand.u32 $0x7C, v19;
	s7 =	simm.s32 $0x7;
	v7 =	vand.u32 $0x7D, v17;
	v6 =	vand.u32 $0x7E, v13  }
0x295: {  	v11 =	vshll.u32 v15, $0x3;
	v15 =	vshll.u32 v16, $0x3;
	v16 =	vmov s7  }
0x296: {  	v14 =	vshll.u32 v14, $0x3;
	v18 =	vshll.u32 v19, $0x3;
	v19 =	vshll.u32 v16, $0x3  }
0x297: {  	v16 =	vand.u32 $0x7F, v16;
	v11 =	vand.u32 $0x400, v11;
	v19 =	vand.u32 $0x400, v19  }
0x298: {  	v11 =	vor.u32 v12, v11;
	v12 =	vand.u32 $0x400, v15;
	v16 =	vor.u32 v16, v19  }
0x299: {  	v19 =	vld [tilespmem:s11+$0xFFFFFE80];
	v11 =	vadd.s32 v3, v11;
	v10 =	vor.u32 v10, v12;
	v12 =	vand.u32 $0x400, v14  }
0x29a: {  	v17 =	vshll.u32 v17, $0x3;
	v15 =	vld [tilespmem:s11+$0x180];
	v16 =	vadd.s32 v3, v16;
	v9 =	vor.u32 v9, v12  }
0x29b: {  	v13 =	vshll.u32 v13, $0x3;
	v12 =	vand.u32 $0x400, v18;
	v18 =	vld [tilespmem:s11+$0xFFFFFF80];
	v9 =	vadd.s32 v3, v9  }
0x29c: {  	v14 =	vld [tilespmem:s11+$0xFFFFFF00];
	v10 =	vadd.s32 v3, v10;
	v8 =	vor.u32 v8, v12;
	v12 =	vand.u32 $0x400, v17  }
0x29d: {  	v20 =	vld [tilespmem:s11+$0x0];
	v8 =	vadd.s32 v3, v8;
	v7 =	vor.u32 v7, v12;
	v12 =	vand.u32 $0x400, v13  }
0x29e: {  	v4 =	vand.u32 $0x400, v4;
	v21 =	vld [tilespmem:s11+$0x80];
	v7 =	vadd.s32 v3, v7;
	v6 =	vor.u32 v6, v12;
	[tilespmem:v11+s19+$0x0] =	vst.idx.msk $0xffff, v19  }
0x29f: {  	v22 =	vld [tilespmem:s11+$0x100];
	s30 =	simm.s32 $0xD;
	p0 =	por $0x1, $0x1;
	v13 =	vor.u32 v5, v4;
	v12 =	vmov s1;
	v23 =	vadd.s32 v3, v6;
	[tilespmem:v16+s19+$0x0] =	vst.idx.msk $0xffff, v15  }
.Ltmp30:
0x2a0: {  	s17 =	simm.s32 $0xC;
	s31 =	simm.s32 $0xE;
	v17 =	vmov s30;
	v5 =	vand.u32 $0x78, v12;
	v11 =	vadd.s32 v3, v13;
	[tilespmem:v9+s19+$0x0] =	vst.idx.msk $0xffff, v18;
	v18 =	vld [tilespmem:s11+$0xFFFFFE00];
	(pc) =	sbr.rel @!p0 .LBB2_41-.Ltmp30, $4  }
0x2a1: {  	s0 =	simm.s32 $0x9;
	s16 =	simm.s32 $0xA;
	s2 =	simm.s32 $0xB;
	v4 =	vshll.u32 v12, $0x3;
	v19 =	vmov s17;
	v13 =	vmov s31;
	[tilespmem:v10+s19+$0x0] =	vst.idx.msk $0xffff, v14  }
0x2a2: {  	v15 =	vmov s0;
	v16 =	vmov s16;
	v14 =	vmov s2;
	[tilespmem:v8+s19+$0x0] =	vst.idx.msk $0xffff, v20  }
0x2a3: {  	s7 =	simm.s32 $0xF;
	v6 =	vand.u32 $0x7E, v13;
	v12 =	vand.u32 $0x79, v15;
	v10 =	vand.u32 $0x7A, v16;
	[tilespmem:v7+s19+$0x0] =	vst.idx.msk $0xffff, v21  }
0x2a4: {  	p1 =	por $0x1, $0x1;
	s1 =	simm.s32 $0x10;
	s0 =	simm.s32 $0x430;
	v9 =	vand.u32 $0x7B, v14;
	v8 =	vand.u32 $0x7C, v19;
	v7 =	vand.u32 $0x7D, v17;
	[tilespmem:v23+s19+$0x0] =	vst.idx.msk $0xffff, v22  }
.LBB2_42:
0x2a5: {  	p0 =	slt.u32 s1, $0xF8;
	v15 =	vshll.u32 v15, $0x3;
	v16 =	vshll.u32 v16, $0x3;
	v20 =	vmov s7;
	[tilespmem:v11+s19+$0x0] =	vst.idx.msk $0xffff, v18  }
0x2a6: {  	v11 =	vshll.u32 v14, $0x3;
	v14 =	vshll.u32 v19, $0x3;
	v18 =	vshll.u32 v20, $0x3  }
0x2a7: {  	v17 =	vshll.u32 v17, $0x3;
	v19 =	vand.u32 $0x7F, v20;
	v18 =	vand.u32 $0x400, v18  }
0x2a8: {  	v13 =	vshll.u32 v13, $0x3;
	s0 =	sadd.s32 $0x400, s0;
	v15 =	vand.u32 $0x400, v15;
	v18 =	vor.u32 v19, v18  }
0x2a9: {  	v12 =	vor.u32 v12, v15;
	v15 =	vand.u32 $0x400, v16;
	v16 =	vld [tilespmem:s0+$0x180];
	v18 =	vadd.s32 v3, v18  }
0x2aa: {  	v11 =	vand.u32 $0x400, v11;
	v12 =	vadd.s32 v3, v12;
	v10 =	vor.u32 v10, v15;
	v19 =	vld [tilespmem:s0+$0xFFFFFE80]  }
0x2ab: {  	v9 =	vor.u32 v9, v11;
	v11 =	vand.u32 $0x400, v14;
	v10 =	vadd.s32 v3, v10;
	v15 =	vld [tilespmem:s0+$0xFFFFFF00]  }
0x2ac: {  	v9 =	vadd.s32 v3, v9;
	v8 =	vor.u32 v8, v11;
	v11 =	vand.u32 $0x400, v17;
	v20 =	vld [tilespmem:s0+$0xFFFFFF80]  }
0x2ad: {  	v8 =	vadd.s32 v3, v8;
	v7 =	vor.u32 v7, v11;
	v11 =	vand.u32 $0x400, v13;
	v21 =	vld [tilespmem:s0+$0x0]  }
0x2ae: {  	v4 =	vand.u32 $0x400, v4;
	v7 =	vadd.s32 v3, v7;
	v6 =	vor.u32 v6, v11;
	v22 =	vld [tilespmem:s0+$0x80];
	[tilespmem:v18+s19+$0x0] =	vst.idx.msk $0xffff, v16  }
0x2af: {  	s2 =	sadd.s32 $0x1, s1;
	v13 =	vor.u32 v5, v4;
	v11 =	vmov s1;
	v24 =	vadd.s32 v3, v6;
	[tilespmem:v12+s19+$0x0] =	vst.idx.msk $0xffff, v19;
	v23 =	vld [tilespmem:s0+$0x100]  }
.Ltmp31:
0x2b0: {  	s7 =	sadd.s32 $0x2, s1;
	s8 =	sadd.s32 $0x3, s1;
	v5 =	vand.u32 $0x78, v11;
	v4 =	vshll.u32 v11, $0x3;
	v11 =	vadd.s32 v3, v13;
	v18 =	vld [tilespmem:s0+$0xFFFFFE00];
	[tilespmem:v10+s19+$0x0] =	vst.idx.msk $0xffff, v15;
	(pc) =	sbr.rel @p0 .LBB2_42-.Ltmp31, $4  }
0x2b1: {  	v14 =	vmov s8;
	s8 =	sadd.s32 $0x6, s1;
	v16 =	vmov s7;
	s7 =	sadd.s32 $0x5, s1;
	v15 =	vmov s2;
	s2 =	sadd.s32 $0x4, s1;
	[tilespmem:v9+s19+$0x0] =	vst.idx.msk $0xffff, v20  }
0x2b2: {  	v13 =	vmov s8;
	v17 =	vmov s7;
	v19 =	vmov s2;
	[tilespmem:v8+s19+$0x0] =	vst.idx.msk $0xffff, v21  }
0x2b3: {  	v10 =	vand.u32 $0x7A, v16;
	v12 =	vand.u32 $0x79, v15;
	v9 =	vand.u32 $0x7B, v14;
	[tilespmem:v7+s19+$0x0] =	vst.idx.msk $0xffff, v22  }
0x2b4: {  	v6 =	vand.u32 $0x7E, v13;
	s7 =	sadd.s32 $0x7, s1;
	s1 =	sadd.s32 $0x8, s1;
	v8 =	vand.u32 $0x7C, v19;
	v7 =	vand.u32 $0x7D, v17;
	[tilespmem:v24+s19+$0x0] =	vst.idx.msk $0xffff, v23  }
.LBB2_43:
0x2b5: {  	v20 =	vmov s7;
	v15 =	vshll.u32 v15, $0x3;
	v16 =	vshll.u32 v16, $0x3  }
0x2b6: {  	v14 =	vshll.u32 v14, $0x3;
	v19 =	vshll.u32 v19, $0x3;
	v17 =	vshll.u32 v17, $0x3  }
0x2b7: {  	v13 =	vshll.u32 v13, $0x3;
	v4 =	vand.u32 $0x400, v4;
	v21 =	vshll.u32 v20, $0x3  }
0x2b8: {  	s0 =	sadd.s32 @p1 $0x400, s0;
	v20 =	vand.u32 $0x7F, v20;
	v15 =	vand.u32 $0x400, v15;
	v14 =	vand.u32 $0x400, v14  }
0x2b9: {  	s11 =	smov.u32 @p1 s0;
	v19 =	vand.u32 $0x400, v19;
	v12 =	vor.u32 v12, v15;
	v15 =	vand.u32 $0x400, v16  }
0x2ba: {  	v9 =	vor.u32 v9, v14;
	v10 =	vor.u32 v10, v15;
	v15 =	vld [tilespmem:s11+$0xFFFFFE80];
	v12 =	vadd.s32 v3, v12  }
0x2bb: {  	v17 =	vand.u32 $0x400, v17;
	v8 =	vor.u32 v8, v19;
	v19 =	vld [tilespmem:s11+$0xFFFFFF80];
	v9 =	vadd.s32 v3, v9  }
0x2bc: {  	[tilespmem:v11+s19+$0x0] =	vst.idx.msk @p1 $0xffff, v18;
	v13 =	vand.u32 $0x400, v13;
	v11 =	vld [tilespmem:s11+$0x0];
	v7 =	vor.u32 v7, v17;
	v8 =	vadd.s32 v3, v8  }
0x2bd: {  	v21 =	vand.u32 $0x400, v21;
	v17 =	vld [tilespmem:s11+$0x80];
	v6 =	vor.u32 v6, v13;
	v7 =	vadd.s32 v3, v7  }
0x2be: {  	v4 =	vor.u32 v5, v4;
	v5 =	vld [tilespmem:s11+$0x100];
	v20 =	vor.u32 v20, v21;
	v6 =	vadd.s32 v3, v6  }
0x2bf: {  	v16 =	vld [tilespmem:s11+$0x180];
	v20 =	vadd.s32 v3, v20;
	[tilespmem:v12+s19+$0x0] =	vst.idx.msk $0xffff, v15  }
0x2c0: {  	v14 =	vld [tilespmem:s11+$0xFFFFFF00];
	v10 =	vadd.s32 v3, v10;
	[tilespmem:v9+s19+$0x0] =	vst.idx.msk $0xffff, v19  }
0x2c1: {  	v4 =	vadd.s32 v3, v4;
	v12 =	vld [tilespmem:s11+$0xFFFFFE00];
	[tilespmem:v8+s19+$0x0] =	vst.idx.msk $0xffff, v11  }
0x2c2: {  	[tilespmem:v7+s19+$0x0] =	vst.idx.msk $0xffff, v17  }
0x2c3: {  	[tilespmem:v6+s19+$0x0] =	vst.idx.msk $0xffff, v5  }
0x2c4: {  	[tilespmem:v20+s19+$0x0] =	vst.idx.msk $0xffff, v16  }
0x2c5: {  	[tilespmem:v10+s19+$0x0] =	vst.idx.msk $0xffff, v14  }
0x2c6: {  	[tilespmem:v4+s19+$0x0] =	vst.idx.msk $0xffff, v12  }
0x2c7: {  	s1 =	simm.s32 $0x0;
	s2 =	rddreg [dreg:$0x7]  }
0x2c8: {  	[hbm4b:s2+s1] =	stream.linear.scatter [tilespmem:s19], [sflag:$0x3], $0x800, $0x38;
	[tilespmem:$0x16200] =	vst v63  }
0x2c9: {  	s11 =	sadd.s32 $0x4000, s2  }
0x2ca: {  	[hbm4b:s11+s1] =	stream.linear.scatter [tilespmem:s20], [sflag:$0x3], $0x800, $0x38;
	[tilespmem:$0x16200] =	vst v63  }
0x2cb: {  	s12 =	sadd.s32 $0x8000, s2  }
0x2cc: {  	[hbm4b:s12+s1] =	stream.linear.scatter [tilespmem:s21], [sflag:$0x3], $0x800, $0x38;
	[tilespmem:$0x16200] =	vst v63  }
0x2cd: {  	s13 =	sadd.s32 $0xC000, s2  }
0x2ce: {  	[hbm4b:s13+s1] =	stream.linear.scatter [tilespmem:s22], [sflag:$0x3], $0x800, $0x38;
	[tilespmem:$0x16200] =	vst v63  }
0x2cf: {  	s16 =	sadd.s32 $0x10000, s2  }
0x2d0: {  	[hbm4b:s16+s1] =	stream.linear.scatter [tilespmem:s23], [sflag:$0x3], $0x800, $0x38;
	[tilespmem:$0x16200] =	vst v63  }
0x2d1: {  	s17 =	sadd.s32 $0x14000, s2  }
0x2d2: {  	[hbm4b:s17+s1] =	stream.linear.scatter [tilespmem:s24], [sflag:$0x3], $0x800, $0x38;
	[tilespmem:$0x16200] =	vst v63  }
0x2d3: {  	s8 =	simm.s32 $0x1;
	s9 =	simm.s32 $0x2;
	v4 =	vmov s1;
	s31 =	sadd.s32 $0x18000, s2  }
0x2d4: {  	v12 =	vand.u32 $0x78, v4;
	v10 =	vshll.u32 v4, $0x3;
	v4 =	vmov s8;
	[hbm4b:s31+s1] =	stream.linear.scatter [tilespmem:s25], [sflag:$0x3], $0x800, $0x38;
	[tilespmem:$0x16200] =	vst v63  }
0x2d5: {  	v5 =	vmov s9;
	s7 =	sadd.s32 $0x1C000, s2;
	v11 =	vand.u32 $0x79, v4;
	v4 =	vshll.u32 v4, $0x3;
	s11 =	simm.s32 $0x3  }
0x2d6: {  	v13 =	vand.u32 $0x7A, v5;
	v4 =	vand.u32 $0x400, v4;
	[hbm4b:s7+s1] =	stream.linear.scatter [tilespmem:s26], [sflag:$0x3], $0x800, $0x38;
	[tilespmem:$0x16200] =	vst v63  }
0x2d7: {  	v18 =	vshll.u32 v5, $0x3;
	v4 =	vor.u32 v11, v4;
	v6 =	vmov s11;
	s12 =	simm.s32 $0x4;
	_ =	swait.ge [sflag:s28], $0x8000  }
0x2d8: {  	v24 =	vadd.s32 v0, v4;
	v14 =	vand.u32 $0x7B, v6;
	v7 =	vmov s12;
	s17 =	simm.s32 $0x7;
	[sflag:s28] =	ssyncset.done $0x0  }
0x2d9: {  	v19 =	vshll.u32 v6, $0x3;
	v15 =	vand.u32 $0x7C, v7;
	v5 =	vmov s17;
	[sflag:s28] =	ssyncadd.s32 $0xFFFF8000  }
0x2da: {  	s13 =	simm.s32 $0x5;
	v20 =	vshll.u32 v7, $0x3;
	v7 =	vand.u32 $0x400, v19;
	v6 =	vshll.u32 v5, $0x3;
	_ =	swait.ge [sflag:s29], $0x4000  }
0x2db: {  	v8 =	vmov s13;
	v5 =	vand.u32 $0x7F, v5;
	v6 =	vand.u32 $0x400, v6;
	[sflag:s29] =	ssyncset.done $0x0  }
0x2dc: {  	s0 =	simm.s32 $0x8400;
	v7 =	vor.u32 v14, v7;
	v16 =	vand.u32 $0x7D, v8;
	v5 =	vor.u32 v5, v6;
	[sflag:s29] =	ssyncadd.s32 $0xFFFFC000  }
0x2dd: {  	s16 =	simm.s32 $0x6;
	v21 =	vshll.u32 v8, $0x3;
	v6 =	vand.u32 $0x400, v18;
	v18 =	vadd.s32 v0, v5;
	v11 =	vld [tilespmem:s0+$0x180]  }
0x2de: {  	v8 =	vand.u32 $0x400, v20;
	v27 =	vadd.s32 v0, v7;
	v9 =	vmov s16;
	v23 =	vld [tilespmem:s0+$0xFFFFFE80]  }
0x2df: {  	v8 =	vor.u32 v15, v8;
	v17 =	vand.u32 $0x7E, v9;
	v6 =	vor.u32 v13, v6;
	v20 =	vld [tilespmem:s0+$0xFFFFFF80]  }
0x2e0: {  	v22 =	vshll.u32 v9, $0x3;
	v9 =	vand.u32 $0x400, v21;
	v25 =	vadd.s32 v0, v6;
	v19 =	vld [tilespmem:s0+$0xFFFFFF00]  }
0x2e1: {  	v21 =	vadd.s32 v0, v8;
	v9 =	vor.u32 v16, v9;
	v13 =	vand.u32 $0x400, v22;
	v15 =	vld [tilespmem:s0+$0x0]  }
0x2e2: {  	s11 =	simm.s32 $0xC;
	v14 =	vand.u32 $0x400, v10;
	v30 =	vadd.s32 v0, v9;
	v10 =	vor.u32 v17, v13;
	v29 =	vld [tilespmem:s0+$0x80];
	[tilespmem:v18+s19+$0x0] =	vst.idx.msk $0xffff, v11  }
0x2e3: {  	s8 =	simm.s32 $0xB;
	v28 =	vmov s11;
	v12 =	vor.u32 v12, v14;
	s7 =	simm.s32 $0xA;
	v32 =	vadd.s32 v0, v10;
	v31 =	vld [tilespmem:s0+$0x100];
	[tilespmem:v24+s19+$0x0] =	vst.idx.msk $0xffff, v23  }
0x2e4: {  	s13 =	simm.s32 $0xD;
	v16 =	vadd.s32 v0, v12;
	s31 =	simm.s32 $0x8;
	s1 =	simm.s32 $0x9;
	v26 =	vmov s7;
	v22 =	vmov s8;
	[tilespmem:v27+s19+$0x0] =	vst.idx.msk $0xffff, v20;
	v20 =	vld [tilespmem:s0+$0xFFFFFE00]  }
0x2e5: {  	s30 =	simm.s32 $0xE;
	v11 =	vmov s31;
	[tilespmem:v25+s19+$0x0] =	vst.idx.msk $0xffff, v19;
	v25 =	vmov s1;
	v27 =	vmov s13  }
0x2e6: {  	v24 =	vmov s30;
	[tilespmem:v21+s19+$0x0] =	vst.idx.msk $0xffff, v15;
	v21 =	vand.u32 $0x7A, v26;
	v19 =	vand.u32 $0x7B, v22  }
0x2e7: {  	[tilespmem:v30+s19+$0x0] =	vst.idx.msk $0xffff, v29;
	v18 =	vand.u32 $0x7C, v28;
	v13 =	vand.u32 $0x78, v11;
	v14 =	vshll.u32 v11, $0x3  }
0x2e8: {  	s12 =	simm.s32 $0x10;
	s16 =	simm.s32 $0xF;
	[tilespmem:v32+s19+$0x0] =	vst.idx.msk $0xffff, v31;
	v23 =	vand.u32 $0x79, v25;
	v17 =	vand.u32 $0x7D, v27;
	v15 =	vand.u32 $0x7E, v24  }
.LBB2_44:
0x2e9: {  	p0 =	slt.u32 s12, $0xF8;
	v25 =	vshll.u32 v25, $0x3;
	v26 =	vshll.u32 v26, $0x3;
	v29 =	vmov s16;
	[tilespmem:v16+s19+$0x0] =	vst.idx.msk $0xffff, v20  }
0x2ea: {  	v16 =	vshll.u32 v22, $0x3;
	v20 =	vshll.u32 v28, $0x3;
	v22 =	vshll.u32 v29, $0x3  }
0x2eb: {  	v27 =	vshll.u32 v27, $0x3;
	v28 =	vand.u32 $0x7F, v29;
	v22 =	vand.u32 $0x400, v22  }
0x2ec: {  	v24 =	vshll.u32 v24, $0x3;
	s0 =	sadd.s32 $0x400, s0;
	v25 =	vand.u32 $0x400, v25;
	v22 =	vor.u32 v28, v22  }
0x2ed: {  	v23 =	vor.u32 v23, v25;
	v25 =	vand.u32 $0x400, v26;
	v26 =	vld [tilespmem:s0+$0x180];
	v22 =	vadd.s32 v0, v22  }
0x2ee: {  	v16 =	vand.u32 $0x400, v16;
	v23 =	vadd.s32 v0, v23;
	v21 =	vor.u32 v21, v25;
	v28 =	vld [tilespmem:s0+$0xFFFFFE80]  }
0x2ef: {  	v16 =	vor.u32 v19, v16;
	v19 =	vand.u32 $0x400, v20;
	v21 =	vadd.s32 v0, v21;
	v25 =	vld [tilespmem:s0+$0xFFFFFF00]  }
0x2f0: {  	v30 =	vadd.s32 v0, v16;
	v16 =	vor.u32 v18, v19;
	v18 =	vand.u32 $0x400, v27;
	v29 =	vld [tilespmem:s0+$0xFFFFFF80]  }
0x2f1: {  	v31 =	vadd.s32 v0, v16;
	v16 =	vor.u32 v17, v18;
	v17 =	vand.u32 $0x400, v24;
	v19 =	vld [tilespmem:s0+$0x0]  }
0x2f2: {  	v14 =	vand.u32 $0x400, v14;
	v32 =	vadd.s32 v0, v16;
	v15 =	vor.u32 v15, v17;
	v18 =	vld [tilespmem:s0+$0x80];
	[tilespmem:v22+s19+$0x0] =	vst.idx.msk $0xffff, v26  }
0x2f3: {  	s2 =	sadd.s32 $0x1, s12;
	v16 =	vmov s12;
	v17 =	vor.u32 v13, v14;
	v34 =	vadd.s32 v0, v15;
	[tilespmem:v23+s19+$0x0] =	vst.idx.msk $0xffff, v28;
	v33 =	vld [tilespmem:s0+$0x100]  }
.Ltmp32:
0x2f4: {  	s9 =	sadd.s32 $0x2, s12;
	s16 =	sadd.s32 $0x3, s12;
	v13 =	vand.u32 $0x78, v16;
	v14 =	vshll.u32 v16, $0x3;
	v16 =	vadd.s32 v0, v17;
	v20 =	vld [tilespmem:s0+$0xFFFFFE00];
	[tilespmem:v21+s19+$0x0] =	vst.idx.msk $0xffff, v25;
	(pc) =	sbr.rel @p0 .LBB2_44-.Ltmp32, $4  }
0x2f5: {  	v26 =	vmov s9;
	v22 =	vmov s16;
	s9 =	sadd.s32 $0x5, s12;
	s16 =	sadd.s32 $0x6, s12;
	v25 =	vmov s2;
	s2 =	sadd.s32 $0x4, s12;
	[tilespmem:v30+s19+$0x0] =	vst.idx.msk $0xffff, v29  }
0x2f6: {  	v27 =	vmov s9;
	v24 =	vmov s16;
	v28 =	vmov s2;
	[tilespmem:v31+s19+$0x0] =	vst.idx.msk $0xffff, v19  }
0x2f7: {  	v21 =	vand.u32 $0x7A, v26;
	v23 =	vand.u32 $0x79, v25;
	v19 =	vand.u32 $0x7B, v22;
	[tilespmem:v32+s19+$0x0] =	vst.idx.msk $0xffff, v18  }
0x2f8: {  	s16 =	sadd.s32 $0x7, s12;
	v17 =	vand.u32 $0x7D, v27;
	v15 =	vand.u32 $0x7E, v24;
	s12 =	sadd.s32 $0x8, s12;
	v18 =	vand.u32 $0x7C, v28;
	[tilespmem:v34+s19+$0x0] =	vst.idx.msk $0xffff, v33  }
0x2f9: {  	_ = 	snop  }
0x2fa: {  	v29 =	vmov s16;
	v25 =	vshll.u32 v25, $0x3;
	v26 =	vshll.u32 v26, $0x3  }
0x2fb: {  	v22 =	vshll.u32 v22, $0x3;
	v28 =	vshll.u32 v28, $0x3;
	v27 =	vshll.u32 v27, $0x3  }
0x2fc: {  	v24 =	vshll.u32 v24, $0x3;
	v14 =	vand.u32 $0x400, v14;
	v25 =	vand.u32 $0x400, v25  }
0x2fd: {  	s0 =	sadd.s32 $0x400, s0;
	[tilespmem:v16+s19+$0x0] =	vst.idx.msk $0xffff, v20;
	v56 =	vand.u32 $0x400, v26;
	v20 =	vand.u32 $0x400, v24;
	v13 =	vor.u32 v13, v14  }
0x2fe: {  	v23 =	vor.u32 v23, v25;
	v15 =	vor.u32 v15, v20;
	v20 =	vld [tilespmem:s0+$0xFFFFFE00];
	v13 =	vadd.s32 v0, v13  }
0x2ff: {  	v58 =	vld [tilespmem:s0+$0xFFFFFE80];
	v22 =	vand.u32 $0x400, v22;
	v21 =	vor.u32 v21, v56;
	v23 =	vadd.s32 v0, v23  }
0x300: {  	v59 =	vld [tilespmem:s0+$0xFFFFFF00];
	v28 =	vand.u32 $0x400, v28;
	v19 =	vor.u32 v19, v22;
	v21 =	vadd.s32 v0, v21  }
0x301: {  	v60 =	vld [tilespmem:s0+$0xFFFFFF80];
	v27 =	vand.u32 $0x400, v27;
	v18 =	vor.u32 v18, v28;
	v19 =	vadd.s32 v0, v19  }
0x302: {  	v30 =	vshll.u32 v29, $0x3;
	v16 =	vld [tilespmem:s0+$0x0];
	v17 =	vor.u32 v17, v27;
	v18 =	vadd.s32 v0, v18  }
0x303: {  	v29 =	vand.u32 $0x7F, v29;
	v61 =	vld [tilespmem:s0+$0x80];
	v30 =	vand.u32 $0x400, v30;
	v17 =	vadd.s32 v0, v17;
	[tilespmem:v13+s19+$0x0] =	vst.idx.msk $0xffff, v20  }
0x304: {  	v14 =	vld [tilespmem:s0+$0x100];
	v29 =	vor.u32 v29, v30;
	v15 =	vadd.s32 v0, v15;
	[tilespmem:v23+s19+$0x0] =	vst.idx.msk $0xffff, v58  }
0x305: {  	v57 =	vld [tilespmem:s0+$0x180];
	v29 =	vadd.s32 v0, v29;
	[tilespmem:v21+s19+$0x0] =	vst.idx.msk $0xffff, v59  }
0x306: {  	[tilespmem:v19+s19+$0x0] =	vst.idx.msk $0xffff, v60  }
0x307: {  	[tilespmem:v18+s19+$0x0] =	vst.idx.msk $0xffff, v16  }
0x308: {  	[tilespmem:v17+s19+$0x0] =	vst.idx.msk $0xffff, v61  }
0x309: {  	[tilespmem:v15+s19+$0x0] =	vst.idx.msk $0xffff, v14  }
0x30a: {  	s0 =	simm.s32 $0x8410;
	[tilespmem:v29+s19+$0x0] =	vst.idx.msk $0xffff, v57  }
0x30b: {  	v5 =	vadd.s32 v1, v5;
	v13 =	vld [tilespmem:s0+$0x180]  }
0x30c: {  	v4 =	vadd.s32 v1, v4;
	v14 =	vld [tilespmem:s0+$0xFFFFFE80]  }
0x30d: {  	v6 =	vadd.s32 v1, v6;
	v15 =	vld [tilespmem:s0+$0xFFFFFF00]  }
0x30e: {  	v7 =	vadd.s32 v1, v7;
	v18 =	vld [tilespmem:s0+$0xFFFFFF80]  }
0x30f: {  	v62 =	vadd.s32 v1, v8;
	v20 =	vld [tilespmem:s0+$0x0]  }
0x310: {  	v9 =	vadd.s32 v1, v9;
	v22 =	vld [tilespmem:s0+$0x80];
	[tilespmem:v5+s19+$0x0] =	vst.idx.msk $0xffff, v13  }
0x311: {  	v63 =	vadd.s32 v1, v10;
	v23 =	vld [tilespmem:s0+$0x100];
	[tilespmem:v4+s19+$0x0] =	vst.idx.msk $0xffff, v14  }
0x312: {  	v8 =	vadd.s32 v1, v12;
	v4 =	vand.u32 $0x78, v11;
	v5 =	vshll.u32 v11, $0x3;
	[tilespmem:v6+s19+$0x0] =	vst.idx.msk $0xffff, v15;
	v11 =	vld [tilespmem:s0+$0xFFFFFE00]  }
0x313: {  	v16 =	vmov s1;
	v17 =	vmov s7;
	v19 =	vmov s11;
	[tilespmem:v7+s19+$0x0] =	vst.idx.msk $0xffff, v18  }
0x314: {  	v12 =	vand.u32 $0x7A, v17;
	v15 =	vmov s8;
	v18 =	vmov s13;
	[tilespmem:v62+s19+$0x0] =	vst.idx.msk $0xffff, v20  }
0x315: {  	v14 =	vmov s30;
	v13 =	vand.u32 $0x79, v16;
	[tilespmem:v9+s19+$0x0] =	vst.idx.msk $0xffff, v22;
	v9 =	vand.u32 $0x7C, v19  }
0x316: {  	s7 =	simm.s32 $0xF;
	s1 =	simm.s32 $0x10;
	[tilespmem:v63+s19+$0x0] =	vst.idx.msk $0xffff, v23;
	v10 =	vand.u32 $0x7B, v15;
	v7 =	vand.u32 $0x7D, v18;
	v6 =	vand.u32 $0x7E, v14  }
.LBB2_46:
0x317: {  	p0 =	slt.u32 s1, $0xF8;
	v16 =	vshll.u32 v16, $0x3;
	v17 =	vshll.u32 v17, $0x3;
	v20 =	vmov s7;
	[tilespmem:v8+s19+$0x0] =	vst.idx.msk $0xffff, v11  }
0x318: {  	v8 =	vshll.u32 v15, $0x3;
	v11 =	vshll.u32 v19, $0x3;
	v15 =	vshll.u32 v20, $0x3  }
0x319: {  	v18 =	vshll.u32 v18, $0x3;
	v19 =	vand.u32 $0x7F, v20;
	v15 =	vand.u32 $0x400, v15  }
0x31a: {  	v14 =	vshll.u32 v14, $0x3;
	s0 =	sadd.s32 $0x400, s0;
	v16 =	vand.u32 $0x400, v16;
	v15 =	vor.u32 v19, v15  }
0x31b: {  	v13 =	vor.u32 v13, v16;
	v16 =	vand.u32 $0x400, v17;
	v17 =	vld [tilespmem:s0+$0x180];
	v15 =	vadd.s32 v1, v15  }
0x31c: {  	v8 =	vand.u32 $0x400, v8;
	v13 =	vadd.s32 v1, v13;
	v12 =	vor.u32 v12, v16;
	v19 =	vld [tilespmem:s0+$0xFFFFFE80]  }
0x31d: {  	v8 =	vor.u32 v10, v8;
	v10 =	vand.u32 $0x400, v11;
	v12 =	vadd.s32 v1, v12;
	v16 =	vld [tilespmem:s0+$0xFFFFFF00]  }
0x31e: {  	v21 =	vadd.s32 v1, v8;
	v8 =	vor.u32 v9, v10;
	v9 =	vand.u32 $0x400, v18;
	v20 =	vld [tilespmem:s0+$0xFFFFFF80]  }
0x31f: {  	v22 =	vadd.s32 v1, v8;
	v7 =	vor.u32 v7, v9;
	v8 =	vand.u32 $0x400, v14;
	v10 =	vld [tilespmem:s0+$0x0]  }
0x320: {  	v5 =	vand.u32 $0x400, v5;
	v7 =	vadd.s32 v1, v7;
	v6 =	vor.u32 v6, v8;
	v9 =	vld [tilespmem:s0+$0x80];
	[tilespmem:v15+s19+$0x0] =	vst.idx.msk $0xffff, v17  }
0x321: {  	s2 =	sadd.s32 $0x1, s1;
	v14 =	vor.u32 v4, v5;
	v8 =	vmov s1;
	v24 =	vadd.s32 v1, v6;
	[tilespmem:v13+s19+$0x0] =	vst.idx.msk $0xffff, v19;
	v23 =	vld [tilespmem:s0+$0x100]  }
.Ltmp33:
0x322: {  	s7 =	sadd.s32 $0x2, s1;
	s8 =	sadd.s32 $0x3, s1;
	v4 =	vand.u32 $0x78, v8;
	v5 =	vshll.u32 v8, $0x3;
	v8 =	vadd.s32 v1, v14;
	v11 =	vld [tilespmem:s0+$0xFFFFFE00];
	[tilespmem:v12+s19+$0x0] =	vst.idx.msk $0xffff, v16;
	(pc) =	sbr.rel @p0 .LBB2_46-.Ltmp33, $4  }
0x323: {  	v17 =	vmov s7;
	v15 =	vmov s8;
	s7 =	sadd.s32 $0x5, s1;
	s8 =	sadd.s32 $0x6, s1;
	v16 =	vmov s2;
	s2 =	sadd.s32 $0x4, s1;
	[tilespmem:v21+s19+$0x0] =	vst.idx.msk $0xffff, v20  }
0x324: {  	v18 =	vmov s7;
	v14 =	vmov s8;
	v19 =	vmov s2;
	[tilespmem:v22+s19+$0x0] =	vst.idx.msk $0xffff, v10  }
0x325: {  	v12 =	vand.u32 $0x7A, v17;
	v13 =	vand.u32 $0x79, v16;
	v10 =	vand.u32 $0x7B, v15;
	[tilespmem:v7+s19+$0x0] =	vst.idx.msk $0xffff, v9  }
0x326: {  	s7 =	sadd.s32 $0x7, s1;
	v6 =	vand.u32 $0x7E, v14;
	s1 =	sadd.s32 $0x8, s1;
	v9 =	vand.u32 $0x7C, v19;
	v7 =	vand.u32 $0x7D, v18;
	[tilespmem:v24+s19+$0x0] =	vst.idx.msk $0xffff, v23  }
0x327: {  	v20 =	vmov s7  }
0x328: {  	v16 =	vshll.u32 v16, $0x3;
	v17 =	vshll.u32 v17, $0x3;
	v15 =	vshll.u32 v15, $0x3  }
0x329: {  	v19 =	vshll.u32 v19, $0x3;
	v18 =	vshll.u32 v18, $0x3;
	v5 =	vand.u32 $0x400, v5  }
0x32a: {  	v21 =	vshll.u32 v20, $0x3;
	v20 =	vand.u32 $0x7F, v20;
	v16 =	vand.u32 $0x400, v16  }
0x32b: {  	s0 =	sadd.s32 $0x400, s0;
	v15 =	vand.u32 $0x400, v15;
	v4 =	vor.u32 v4, v5;
	v21 =	vand.u32 $0x400, v21  }
0x32c: {  	v63 =	vld [tilespmem:s0+$0xFFFFFE00];
	v13 =	vor.u32 v13, v16;
	v16 =	vand.u32 $0x400, v17;
	v22 =	vadd.s32 v1, v4  }
0x32d: {  	v20 =	vor.u32 v20, v21;
	v12 =	vor.u32 v12, v16;
	v16 =	vld [tilespmem:s0+$0xFFFFFE80];
	v13 =	vadd.s32 v1, v13  }
0x32e: {  	v19 =	vand.u32 $0x400, v19;
	v17 =	vld [tilespmem:s0+$0x180];
	v10 =	vor.u32 v10, v15;
	v20 =	vadd.s32 v1, v20  }
0x32f: {  	v18 =	vand.u32 $0x400, v18;
	v9 =	vor.u32 v9, v19;
	v19 =	vld [tilespmem:s0+$0xFFFFFF80];
	v10 =	vadd.s32 v1, v10  }
0x330: {  	v14 =	vshll.u32 v14, $0x3;
	[tilespmem:v8+s19+$0x0] =	vst.idx.msk $0xffff, v11;
	v8 =	vld [tilespmem:s0+$0x0];
	v7 =	vor.u32 v7, v18;
	v9 =	vadd.s32 v1, v9  }
0x331: {  	v11 =	vand.u32 $0x400, v14;
	v14 =	vld [tilespmem:s0+$0x80];
	v7 =	vadd.s32 v1, v7;
	[tilespmem:v22+s19+$0x0] =	vst.idx.msk $0xffff, v63  }
0x332: {  	s1 =	simm.s32 $0x0;
	v15 =	vld [tilespmem:s0+$0xFFFFFF00];
	v6 =	vor.u32 v6, v11;
	v12 =	vadd.s32 v1, v12;
	[tilespmem:v13+s19+$0x0] =	vst.idx.msk $0xffff, v16  }
0x333: {  	s31 =	simm.s32 $0x3;
	s13 =	simm.s32 $0x5;
	p0 =	por $0x1, $0x1;
	v11 =	vld [tilespmem:s0+$0x100];
	v4 =	vmov s1;
	[tilespmem:v20+s19+$0x0] =	vst.idx.msk $0xffff, v17;
	v20 =	vadd.s32 v1, v6  }
.Ltmp34:
0x334: {  	s7 =	simm.s32 $0x4;
	v18 =	vmov s13;
	v5 =	vand.u32 $0x78, v4;
	s0 =	simm.s32 $0x1;
	[tilespmem:v10+s19+$0x0] =	vst.idx.msk $0xffff, v19;
	(pc) =	sbr.rel @!p0 .LBB2_48-.Ltmp34, $4  }
0x335: {  	s30 =	simm.s32 $0x6;
	[tilespmem:v9+s19+$0x0] =	vst.idx.msk $0xffff, v8;
	v16 =	vmov s0;
	v13 =	vmov s31;
	v19 =	vmov s7  }
0x336: {  	s8 =	simm.s32 $0x2;
	[tilespmem:v7+s19+$0x0] =	vst.idx.msk $0xffff, v14;
	v14 =	vmov s30;
	v8 =	vand.u32 $0x7D, v18;
	v6 =	vshll.u32 v4, $0x3  }
0x337: {  	s11 =	simm.s32 $0x8420;
	[tilespmem:v12+s19+$0x0] =	vst.idx.msk $0xffff, v15;
	v17 =	vmov s8;
	v15 =	vand.u32 $0x79, v16;
	v10 =	vand.u32 $0x7B, v13  }
0x338: {  	s17 =	simm.s32 $0x7;
	p1 =	por $0x0, $0x0;
	s1 =	simm.s32 $0x8;
	v9 =	vand.u32 $0x7C, v19;
	v7 =	vand.u32 $0x7E, v14;
	[tilespmem:v20+s19+$0x0] =	vst.idx.msk $0xffff, v11;
	v11 =	vand.u32 $0x7A, v17  }
0x339: {  	v12 =	vshll.u32 v16, $0x3  }
0x33a: {  	v16 =	vshll.u32 v17, $0x3;
	v17 =	vmov s17;
	v13 =	vshll.u32 v13, $0x3  }
0x33b: {  	v19 =	vshll.u32 v19, $0x3;
	v18 =	vshll.u32 v18, $0x3;
	v14 =	vshll.u32 v14, $0x3  }
0x33c: {  	v20 =	vshll.u32 v17, $0x3;
	v17 =	vand.u32 $0x7F, v17;
	v12 =	vand.u32 $0x400, v12  }
0x33d: {  	v13 =	vand.u32 $0x400, v13;
	v20 =	vand.u32 $0x400, v20;
	v12 =	vor.u32 v15, v12  }
0x33e: {  	v10 =	vor.u32 v10, v13;
	v17 =	vor.u32 v17, v20;
	v20 =	vld [tilespmem:s11+$0xFFFFFE80];
	v12 =	vadd.s32 v2, v12  }
0x33f: {  	v15 =	vand.u32 $0x400, v16;
	v13 =	vand.u32 $0x400, v19;
	v19 =	vld [tilespmem:s11+$0xFFFFFF80];
	v10 =	vadd.s32 v2, v10  }
0x340: {  	v6 =	vand.u32 $0x400, v6;
	v16 =	vld [tilespmem:s11+$0x180];
	v11 =	vor.u32 v11, v15;
	v17 =	vadd.s32 v2, v17  }
0x341: {  	v15 =	vld [tilespmem:s11+$0xFFFFFF00];
	v9 =	vor.u32 v9, v13;
	v13 =	vand.u32 $0x400, v18;
	v11 =	vadd.s32 v2, v11  }
0x342: {  	v21 =	vld [tilespmem:s11+$0x0];
	v9 =	vadd.s32 v2, v9;
	v8 =	vor.u32 v8, v13;
	v13 =	vand.u32 $0x400, v14  }
0x343: {  	v22 =	vld [tilespmem:s11+$0x80];
	v8 =	vadd.s32 v2, v8;
	v7 =	vor.u32 v7, v13;
	v13 =	vmov s1;
	[tilespmem:v12+s19+$0x0] =	vst.idx.msk $0xffff, v20  }
0x344: {  	v23 =	vld [tilespmem:s11+$0x100];
	s12 =	simm.s32 $0xB;
	p2 =	por $0x1, $0x1;
	v14 =	vor.u32 v5, v6;
	v24 =	vadd.s32 v2, v7;
	v5 =	vand.u32 $0x78, v13;
	[tilespmem:v10+s19+$0x0] =	vst.idx.msk $0xffff, v19  }
.Ltmp35:
0x345: {  	s16 =	simm.s32 $0xD;
	v6 =	vshll.u32 v13, $0x3;
	v13 =	vmov s12;
	s12 =	simm.s32 $0xC;
	v12 =	vadd.s32 v2, v14;
	v20 =	vld [tilespmem:s11+$0xFFFFFE00];
	[tilespmem:v17+s19+$0x0] =	vst.idx.msk $0xffff, v16;
	(pc) =	sbr.rel @!p2 .LBB2_50-.Ltmp35, $4  }
0x346: {  	s2 =	simm.s32 $0x9;
	s17 =	simm.s32 $0xE;
	v18 =	vmov s16;
	v19 =	vmov s12;
	[tilespmem:v11+s19+$0x0] =	vst.idx.msk $0xffff, v15  }
0x347: {  	s9 =	simm.s32 $0xA;
	v14 =	vmov s17;
	v10 =	vand.u32 $0x7B, v13;
	v16 =	vmov s2;
	[tilespmem:v9+s19+$0x0] =	vst.idx.msk $0xffff, v21  }
0x348: {  	p1 =	por $0x1, $0x1;
	v17 =	vmov s9;
	v9 =	vand.u32 $0x7C, v19;
	v7 =	vand.u32 $0x7E, v14;
	[tilespmem:v8+s19+$0x0] =	vst.idx.msk $0xffff, v22  }
0x349: {  	s16 =	simm.s32 $0x10;
	s17 =	simm.s32 $0xF;
	s12 =	simm.s32 $0x8420;
	v15 =	vand.u32 $0x79, v16;
	v11 =	vand.u32 $0x7A, v17;
	v8 =	vand.u32 $0x7D, v18;
	[tilespmem:v24+s19+$0x0] =	vst.idx.msk $0xffff, v23  }
.LBB2_51:
0x34a: {  	p2 =	slt.u32 s16, $0xF8;
	v16 =	vshll.u32 v16, $0x3;
	v17 =	vshll.u32 v17, $0x3;
	v21 =	vmov s17;
	[tilespmem:v12+s19+$0x0] =	vst.idx.msk $0xffff, v20  }
0x34b: {  	v12 =	vshll.u32 v13, $0x3;
	v13 =	vshll.u32 v19, $0x3;
	v19 =	vshll.u32 v21, $0x3  }
0x34c: {  	v18 =	vshll.u32 v18, $0x3;
	v20 =	vand.u32 $0x7F, v21;
	v19 =	vand.u32 $0x400, v19  }
0x34d: {  	v14 =	vshll.u32 v14, $0x3;
	s12 =	sadd.s32 $0x400, s12;
	v16 =	vand.u32 $0x400, v16;
	v19 =	vor.u32 v20, v19  }
0x34e: {  	v15 =	vor.u32 v15, v16;
	v16 =	vand.u32 $0x400, v17;
	v17 =	vld [tilespmem:s12+$0x180];
	v19 =	vadd.s32 v2, v19  }
0x34f: {  	v12 =	vand.u32 $0x400, v12;
	v15 =	vadd.s32 v2, v15;
	v11 =	vor.u32 v11, v16;
	v20 =	vld [tilespmem:s12+$0xFFFFFE80]  }
0x350: {  	v10 =	vor.u32 v10, v12;
	v12 =	vand.u32 $0x400, v13;
	v11 =	vadd.s32 v2, v11;
	v16 =	vld [tilespmem:s12+$0xFFFFFF00]  }
0x351: {  	v10 =	vadd.s32 v2, v10;
	v9 =	vor.u32 v9, v12;
	v12 =	vand.u32 $0x400, v18;
	v21 =	vld [tilespmem:s12+$0xFFFFFF80]  }
0x352: {  	v9 =	vadd.s32 v2, v9;
	v8 =	vor.u32 v8, v12;
	v12 =	vand.u32 $0x400, v14;
	v22 =	vld [tilespmem:s12+$0x0]  }
0x353: {  	v6 =	vand.u32 $0x400, v6;
	v8 =	vadd.s32 v2, v8;
	v7 =	vor.u32 v7, v12;
	v23 =	vld [tilespmem:s12+$0x80];
	[tilespmem:v19+s19+$0x0] =	vst.idx.msk $0xffff, v17  }
0x354: {  	s2 =	sadd.s32 $0x1, s16;
	v13 =	vor.u32 v5, v6;
	v12 =	vmov s16;
	v25 =	vadd.s32 v2, v7;
	[tilespmem:v15+s19+$0x0] =	vst.idx.msk $0xffff, v20;
	v24 =	vld [tilespmem:s12+$0x100]  }
.Ltmp36:
0x355: {  	s9 =	sadd.s32 $0x2, s16;
	s17 =	sadd.s32 $0x3, s16;
	v5 =	vand.u32 $0x78, v12;
	v6 =	vshll.u32 v12, $0x3;
	v12 =	vadd.s32 v2, v13;
	v20 =	vld [tilespmem:s12+$0xFFFFFE00];
	[tilespmem:v11+s19+$0x0] =	vst.idx.msk $0xffff, v16;
	(pc) =	sbr.rel @p2 .LBB2_51-.Ltmp36, $4  }
0x356: {  	v13 =	vmov s17;
	s17 =	sadd.s32 $0x6, s16;
	v17 =	vmov s9;
	s9 =	sadd.s32 $0x5, s16;
	v16 =	vmov s2;
	s2 =	sadd.s32 $0x4, s16;
	[tilespmem:v10+s19+$0x0] =	vst.idx.msk $0xffff, v21  }
0x357: {  	v14 =	vmov s17;
	v18 =	vmov s9;
	v19 =	vmov s2;
	[tilespmem:v9+s19+$0x0] =	vst.idx.msk $0xffff, v22  }
0x358: {  	v11 =	vand.u32 $0x7A, v17;
	v15 =	vand.u32 $0x79, v16;
	v10 =	vand.u32 $0x7B, v13;
	[tilespmem:v8+s19+$0x0] =	vst.idx.msk $0xffff, v23  }
0x359: {  	s17 =	sadd.s32 $0x7, s16;
	v7 =	vand.u32 $0x7E, v14;
	s16 =	sadd.s32 $0x8, s16;
	v9 =	vand.u32 $0x7C, v19;
	v8 =	vand.u32 $0x7D, v18;
	[tilespmem:v25+s19+$0x0] =	vst.idx.msk $0xffff, v24  }
.LBB2_52:
0x35a: {  	v21 =	vmov s17  }
0x35b: {  	v16 =	vshll.u32 v16, $0x3;
	v17 =	vshll.u32 v17, $0x3;
	v13 =	vshll.u32 v13, $0x3  }
0x35c: {  	v19 =	vshll.u32 v19, $0x3;
	v18 =	vshll.u32 v18, $0x3;
	v14 =	vshll.u32 v14, $0x3  }
0x35d: {  	v6 =	vand.u32 $0x400, v6;
	v22 =	vshll.u32 v21, $0x3;
	v21 =	vand.u32 $0x7F, v21  }
0x35e: {  	s2 =	sadd.s32 @p1 $0x400, s12;
	v16 =	vand.u32 $0x400, v16;
	v13 =	vand.u32 $0x400, v13;
	v19 =	vand.u32 $0x400, v19  }
0x35f: {  	s11 =	smov.u32 @p1 s2;
	v14 =	vand.u32 $0x400, v14;
	v5 =	vor.u32 v5, v6;
	v15 =	vor.u32 v15, v16  }
0x360: {  	v16 =	vand.u32 $0x400, v17;
	v7 =	vor.u32 v7, v14;
	v14 =	vld [tilespmem:s11+$0xFFFFFE00];
	v5 =	vadd.s32 v2, v5  }
0x361: {  	v10 =	vor.u32 v10, v13;
	v11 =	vor.u32 v11, v16;
	v16 =	vld [tilespmem:s11+$0xFFFFFE80];
	v15 =	vadd.s32 v2, v15  }
0x362: {  	v18 =	vand.u32 $0x400, v18;
	v9 =	vor.u32 v9, v19;
	v19 =	vld [tilespmem:s11+$0xFFFFFF80];
	v10 =	vadd.s32 v2, v10  }
0x363: {  	[tilespmem:v12+s19+$0x0] =	vst.idx.msk @p1 $0xffff, v20;
	v22 =	vand.u32 $0x400, v22;
	v12 =	vld [tilespmem:s11+$0x0];
	v8 =	vor.u32 v8, v18;
	v9 =	vadd.s32 v2, v9  }
0x364: {  	v18 =	vld [tilespmem:s11+$0x80];
	v21 =	vor.u32 v21, v22;
	v8 =	vadd.s32 v2, v8  }
0x365: {  	v17 =	vld [tilespmem:s11+$0x180];
	v21 =	vadd.s32 v2, v21;
	[tilespmem:v5+s19+$0x0] =	vst.idx.msk $0xffff, v14  }
0x366: {  	v13 =	vld [tilespmem:s11+$0xFFFFFF00];
	v11 =	vadd.s32 v2, v11;
	[tilespmem:v15+s19+$0x0] =	vst.idx.msk $0xffff, v16  }
0x367: {  	v6 =	vld [tilespmem:s11+$0x100];
	v7 =	vadd.s32 v2, v7;
	[tilespmem:v10+s19+$0x0] =	vst.idx.msk $0xffff, v19  }
.Ltmp37:
0x368: {  	v5 =	vand.u32 $0x78, v4;
	v4 =	vshll.u32 v4, $0x3;
	[tilespmem:v9+s19+$0x0] =	vst.idx.msk $0xffff, v12;
	(pc) =	sbr.rel @!p0 .LBB2_53-.Ltmp37, $4  }
0x369: {  	v14 =	vmov s31;
	[tilespmem:v8+s19+$0x0] =	vst.idx.msk $0xffff, v18;
	v15 =	vmov s0;
	v16 =	vmov s8  }
0x36a: {  	v19 =	vmov s7;
	v9 =	vand.u32 $0x7B, v14;
	[tilespmem:v21+s19+$0x0] =	vst.idx.msk $0xffff, v17;
	v17 =	vmov s13  }
0x36b: {  	[tilespmem:v11+s19+$0x0] =	vst.idx.msk $0xffff, v13;
	v13 =	vmov s30;
	v12 =	vand.u32 $0x79, v15;
	v10 =	vand.u32 $0x7A, v16  }
0x36c: {  	p1 =	por $0x0, $0x0;
	s11 =	simm.s32 $0x8430;
	[tilespmem:v7+s19+$0x0] =	vst.idx.msk $0xffff, v6;
	s7 =	simm.s32 $0x7;
	v8 =	vand.u32 $0x7C, v19;
	v7 =	vand.u32 $0x7D, v17;
	v6 =	vand.u32 $0x7E, v13  }
0x36d: {  	v11 =	vshll.u32 v15, $0x3;
	v15 =	vshll.u32 v16, $0x3;
	v16 =	vmov s7  }
0x36e: {  	v14 =	vshll.u32 v14, $0x3;
	v18 =	vshll.u32 v19, $0x3;
	v17 =	vshll.u32 v17, $0x3  }
0x36f: {  	v13 =	vshll.u32 v13, $0x3;
	v19 =	vshll.u32 v16, $0x3;
	v11 =	vand.u32 $0x400, v11  }
0x370: {  	v16 =	vand.u32 $0x7F, v16;
	v19 =	vand.u32 $0x400, v19;
	v11 =	vor.u32 v12, v11  }
0x371: {  	v12 =	vand.u32 $0x400, v15;
	v16 =	vor.u32 v16, v19;
	v19 =	vld [tilespmem:s11+$0xFFFFFE80];
	v11 =	vadd.s32 v3, v11  }
0x372: {  	v15 =	vld [tilespmem:s11+$0x180];
	v10 =	vor.u32 v10, v12;
	v12 =	vand.u32 $0x400, v14;
	v16 =	vadd.s32 v3, v16  }
0x373: {  	v14 =	vld [tilespmem:s11+$0xFFFFFF00];
	v10 =	vadd.s32 v3, v10;
	v9 =	vor.u32 v9, v12;
	v12 =	vand.u32 $0x400, v18  }
0x374: {  	v18 =	vld [tilespmem:s11+$0xFFFFFF80];
	v9 =	vadd.s32 v3, v9;
	v8 =	vor.u32 v8, v12;
	v12 =	vand.u32 $0x400, v17  }
0x375: {  	v20 =	vld [tilespmem:s11+$0x0];
	v8 =	vadd.s32 v3, v8;
	v7 =	vor.u32 v7, v12;
	v12 =	vand.u32 $0x400, v13  }
0x376: {  	v21 =	vld [tilespmem:s11+$0x80];
	v7 =	vadd.s32 v3, v7;
	v6 =	vor.u32 v6, v12;
	[tilespmem:v11+s19+$0x0] =	vst.idx.msk $0xffff, v19  }
0x377: {  	v4 =	vand.u32 $0x400, v4;
	v22 =	vld [tilespmem:s11+$0x100];
	v23 =	vadd.s32 v3, v6;
	[tilespmem:v16+s19+$0x0] =	vst.idx.msk $0xffff, v15  }
0x378: {  	s30 =	simm.s32 $0xD;
	p0 =	por $0x1, $0x1;
	v13 =	vor.u32 v5, v4;
	v12 =	vmov s1;
	[tilespmem:v10+s19+$0x0] =	vst.idx.msk $0xffff, v14  }
.Ltmp38:
0x379: {  	s17 =	simm.s32 $0xC;
	s31 =	simm.s32 $0xE;
	v17 =	vmov s30;
	v5 =	vand.u32 $0x78, v12;
	v11 =	vadd.s32 v3, v13;
	[tilespmem:v9+s19+$0x0] =	vst.idx.msk $0xffff, v18;
	v18 =	vld [tilespmem:s11+$0xFFFFFE00];
	(pc) =	sbr.rel @!p0 .LBB2_55-.Ltmp38, $4  }
0x37a: {  	s0 =	simm.s32 $0x9;
	s16 =	simm.s32 $0xA;
	s2 =	simm.s32 $0xB;
	v4 =	vshll.u32 v12, $0x3;
	v19 =	vmov s17;
	v13 =	vmov s31;
	[tilespmem:v8+s19+$0x0] =	vst.idx.msk $0xffff, v20  }
0x37b: {  	v15 =	vmov s0;
	v16 =	vmov s16;
	v14 =	vmov s2;
	[tilespmem:v7+s19+$0x0] =	vst.idx.msk $0xffff, v21  }
0x37c: {  	s7 =	simm.s32 $0xF;
	p1 =	por $0x1, $0x1;
	v6 =	vand.u32 $0x7E, v13;
	v12 =	vand.u32 $0x79, v15;
	v10 =	vand.u32 $0x7A, v16;
	[tilespmem:v23+s19+$0x0] =	vst.idx.msk $0xffff, v22  }
0x37d: {  	s1 =	simm.s32 $0x10;
	s0 =	simm.s32 $0x8430;
	v9 =	vand.u32 $0x7B, v14;
	v8 =	vand.u32 $0x7C, v19;
	v7 =	vand.u32 $0x7D, v17;
	s9 =	rddreg [dreg:$0xa]  }
.LBB2_56:
0x37e: {  	p0 =	slt.u32 s1, $0xF8;
	v15 =	vshll.u32 v15, $0x3;
	v16 =	vshll.u32 v16, $0x3;
	v20 =	vmov s7;
	[tilespmem:v11+s19+$0x0] =	vst.idx.msk $0xffff, v18  }
0x37f: {  	v11 =	vshll.u32 v14, $0x3;
	v14 =	vshll.u32 v19, $0x3;
	v18 =	vshll.u32 v20, $0x3  }
0x380: {  	v17 =	vshll.u32 v17, $0x3;
	v19 =	vand.u32 $0x7F, v20;
	v18 =	vand.u32 $0x400, v18  }
0x381: {  	v13 =	vshll.u32 v13, $0x3;
	s0 =	sadd.s32 $0x400, s0;
	v15 =	vand.u32 $0x400, v15;
	v18 =	vor.u32 v19, v18  }
0x382: {  	v12 =	vor.u32 v12, v15;
	v15 =	vand.u32 $0x400, v16;
	v16 =	vld [tilespmem:s0+$0x180];
	v18 =	vadd.s32 v3, v18  }
0x383: {  	v11 =	vand.u32 $0x400, v11;
	v12 =	vadd.s32 v3, v12;
	v10 =	vor.u32 v10, v15;
	v19 =	vld [tilespmem:s0+$0xFFFFFE80]  }
0x384: {  	v9 =	vor.u32 v9, v11;
	v11 =	vand.u32 $0x400, v14;
	v10 =	vadd.s32 v3, v10;
	v15 =	vld [tilespmem:s0+$0xFFFFFF00]  }
0x385: {  	v9 =	vadd.s32 v3, v9;
	v8 =	vor.u32 v8, v11;
	v11 =	vand.u32 $0x400, v17;
	v20 =	vld [tilespmem:s0+$0xFFFFFF80]  }
0x386: {  	v8 =	vadd.s32 v3, v8;
	v7 =	vor.u32 v7, v11;
	v11 =	vand.u32 $0x400, v13;
	v21 =	vld [tilespmem:s0+$0x0]  }
0x387: {  	v4 =	vand.u32 $0x400, v4;
	v7 =	vadd.s32 v3, v7;
	v6 =	vor.u32 v6, v11;
	v22 =	vld [tilespmem:s0+$0x80];
	[tilespmem:v18+s19+$0x0] =	vst.idx.msk $0xffff, v16  }
0x388: {  	s2 =	sadd.s32 $0x1, s1;
	v13 =	vor.u32 v5, v4;
	v11 =	vmov s1;
	v24 =	vadd.s32 v3, v6;
	[tilespmem:v12+s19+$0x0] =	vst.idx.msk $0xffff, v19;
	v23 =	vld [tilespmem:s0+$0x100]  }
.Ltmp39:
0x389: {  	s7 =	sadd.s32 $0x2, s1;
	s8 =	sadd.s32 $0x3, s1;
	v5 =	vand.u32 $0x78, v11;
	v4 =	vshll.u32 v11, $0x3;
	v11 =	vadd.s32 v3, v13;
	v18 =	vld [tilespmem:s0+$0xFFFFFE00];
	[tilespmem:v10+s19+$0x0] =	vst.idx.msk $0xffff, v15;
	(pc) =	sbr.rel @p0 .LBB2_56-.Ltmp39, $4  }
0x38a: {  	v14 =	vmov s8;
	s8 =	sadd.s32 $0x6, s1;
	v16 =	vmov s7;
	s7 =	sadd.s32 $0x5, s1;
	v15 =	vmov s2;
	s2 =	sadd.s32 $0x4, s1;
	[tilespmem:v9+s19+$0x0] =	vst.idx.msk $0xffff, v20  }
0x38b: {  	v13 =	vmov s8;
	v17 =	vmov s7;
	v19 =	vmov s2;
	[tilespmem:v8+s19+$0x0] =	vst.idx.msk $0xffff, v21  }
0x38c: {  	v10 =	vand.u32 $0x7A, v16;
	v12 =	vand.u32 $0x79, v15;
	v9 =	vand.u32 $0x7B, v14;
	[tilespmem:v7+s19+$0x0] =	vst.idx.msk $0xffff, v22  }
0x38d: {  	v6 =	vand.u32 $0x7E, v13;
	s7 =	sadd.s32 $0x7, s1;
	s1 =	sadd.s32 $0x8, s1;
	v8 =	vand.u32 $0x7C, v19;
	v7 =	vand.u32 $0x7D, v17;
	[tilespmem:v24+s19+$0x0] =	vst.idx.msk $0xffff, v23  }
.LBB2_57:
0x38e: {  	v20 =	vmov s7;
	v15 =	vshll.u32 v15, $0x3;
	v16 =	vshll.u32 v16, $0x3  }
0x38f: {  	v14 =	vshll.u32 v14, $0x3;
	v19 =	vshll.u32 v19, $0x3;
	v17 =	vshll.u32 v17, $0x3  }
0x390: {  	s0 =	sadd.s32 @p1 $0x400, s0;
	v13 =	vshll.u32 v13, $0x3;
	v4 =	vand.u32 $0x400, v4;
	v21 =	vshll.u32 v20, $0x3  }
0x391: {  	v20 =	vand.u32 $0x7F, v20;
	v15 =	vand.u32 $0x400, v15;
	s11 =	smov.u32 @p1 s0;
	v4 =	vor.u32 v5, v4  }
0x392: {  	v56 =	vand.u32 $0x400, v16;
	v12 =	vor.u32 v12, v15;
	v63 =	vld [tilespmem:s11+$0xFFFFFE00];
	v4 =	vadd.s32 v3, v4  }
0x393: {  	v14 =	vand.u32 $0x400, v14;
	v10 =	vor.u32 v10, v56;
	v58 =	vld [tilespmem:s11+$0xFFFFFE80];
	v12 =	vadd.s32 v3, v12  }
0x394: {  	v19 =	vand.u32 $0x400, v19;
	v9 =	vor.u32 v9, v14;
	v59 =	vld [tilespmem:s11+$0xFFFFFF00];
	v10 =	vadd.s32 v3, v10  }
0x395: {  	v17 =	vand.u32 $0x400, v17;
	v8 =	vor.u32 v8, v19;
	v60 =	vld [tilespmem:s11+$0xFFFFFF80];
	v9 =	vadd.s32 v3, v9  }
0x396: {  	[tilespmem:v11+s19+$0x0] =	vst.idx.msk @p1 $0xffff, v18;
	v13 =	vand.u32 $0x400, v13;
	v61 =	vld [tilespmem:s11+$0x0];
	v7 =	vor.u32 v7, v17;
	v8 =	vadd.s32 v3, v8  }
0x397: {  	v21 =	vand.u32 $0x400, v21;
	v62 =	vld [tilespmem:s11+$0x80];
	v6 =	vor.u32 v6, v13;
	v7 =	vadd.s32 v3, v7;
	[tilespmem:v4+s19+$0x0] =	vst.idx.msk $0xffff, v63  }
0x398: {  	v5 =	vld [tilespmem:s11+$0x100];
	v20 =	vor.u32 v20, v21;
	v6 =	vadd.s32 v3, v6;
	[tilespmem:v12+s19+$0x0] =	vst.idx.msk $0xffff, v58  }
0x399: {  	v57 =	vld [tilespmem:s11+$0x180];
	v20 =	vadd.s32 v3, v20;
	[tilespmem:v10+s19+$0x0] =	vst.idx.msk $0xffff, v59  }
0x39a: {  	[tilespmem:v9+s19+$0x0] =	vst.idx.msk $0xffff, v60  }
0x39b: {  	[tilespmem:v8+s19+$0x0] =	vst.idx.msk $0xffff, v61  }
0x39c: {  	[tilespmem:v7+s19+$0x0] =	vst.idx.msk $0xffff, v62  }
0x39d: {  	[tilespmem:v6+s19+$0x0] =	vst.idx.msk $0xffff, v5  }
0x39e: {  	[tilespmem:v20+s19+$0x0] =	vst.idx.msk $0xffff, v57  }
0x39f: {  	s1 =	rddreg [dreg:$0x8]  }
0x3a0: {  	[hbm4b:s1+s3] =	stream.linear.scatter [tilespmem:s19], [sflag:$0x3], $0x800, $0x38;
	[tilespmem:$0x16200] =	vst v63  }
0x3a1: {  	s8 =	sadd.s32 $0x4000, s1  }
0x3a2: {  	[hbm4b:s8+s3] =	stream.linear.scatter [tilespmem:s20], [sflag:$0x3], $0x800, $0x38;
	[tilespmem:$0x16200] =	vst v63  }
0x3a3: {  	s11 =	sadd.s32 $0x8000, s1  }
0x3a4: {  	[hbm4b:s11+s3] =	stream.linear.scatter [tilespmem:s21], [sflag:$0x3], $0x800, $0x38;
	[tilespmem:$0x16200] =	vst v63  }
0x3a5: {  	s12 =	sadd.s32 $0xC000, s1  }
0x3a6: {  	[hbm4b:s12+s3] =	stream.linear.scatter [tilespmem:s22], [sflag:$0x3], $0x800, $0x38;
	[tilespmem:$0x16200] =	vst v63  }
0x3a7: {  	s13 =	sadd.s32 $0x10000, s1  }
0x3a8: {  	[hbm4b:s13+s3] =	stream.linear.scatter [tilespmem:s23], [sflag:$0x3], $0x800, $0x38;
	[tilespmem:$0x16200] =	vst v63  }
0x3a9: {  	s16 =	sadd.s32 $0x14000, s1  }
0x3aa: {  	[hbm4b:s16+s3] =	stream.linear.scatter [tilespmem:s24], [sflag:$0x3], $0x800, $0x38;
	[tilespmem:$0x16200] =	vst v63  }
0x3ab: {  	s17 =	sadd.s32 $0x18000, s1  }
0x3ac: {  	[hbm4b:s17+s3] =	stream.linear.scatter [tilespmem:s25], [sflag:$0x3], $0x800, $0x38;
	[tilespmem:$0x16200] =	vst v63  }
0x3ad: {  	s30 =	sadd.s32 $0x1C000, s1  }
0x3ae: {  	[hbm4b:s30+s3] =	stream.linear.scatter [tilespmem:s26], [sflag:$0x3], $0x800, $0x38;
	[tilespmem:$0x16200] =	vst v63  }
0x3af: {  	_ =	swait.ge [sflag:s29], $0x4000  }
0x3b0: {  	s9 =	sadd.s32 $0x1, s9;
	s31 =	rddreg [dreg:$0x9]  }
0x3b1: {  	p0 =	seq.s32 s9, s31  }
.Ltmp40:
0x3b2: {  	_ = 	snop;
	(pc) =	sbr.rel @!p0 .LBB2_1-.Ltmp40, $4  }
.Ltmp41:
0x3b3: {  	_ = 	snop;
	(pc) =	sbr.rel @p0 .LBB2_58-.Ltmp41, $4  }
0x3b4: {  	_ = 	snop  }
0x3b5: {  	[sflag:s29] =	ssyncset.done $0x0  }
0x3b6: {  	[sflag:s29] =	ssyncadd.s32 $0xFFFFC000  }
0x3b7: {  	_ = 	snop  }
.LBB2_34:
.Ltmp42:
0x3b8: {  	(pc) =	sbr.rel .LBB2_38-.Ltmp42, $2  }
0x3b9: {  	_ =	sdelay $0x2  }
0x3ba: {  	s12 =	simm.s32 $0x420  }
.LBB2_39:
.Ltmp43:
0x3bb: {  	(pc) =	sbr.rel .LBB2_43-.Ltmp43, $2  }
0x3bc: {  	_ =	sdelay $0x2  }
0x3bd: {  	s0 =	simm.s32 $0x430  }
.LBB2_48:
.Ltmp44:
0x3be: {  	(pc) =	sbr.rel .LBB2_52-.Ltmp44, $2  }
0x3bf: {  	_ =	sdelay $0x2  }
0x3c0: {  	s12 =	simm.s32 $0x8420  }
.LBB2_53:
.Ltmp45:
0x3c1: {  	(pc) =	sbr.rel .LBB2_57-.Ltmp45, $2  }
0x3c2: {  	_ =	sdelay $0x2  }
0x3c3: {  	s0 =	simm.s32 $0x8430;
	s9 =	rddreg [dreg:$0xa]  }
.LBB2_36:
.Ltmp46:
0x3c4: {  	(pc) =	sbr.rel .LBB2_38-.Ltmp46, $2  }
0x3c5: {  	_ =	sdelay $0x2  }
0x3c6: {  	s12 =	simm.s32 $0x420  }
.LBB2_41:
.Ltmp47:
0x3c7: {  	(pc) =	sbr.rel .LBB2_43-.Ltmp47, $2  }
0x3c8: {  	_ =	sdelay $0x2  }
0x3c9: {  	s0 =	simm.s32 $0x430  }
.LBB2_50:
.Ltmp48:
0x3ca: {  	(pc) =	sbr.rel .LBB2_52-.Ltmp48, $2  }
0x3cb: {  	_ =	sdelay $0x2  }
0x3cc: {  	s12 =	simm.s32 $0x8420  }
.LBB2_55:
.Ltmp49:
0x3cd: {  	(pc) =	sbr.rel .LBB2_57-.Ltmp49, $2  }
0x3ce: {  	_ =	sdelay $0x2  }
0x3cf: {  	s0 =	simm.s32 $0x8430  }
.LBB2_58:
0x3d0: {  	_ =	sfence.sel $0x180000  }
0x3d1: {  	[bflag:$0x0] =	sbarrier.arrive $0xFFFF  }
0x3d2: {  	_ =	strace $0x90000047  }
0x3d3: {  	s0 =	stileid.u32;
	[bflag:$0x2] =	sbarrier.arrive $0xFFFF  }
0x3d4: {  	p0 =	sne.s32 s0, $0x0;
	s0 =	rddreg [dreg:$0x2]  }
0x3d5: {  	s0 =	sadd.s32 @!p0 $0x100000, s0  }
0x3d6: {  	[sflag:s0] =	ssyncadd.tile.s32 @!p0 $0x1;
	_ =	shalt  }
.Lfunc_end2:
_tile_overlayer_lowered:
.L_overlay_start_2:
0x3d7: {  	(tag) =	ssettag $0x2  }
0x3d8: {  	s0 =	rddreg [dreg:$0x0];
	s2 =	stileid.u32  }
0x3d9: {  	s1 =	rddreg [dreg:$0x1];
	p0 =	sne.s32 s2, $0x0  }
0x3da: {  	s3 =	rddreg [dreg:$0x2];
	[bflag:$0x3] =	sbarrier.arrive $0xFFFF;
	s2 =	simm.s32 @!p0 $0x1C04  }
0x3db: {  	[timem:s3], [sflag:s2] =	dma.local @!p0 [hbm:s0], s1  }
0x3dc: {  	s0 =	simm.s32 @!p0 $0x4  }
0x3dd: {  	_ =	swait.ge @!p0 [sflag:s0], s1  }
0x3de: {  	s1 =	ssub.s32 @!p0 $0x0, s1;
	[sflag:s0] =	ssyncset.done @!p0 $0x0  }
0x3df: {  	[sflag:s0] =	ssyncadd.s32 @!p0 s1  }
0x3e0: {  	[bflag:$0x3] =	sbarrier.arrive $0xFFFF  }
0x3e1: {  	_ =	shalt  }

</sc_bundles>
